<compile_context>
chip_gen: v7x
topology: tpu7x:2x2x1
jax: 0.10.2.dev20260603
libtpu: 0.0.44.dev20260713+nightly
codegen_flags: <defaults>
</compile_context>

<pallas_src>
import jax
import jax.numpy as jnp
from jax import lax
from jax.experimental import pallas as pl
from jax.experimental.pallas import tpu as pltpu
from jax.experimental.pallas import tpu_sc as plsc

EMBEDDING_DIM = 32
NUM_CORES = 2
NUM_SUBCORES = 16
NUM_WORKERS = NUM_CORES * NUM_SUBCORES

V = 1_000_000
D = EMBEDDING_DIM
VBLK = 128
NFULL = V // VBLK
TAIL = V - NFULL * VBLK
PACKROWS = V * D // 128

CHUNK = 1600
NBUF = 2


def _wid():
    return lax.axis_index("s") * NUM_CORES + lax.axis_index("c")


def _wpack_body(wt_hbm, wpack_hbm, band_v, tr_v, band_t, tr_t,
                sem_i0, sem_i1, sem_o0, sem_o1):
    wid = _wid()
    nblk = (NFULL - wid + NUM_WORKERS - 1) // NUM_WORKERS
    iota16 = lax.iota(jnp.int32, 16)
    base32 = [(iota16 + j0 * 16) * D for j0 in range(8)]
    sem_i = (sem_i0, sem_i1)
    sem_o = (sem_o0, sem_o1)

    def start_in(vb, bb):
        pltpu.make_async_copy(
            wt_hbm.at[:, pl.ds(vb * VBLK, VBLK)], band_v.at[bb], sem_i[bb]
        ).start()

    def wait_in(bb):
        pltpu.make_async_copy(
            wt_hbm.at[:, pl.ds(0, VBLK)], band_v.at[bb], sem_i[bb]
        ).wait()

    def start_out(vb, bb):
        pltpu.make_async_copy(
            tr_v.at[bb], wpack_hbm.at[pl.ds(vb * (VBLK * D // 128), VBLK * D // 128)],
            sem_o[bb],
        ).start()

    def wait_out(bb):
        pltpu.make_async_copy(
            tr_v.at[bb], wpack_hbm.at[pl.ds(0, VBLK * D // 128)], sem_o[bb]
        ).wait()

    def transpose_block(bb):
        def dbody(d, carry):
            for j0 in range(8):
                vec = band_v[bb, d, pl.ds(j0 * 16, 16)]
                flat = base32[j0] + d
                plsc.store_scatter(
                    tr_v.at[bb],
                    [lax.shift_right_logical(flat, 7),
                     lax.bitwise_and(flat, 127)],
                    vec)
            return carry
        lax.fori_loop(0, D, dbody, 0, unroll=2)

    start_in(wid, 0)
    start_in(wid + NUM_WORKERS, 1)
    for bb in range(2):
        wait_in(bb)
        transpose_block(bb)
        start_out(wid + bb * NUM_WORKERS, bb)
        start_in(wid + (bb + 2) * NUM_WORKERS, bb)

    def group(g, carry):
        for bb in range(2):
            k = 2 + g * 2 + bb
            vb = wid + k * NUM_WORKERS

            @pl.when(k < nblk)
            def _():
                wait_in(bb)
                wait_out(bb)
                transpose_block(bb)
                start_out(vb, bb)

            @pl.when(k + 2 < nblk)
            def _():
                pltpu.make_async_copy(
                    wt_hbm.at[:, pl.ds((vb + 2 * NUM_WORKERS) * VBLK, VBLK)],
                    band_v.at[bb], sem_i[bb],
                ).start()
        return carry

    ngroups = (245 - 2 + 1) // 2
    lax.fori_loop(0, ngroups, group, 0, unroll=False)
    for bb in range(2):
        wait_out(bb)

    @pl.when(wid == NUM_WORKERS - 1)
    def _():
        pltpu.sync_copy(wt_hbm.at[:, pl.ds(NFULL * VBLK, TAIL)], band_t)

        def dbody(d, carry):
            for j0 in range(TAIL // 16):
                vec = band_t[d, pl.ds(j0 * 16, 16)]
                flat = base32[j0] + d
                plsc.store_scatter(
                    tr_t,
                    [lax.shift_right_logical(flat, 7),
                     lax.bitwise_and(flat, 127)],
                    vec)
            return carry
        lax.fori_loop(0, D, dbody, 0, unroll=2)
        pltpu.sync_copy(
            tr_t, wpack_hbm.at[pl.ds(NFULL * (VBLK * D // 128), TAIL * D // 128)])


def _emb_body(idx_hbm, table_hbm, out_hbm,
              idx_v, rows_v, sem_i0, sem_i1, sem_g0, sem_g1, sem_s0, sem_s1):
    wid = _wid()
    n_per_w = idx_hbm.shape[0] // NUM_WORKERS
    nchunks = n_per_w // CHUNK
    base = wid * n_per_w

    sem_i = (sem_i0, sem_i1)
    sem_g = (sem_g0, sem_g1)
    sem_s = (sem_s0, sem_s1)

    def start_idx(g, b):
        pltpu.make_async_copy(
            idx_hbm.at[pl.ds(base + g * CHUNK, CHUNK)], idx_v.at[b], sem_i[b]
        ).start()

    def wait_idx(b):
        pltpu.make_async_copy(
            idx_hbm.at[pl.ds(base, CHUNK)], idx_v.at[b], sem_i[b]
        ).wait()

    def start_gather(b):
        pltpu.make_async_copy(
            table_hbm.at[idx_v.at[b]], rows_v.at[b], sem_g[b]
        ).start()

    def wait_gather(b):
        pltpu.make_async_copy(
            table_hbm.at[idx_v.at[b]], rows_v.at[b], sem_g[b]
        ).wait()

    def start_store(g, b):
        pltpu.make_async_copy(
            rows_v.at[b], out_hbm.at[pl.ds(base + g * CHUNK, CHUNK)], sem_s[b]
        ).start()

    def wait_store(b):
        pltpu.make_async_copy(
            rows_v.at[b], out_hbm.at[pl.ds(base, CHUNK)], sem_s[b]
        ).wait()

    start_idx(0, 0)
    start_idx(1, 1)
    for b in range(NBUF):
        wait_idx(b)
        start_gather(b)
        wait_gather(b)
        start_store(b, b)
        start_idx(b + NBUF, b)

    def group_body(gr, carry):
        for b in range(NBUF):
            g = NBUF + gr * NBUF + b
            wait_idx(b)
            wait_store(b)
            start_gather(b)
            wait_gather(b)
            start_store(g, b)
            start_idx(g + NBUF, b)
        return carry

    ngroups = (nchunks - 2 * NBUF) // NBUF
    lax.fori_loop(0, ngroups, group_body, 0, unroll=False)

    for b in range(NBUF):
        g = nchunks - NBUF + b
        wait_idx(b)
        wait_store(b)
        start_gather(b)
        wait_gather(b)
        start_store(g, b)
    for b in range(NBUF):
        wait_store(b)


T = 200
B = 16384


def _relayout_body(g2_hbm, out_hbm, src_v, tile_v,
                   sem_i0, sem_i1, sem_o0, sem_o1):
    wid = _wid()
    iota16 = lax.iota(jnp.int32, 16)
    base32 = [(iota16 + j0 * 16) * D for j0 in range(8)]
    sem_i = (sem_i0, sem_i1)
    sem_o = (sem_o0, sem_o1)
    NUunits = (T * (B // 128)) // NUM_WORKERS
    u0 = wid * NUunits

    def src_row(u):
        return (u // 128) * (B * D // 128) + lax.rem(u, 128) * (128 * D // 128)

    def start_in(u, bb):
        pltpu.make_async_copy(
            g2_hbm.at[pl.ds(src_row(u), 128 * D // 128)], src_v.at[bb], sem_i[bb]
        ).start()

    def wait_in(bb):
        pltpu.make_async_copy(
            g2_hbm.at[pl.ds(0, 128 * D // 128)], src_v.at[bb], sem_i[bb]
        ).wait()

    def start_out(u, bb):
        pltpu.make_async_copy(
            tile_v.at[bb],
            out_hbm.at[u // 128, :, pl.ds(lax.rem(u, 128) * 128, 128)],
            sem_o[bb],
        ).start()

    def wait_out(bb):
        pltpu.make_async_copy(
            tile_v.at[bb], out_hbm.at[0, :, pl.ds(0, 128)], sem_o[bb]
        ).wait()

    def transpose_unit(bb):
        def dbody(d, carry):
            for j0 in range(8):
                flat = base32[j0] + d
                vec = plsc.load_gather(
                    src_v.at[bb],
                    [lax.shift_right_logical(flat, 7),
                     lax.bitwise_and(flat, 127)])
                tile_v[bb, d, pl.ds(j0 * 16, 16)] = vec
            return carry
        lax.fori_loop(0, D, dbody, 0, unroll=2)

    start_in(u0, 0)
    start_in(u0 + 1, 1)
    for bb in range(2):
        wait_in(bb)
        transpose_unit(bb)
        start_out(u0 + bb, bb)
        start_in(u0 + bb + 2, bb)

    def pairs(p, carry):
        for bb in range(2):
            k = 2 + 2 * p + bb
            u = u0 + k
            wait_in(bb)
            wait_out(bb)
            transpose_unit(bb)
            start_out(u, bb)

            @pl.when(k + 2 < NUunits)
            def _():
                start_in(u + 2, bb)
        return carry

    lax.fori_loop(0, (NUunits - 2) // 2, pairs, 0, unroll=False)
    for bb in range(2):
        wait_out(bb)


def kernel(token_ids, W):
    Bsz, H = token_ids.shape
    flat = jnp.swapaxes(token_ids, 0, 1).reshape(-1).astype(jnp.int32)
    n = flat.shape[0]
    mesh = plsc.VectorSubcoreMesh(core_axis_name="c", subcore_axis_name="s")

    g2 = pl.kernel(
        _emb_body,
        mesh=mesh,
        compiler_params=pltpu.CompilerParams(use_tc_tiling_on_sc=False),
        out_type=jax.ShapeDtypeStruct((n, EMBEDDING_DIM), jnp.float32),
        scratch_types=[
            pltpu.VMEM((NBUF, CHUNK), jnp.int32),
            pltpu.VMEM((NBUF, CHUNK, EMBEDDING_DIM), jnp.float32),
            pltpu.SemaphoreType.DMA,
            pltpu.SemaphoreType.DMA,
            pltpu.SemaphoreType.DMA,
            pltpu.SemaphoreType.DMA,
            pltpu.SemaphoreType.DMA,
            pltpu.SemaphoreType.DMA,
        ],
    )(flat, W)

    g2p = g2.reshape(n * D // 128, 128)

    out = pl.kernel(
        _relayout_body,
        mesh=mesh,
        compiler_params=pltpu.CompilerParams(
            use_tc_tiling_on_sc=True, needs_layout_passes=False),
        out_type=jax.ShapeDtypeStruct((T, D, B), jnp.float32),
        scratch_types=[
            pltpu.VMEM((2, 128 * D // 128, 128), jnp.float32),
            pltpu.VMEM((2, D, 128), jnp.float32),
            pltpu.SemaphoreType.DMA,
            pltpu.SemaphoreType.DMA,
            pltpu.SemaphoreType.DMA,
            pltpu.SemaphoreType.DMA,
        ],
    )(g2p)

    return jnp.transpose(out, (2, 0, 1))

# --- scband reference (transcript-rebuilt; emitter-appended) ---
"""Pipeline reference for scband-embedding-28011776705088 (READ-ONLY COPY).

The authoritative reference and input builder live on the scoring server;
editing this copy changes nothing except your own understanding.
"""

import jax, jax.numpy as jnp
import numpy as np

NUM_EMBEDDINGS = 1000000
EMBEDDING_DIM = 32
BATCH = 16384
HIST = 200

def setup_inputs(seed: int = 0) -> dict:
    key = jax.random.key(seed)
    k_idx, k_w = jax.random.split(key)
    token_ids = jax.random.randint(k_idx, (BATCH, HIST), 0, NUM_EMBEDDINGS, dtype=jnp.int64 if jax.config.jax_enable_x64 else jnp.int32)
    # trunc_normal(mean=0, std=1, a=-3, b=3)
    W = jax.random.truncated_normal(k_w, -3.0, 3.0, (NUM_EMBEDDINGS, EMBEDDING_DIM), dtype=jnp.float32)
    return {"token_ids": token_ids, "W": W}

def reference(token_ids, W):
    # Embedding lookup: W[token_ids]
    return jnp.take(W, token_ids, axis=0)

if __name__ == "__main__":
    import jax
    _d = setup_inputs()
    print(jax.jit(kernel)(*tuple(_d.values())))

</pallas_src>

<mosaic_0001>
#map = affine_map<(d0, d1) -> (0)>
#map1 = affine_map<(d0, d1) -> (0, 0)>
module attributes {stable_mosaic.version = 14 : i64} {
  func.func @_emb_body(%arg0: i32, %arg1: i32, %arg2: memref<3276800xi32, #tpu.memory_space<hbm>>, %arg3: memref<1000000x32xf32, #tpu.memory_space<hbm>>, %arg4: memref<3276800x32xf32, #tpu.memory_space<hbm>>, %arg5: memref<2x1600xi32, #tpu.memory_space<vmem>>, %arg6: memref<2x1600x32xf32, #tpu.memory_space<vmem>>, %arg7: memref<!tpu.dma_semaphore, #tpu.memory_space<semaphore_mem>>, %arg8: memref<!tpu.dma_semaphore, #tpu.memory_space<semaphore_mem>>, %arg9: memref<!tpu.dma_semaphore, #tpu.memory_space<semaphore_mem>>, %arg10: memref<!tpu.dma_semaphore, #tpu.memory_space<semaphore_mem>>, %arg11: memref<!tpu.dma_semaphore, #tpu.memory_space<semaphore_mem>>, %arg12: memref<!tpu.dma_semaphore, #tpu.memory_space<semaphore_mem>>) attributes {dimension_semantics = [#tpu.dimension_semantics<core_parallel>, #tpu.dimension_semantics<subcore_parallel>], iteration_bounds = array<i64: 2, 16>, scalar_prefetch = 0 : i64, scratch_operands = 8 : i64, tpu.core_type = #tpu.core_type<sc_vector_subcore>, window_params = [{transform_indices = #map}, {transform_indices = #map1}, {transform_indices = #map1}]} {
    %mul3A = arith.constant 2 : i32
    %mul3A_0 = arith.muli %arg1, %mul3A : i32
    %add3A = arith.addi %mul3A_0, %arg0 : i32
    %mul3A_1 = arith.constant 102400 : i32
    %mul3A_2 = arith.muli %add3A, %mul3A_1 : i32
    %add3A_3 = arith.constant 0 : i32
    %add3A_4 = arith.addi %mul3A_2, %add3A_3 : i32
    %dma_start3A = arith.constant 0 : i32
    %dma_start3A_5 = arith.constant 0 : i32
    %dma_start3A_6 = tpu.memref_slice %arg5[%dma_start3A, %dma_start3A_5] : memref<2x1600xi32, #tpu.memory_space<vmem>> -> memref<1x1600xi32, #tpu.memory_space<vmem>>
    %dma_start3A_7 = tpu.memref_squeeze %dma_start3A_6 : memref<1x1600xi32, #tpu.memory_space<vmem>> -> memref<1600xi32, #tpu.memory_space<vmem>>
    %dma_start3A_8 = tpu.memref_slice %arg2[%add3A_4] : memref<3276800xi32, #tpu.memory_space<hbm>> -> memref<1600xi32, #tpu.memory_space<hbm>>
    %dma_start3A_9 = arith.constant 0 : i32
    %dma_start3A_10 = tpu.memref_slice %arg5[%dma_start3A, %dma_start3A_9] : memref<2x1600xi32, #tpu.memory_space<vmem>> -> memref<1x1600xi32, #tpu.memory_space<vmem>>
    %dma_start3A_11 = tpu.memref_squeeze %dma_start3A_10 : memref<1x1600xi32, #tpu.memory_space<vmem>> -> memref<1600xi32, #tpu.memory_space<vmem>>
    %dma_start3A_12 = tpu.memref_slice %arg2[%add3A_4] : memref<3276800xi32, #tpu.memory_space<hbm>> -> memref<1600xi32, #tpu.memory_space<hbm>>
    tpu.enqueue_dma source(%dma_start3A_12 : memref<1600xi32, #tpu.memory_space<hbm>>) target(%dma_start3A_11 : memref<1600xi32, #tpu.memory_space<vmem>>) target_semaphore(%arg7 : memref<!tpu.dma_semaphore, #tpu.memory_space<semaphore_mem>>)
    %add3A_13 = arith.constant 1600 : i32
    %add3A_14 = arith.addi %mul3A_2, %add3A_13 : i32
    %dma_start3A_15 = arith.constant 1 : i32
    %dma_start3A_16 = arith.constant 0 : i32
    %dma_start3A_17 = tpu.memref_slice %arg5[%dma_start3A_15, %dma_start3A_16] : memref<2x1600xi32, #tpu.memory_space<vmem>> -> memref<1x1600xi32, #tpu.memory_space<vmem>>
    %dma_start3A_18 = tpu.memref_squeeze %dma_start3A_17 : memref<1x1600xi32, #tpu.memory_space<vmem>> -> memref<1600xi32, #tpu.memory_space<vmem>>
    %dma_start3A_19 = tpu.memref_slice %arg2[%add3A_14] : memref<3276800xi32, #tpu.memory_space<hbm>> -> memref<1600xi32, #tpu.memory_space<hbm>>
    %dma_start3A_20 = arith.constant 0 : i32
    %dma_start3A_21 = tpu.memref_slice %arg5[%dma_start3A_15, %dma_start3A_20] : memref<2x1600xi32, #tpu.memory_space<vmem>> -> memref<1x1600xi32, #tpu.memory_space<vmem>>
    %dma_start3A_22 = tpu.memref_squeeze %dma_start3A_21 : memref<1x1600xi32, #tpu.memory_space<vmem>> -> memref<1600xi32, #tpu.memory_space<vmem>>
    %dma_start3A_23 = tpu.memref_slice %arg2[%add3A_14] : memref<3276800xi32, #tpu.memory_space<hbm>> -> memref<1600xi32, #tpu.memory_space<hbm>>
    tpu.enqueue_dma source(%dma_start3A_23 : memref<1600xi32, #tpu.memory_space<hbm>>) target(%dma_start3A_22 : memref<1600xi32, #tpu.memory_space<vmem>>) target_semaphore(%arg8 : memref<!tpu.dma_semaphore, #tpu.memory_space<semaphore_mem>>)
    %dma_wait3A = arith.constant 0 : i32
    %dma_wait3A_24 = arith.constant 0 : i32
    %dma_wait3A_25 = tpu.memref_slice %arg5[%dma_wait3A, %dma_wait3A_24] : memref<2x1600xi32, #tpu.memory_space<vmem>> -> memref<1x1600xi32, #tpu.memory_space<vmem>>
    %dma_wait3A_26 = tpu.memref_squeeze %dma_wait3A_25 : memref<1x1600xi32, #tpu.memory_space<vmem>> -> memref<1600xi32, #tpu.memory_space<vmem>>
    %dma_wait3A_27 = tpu.memref_slice %arg2[%mul3A_2] : memref<3276800xi32, #tpu.memory_space<hbm>> -> memref<1600xi32, #tpu.memory_space<hbm>>
    %dma_wait3A_28 = arith.constant 0 : i32
    %dma_wait3A_29 = tpu.memref_slice %arg5[%dma_wait3A, %dma_wait3A_28] : memref<2x1600xi32, #tpu.memory_space<vmem>> -> memref<1x1600xi32, #tpu.memory_space<vmem>>
    %dma_wait3A_30 = tpu.memref_squeeze %dma_wait3A_29 : memref<1x1600xi32, #tpu.memory_space<vmem>> -> memref<1600xi32, #tpu.memory_space<vmem>>
    %dma_wait3A_31 = tpu.memref_slice %arg2[%mul3A_2] : memref<3276800xi32, #tpu.memory_space<hbm>> -> memref<1600xi32, #tpu.memory_space<hbm>>
    tpu.wait_dma2 semaphore(%arg7 : memref<!tpu.dma_semaphore, #tpu.memory_space<semaphore_mem>>) src(%dma_wait3A_31 : memref<1600xi32, #tpu.memory_space<hbm>>) dst(%dma_wait3A_30 : memref<1600xi32, #tpu.memory_space<vmem>>)
    %dma_start3A_32 = arith.constant 0 : i32
    %dma_start3A_33 = arith.constant 0 : i32
    %dma_start3A_34 = arith.constant 0 : i32
    %dma_start3A_35 = arith.constant 0 : i32
    %dma_start3A_36 = tpu.memref_slice %arg6[%dma_start3A_33, %dma_start3A_34, %dma_start3A_35] : memref<2x1600x32xf32, #tpu.memory_space<vmem>> -> memref<1x1600x32xf32, #tpu.memory_space<vmem>>
    %dma_start3A_37 = tpu.memref_squeeze %dma_start3A_36 : memref<1x1600x32xf32, #tpu.memory_space<vmem>> -> memref<1600x32xf32, #tpu.memory_space<vmem>>
    %dma_start3A_38 = arith.constant 0 : i32
    %dma_start3A_39 = tpu.memref_slice %arg5[%dma_start3A_32, %dma_start3A_38] : memref<2x1600xi32, #tpu.memory_space<vmem>> -> memref<1x1600xi32, #tpu.memory_space<vmem>>
    %dma_start3A_40 = tpu.memref_squeeze %dma_start3A_39 : memref<1x1600xi32, #tpu.memory_space<vmem>> -> memref<1600xi32, #tpu.memory_space<vmem>>
    %dma_start3A_41 = arith.constant 0 : i32
    %dma_start3A_42 = arith.constant 0 : i32
    %dma_start3A_43 = tpu.memref_slice %arg3[%dma_start3A_41, %dma_start3A_42] : memref<1000000x32xf32, #tpu.memory_space<hbm>> -> memref<1000000x32xf32, #tpu.memory_space<hbm>>
    tpu.enqueue_indirect_dma source(%dma_start3A_43 : memref<1000000x32xf32, #tpu.memory_space<hbm>>) target(%dma_start3A_37 : memref<1600x32xf32, #tpu.memory_space<vmem>>) offsets(%dma_start3A_40 : memref<1600xi32, #tpu.memory_space<vmem>>) semaphore(%arg9 : memref<!tpu.dma_semaphore, #tpu.memory_space<semaphore_mem>>)
    %dma_wait3A_44 = arith.constant 0 : i32
    %dma_wait3A_45 = arith.constant 0 : i32
    %dma_wait3A_46 = arith.constant 0 : i32
    %dma_wait3A_47 = arith.constant 0 : i32
    %dma_wait3A_48 = tpu.memref_slice %arg6[%dma_wait3A_45, %dma_wait3A_46, %dma_wait3A_47] : memref<2x1600x32xf32, #tpu.memory_space<vmem>> -> memref<1x1600x32xf32, #tpu.memory_space<vmem>>
    %dma_wait3A_49 = tpu.memref_squeeze %dma_wait3A_48 : memref<1x1600x32xf32, #tpu.memory_space<vmem>> -> memref<1600x32xf32, #tpu.memory_space<vmem>>
    %dma_wait3A_50 = arith.constant 0 : i32
    %dma_wait3A_51 = tpu.memref_slice %arg5[%dma_wait3A_44, %dma_wait3A_50] : memref<2x1600xi32, #tpu.memory_space<vmem>> -> memref<1x1600xi32, #tpu.memory_space<vmem>>
    %dma_wait3A_52 = tpu.memref_squeeze %dma_wait3A_51 : memref<1x1600xi32, #tpu.memory_space<vmem>> -> memref<1600xi32, #tpu.memory_space<vmem>>
    %dma_wait3A_53 = arith.constant 0 : i32
    %dma_wait3A_54 = arith.constant 0 : i32
    %dma_wait3A_55 = tpu.memref_slice %arg3[%dma_wait3A_53, %dma_wait3A_54] : memref<1000000x32xf32, #tpu.memory_space<hbm>> -> memref<1000000x32xf32, #tpu.memory_space<hbm>>
    tpu.wait_indirect_dma semaphore(%arg9 : memref<!tpu.dma_semaphore, #tpu.memory_space<semaphore_mem>>) src(%dma_wait3A_55 : memref<1000000x32xf32, #tpu.memory_space<hbm>>) dst(%dma_wait3A_49 : memref<1600x32xf32, #tpu.memory_space<vmem>>)
    %add3A_56 = arith.constant 0 : i32
    %add3A_57 = arith.addi %mul3A_2, %add3A_56 : i32
    %dma_start3A_58 = arith.constant 0 : i32
    %dma_start3A_59 = arith.constant 0 : i32
    %dma_start3A_60 = arith.constant 0 : i32
    %dma_start3A_61 = tpu.memref_slice %arg6[%dma_start3A_58, %dma_start3A_59, %dma_start3A_60] : memref<2x1600x32xf32, #tpu.memory_space<vmem>> -> memref<1x1600x32xf32, #tpu.memory_space<vmem>>
    %dma_start3A_62 = tpu.memref_squeeze %dma_start3A_61 : memref<1x1600x32xf32, #tpu.memory_space<vmem>> -> memref<1600x32xf32, #tpu.memory_space<vmem>>
    %dma_start3A_63 = arith.constant 0 : i32
    %dma_start3A_64 = tpu.memref_slice %arg4[%add3A_57, %dma_start3A_63] : memref<3276800x32xf32, #tpu.memory_space<hbm>> -> memref<1600x32xf32, #tpu.memory_space<hbm>>
    %dma_start3A_65 = arith.constant 0 : i32
    %dma_start3A_66 = tpu.memref_slice %arg4[%add3A_57, %dma_start3A_65] : memref<3276800x32xf32, #tpu.memory_space<hbm>> -> memref<1600x32xf32, #tpu.memory_space<hbm>>
    %dma_start3A_67 = arith.constant 0 : i32
    %dma_start3A_68 = arith.constant 0 : i32
    %dma_start3A_69 = tpu.memref_slice %arg6[%dma_start3A_58, %dma_start3A_67, %dma_start3A_68] : memref<2x1600x32xf32, #tpu.memory_space<vmem>> -> memref<1x1600x32xf32, #tpu.memory_space<vmem>>
    %dma_start3A_70 = tpu.memref_squeeze %dma_start3A_69 : memref<1x1600x32xf32, #tpu.memory_space<vmem>> -> memref<1600x32xf32, #tpu.memory_space<vmem>>
    tpu.enqueue_dma source(%dma_start3A_70 : memref<1600x32xf32, #tpu.memory_space<vmem>>) target(%dma_start3A_66 : memref<1600x32xf32, #tpu.memory_space<hbm>>) target_semaphore(%arg11 : memref<!tpu.dma_semaphore, #tpu.memory_space<semaphore_mem>>)
    %add3A_71 = arith.constant 3200 : i32
    %add3A_72 = arith.addi %mul3A_2, %add3A_71 : i32
    %dma_start3A_73 = arith.constant 0 : i32
    %dma_start3A_74 = arith.constant 0 : i32
    %dma_start3A_75 = tpu.memref_slice %arg5[%dma_start3A_73, %dma_start3A_74] : memref<2x1600xi32, #tpu.memory_space<vmem>> -> memref<1x1600xi32, #tpu.memory_space<vmem>>
    %dma_start3A_76 = tpu.memref_squeeze %dma_start3A_75 : memref<1x1600xi32, #tpu.memory_space<vmem>> -> memref<1600xi32, #tpu.memory_space<vmem>>
    %dma_start3A_77 = tpu.memref_slice %arg2[%add3A_72] : memref<3276800xi32, #tpu.memory_space<hbm>> -> memref<1600xi32, #tpu.memory_space<hbm>>
    %dma_start3A_78 = arith.constant 0 : i32
    %dma_start3A_79 = tpu.memref_slice %arg5[%dma_start3A_73, %dma_start3A_78] : memref<2x1600xi32, #tpu.memory_space<vmem>> -> memref<1x1600xi32, #tpu.memory_space<vmem>>
    %dma_start3A_80 = tpu.memref_squeeze %dma_start3A_79 : memref<1x1600xi32, #tpu.memory_space<vmem>> -> memref<1600xi32, #tpu.memory_space<vmem>>
    %dma_start3A_81 = tpu.memref_slice %arg2[%add3A_72] : memref<3276800xi32, #tpu.memory_space<hbm>> -> memref<1600xi32, #tpu.memory_space<hbm>>
    tpu.enqueue_dma source(%dma_start3A_81 : memref<1600xi32, #tpu.memory_space<hbm>>) target(%dma_start3A_80 : memref<1600xi32, #tpu.memory_space<vmem>>) target_semaphore(%arg7 : memref<!tpu.dma_semaphore, #tpu.memory_space<semaphore_mem>>)
    %dma_wait3A_82 = arith.constant 1 : i32
    %dma_wait3A_83 = arith.constant 0 : i32
    %dma_wait3A_84 = tpu.memref_slice %arg5[%dma_wait3A_82, %dma_wait3A_83] : memref<2x1600xi32, #tpu.memory_space<vmem>> -> memref<1x1600xi32, #tpu.memory_space<vmem>>
    %dma_wait3A_85 = tpu.memref_squeeze %dma_wait3A_84 : memref<1x1600xi32, #tpu.memory_space<vmem>> -> memref<1600xi32, #tpu.memory_space<vmem>>
    %dma_wait3A_86 = tpu.memref_slice %arg2[%mul3A_2] : memref<3276800xi32, #tpu.memory_space<hbm>> -> memref<1600xi32, #tpu.memory_space<hbm>>
    %dma_wait3A_87 = arith.constant 0 : i32
    %dma_wait3A_88 = tpu.memref_slice %arg5[%dma_wait3A_82, %dma_wait3A_87] : memref<2x1600xi32, #tpu.memory_space<vmem>> -> memref<1x1600xi32, #tpu.memory_space<vmem>>
    %dma_wait3A_89 = tpu.memref_squeeze %dma_wait3A_88 : memref<1x1600xi32, #tpu.memory_space<vmem>> -> memref<1600xi32, #tpu.memory_space<vmem>>
    %dma_wait3A_90 = tpu.memref_slice %arg2[%mul3A_2] : memref<3276800xi32, #tpu.memory_space<hbm>> -> memref<1600xi32, #tpu.memory_space<hbm>>
    tpu.wait_dma2 semaphore(%arg8 : memref<!tpu.dma_semaphore, #tpu.memory_space<semaphore_mem>>) src(%dma_wait3A_90 : memref<1600xi32, #tpu.memory_space<hbm>>) dst(%dma_wait3A_89 : memref<1600xi32, #tpu.memory_space<vmem>>)
    %dma_start3A_91 = arith.constant 1 : i32
    %dma_start3A_92 = arith.constant 1 : i32
    %dma_start3A_93 = arith.constant 0 : i32
    %dma_start3A_94 = arith.constant 0 : i32
    %dma_start3A_95 = tpu.memref_slice %arg6[%dma_start3A_92, %dma_start3A_93, %dma_start3A_94] : memref<2x1600x32xf32, #tpu.memory_space<vmem>> -> memref<1x1600x32xf32, #tpu.memory_space<vmem>>
    %dma_start3A_96 = tpu.memref_squeeze %dma_start3A_95 : memref<1x1600x32xf32, #tpu.memory_space<vmem>> -> memref<1600x32xf32, #tpu.memory_space<vmem>>
    %dma_start3A_97 = arith.constant 0 : i32
    %dma_start3A_98 = tpu.memref_slice %arg5[%dma_start3A_91, %dma_start3A_97] : memref<2x1600xi32, #tpu.memory_space<vmem>> -> memref<1x1600xi32, #tpu.memory_space<vmem>>
    %dma_start3A_99 = tpu.memref_squeeze %dma_start3A_98 : memref<1x1600xi32, #tpu.memory_space<vmem>> -> memref<1600xi32, #tpu.memory_space<vmem>>
    %dma_start3A_100 = arith.constant 0 : i32
    %dma_start3A_101 = arith.constant 0 : i32
    %dma_start3A_102 = tpu.memref_slice %arg3[%dma_start3A_100, %dma_start3A_101] : memref<1000000x32xf32, #tpu.memory_space<hbm>> -> memref<1000000x32xf32, #tpu.memory_space<hbm>>
    tpu.enqueue_indirect_dma source(%dma_start3A_102 : memref<1000000x32xf32, #tpu.memory_space<hbm>>) target(%dma_start3A_96 : memref<1600x32xf32, #tpu.memory_space<vmem>>) offsets(%dma_start3A_99 : memref<1600xi32, #tpu.memory_space<vmem>>) semaphore(%arg10 : memref<!tpu.dma_semaphore, #tpu.memory_space<semaphore_mem>>)
    %dma_wait3A_103 = arith.constant 1 : i32
    %dma_wait3A_104 = arith.constant 1 : i32
    %dma_wait3A_105 = arith.constant 0 : i32
    %dma_wait3A_106 = arith.constant 0 : i32
    %dma_wait3A_107 = tpu.memref_slice %arg6[%dma_wait3A_104, %dma_wait3A_105, %dma_wait3A_106] : memref<2x1600x32xf32, #tpu.memory_space<vmem>> -> memref<1x1600x32xf32, #tpu.memory_space<vmem>>
    %dma_wait3A_108 = tpu.memref_squeeze %dma_wait3A_107 : memref<1x1600x32xf32, #tpu.memory_space<vmem>> -> memref<1600x32xf32, #tpu.memory_space<vmem>>
    %dma_wait3A_109 = arith.constant 0 : i32
    %dma_wait3A_110 = tpu.memref_slice %arg5[%dma_wait3A_103, %dma_wait3A_109] : memref<2x1600xi32, #tpu.memory_space<vmem>> -> memref<1x1600xi32, #tpu.memory_space<vmem>>
    %dma_wait3A_111 = tpu.memref_squeeze %dma_wait3A_110 : memref<1x1600xi32, #tpu.memory_space<vmem>> -> memref<1600xi32, #tpu.memory_space<vmem>>
    %dma_wait3A_112 = arith.constant 0 : i32
    %dma_wait3A_113 = arith.constant 0 : i32
    %dma_wait3A_114 = tpu.memref_slice %arg3[%dma_wait3A_112, %dma_wait3A_113] : memref<1000000x32xf32, #tpu.memory_space<hbm>> -> memref<1000000x32xf32, #tpu.memory_space<hbm>>
    tpu.wait_indirect_dma semaphore(%arg10 : memref<!tpu.dma_semaphore, #tpu.memory_space<semaphore_mem>>) src(%dma_wait3A_114 : memref<1000000x32xf32, #tpu.memory_space<hbm>>) dst(%dma_wait3A_108 : memref<1600x32xf32, #tpu.memory_space<vmem>>)
    %add3A_115 = arith.constant 1600 : i32
    %add3A_116 = arith.addi %mul3A_2, %add3A_115 : i32
    %dma_start3A_117 = arith.constant 1 : i32
    %dma_start3A_118 = arith.constant 0 : i32
    %dma_start3A_119 = arith.constant 0 : i32
    %dma_start3A_120 = tpu.memref_slice %arg6[%dma_start3A_117, %dma_start3A_118, %dma_start3A_119] : memref<2x1600x32xf32, #tpu.memory_space<vmem>> -> memref<1x1600x32xf32, #tpu.memory_space<vmem>>
    %dma_start3A_121 = tpu.memref_squeeze %dma_start3A_120 : memref<1x1600x32xf32, #tpu.memory_space<vmem>> -> memref<1600x32xf32, #tpu.memory_space<vmem>>
    %dma_start3A_122 = arith.constant 0 : i32
    %dma_start3A_123 = tpu.memref_slice %arg4[%add3A_116, %dma_start3A_122] : memref<3276800x32xf32, #tpu.memory_space<hbm>> -> memref<1600x32xf32, #tpu.memory_space<hbm>>
    %dma_start3A_124 = arith.constant 0 : i32
    %dma_start3A_125 = tpu.memref_slice %arg4[%add3A_116, %dma_start3A_124] : memref<3276800x32xf32, #tpu.memory_space<hbm>> -> memref<1600x32xf32, #tpu.memory_space<hbm>>
    %dma_start3A_126 = arith.constant 0 : i32
    %dma_start3A_127 = arith.constant 0 : i32
    %dma_start3A_128 = tpu.memref_slice %arg6[%dma_start3A_117, %dma_start3A_126, %dma_start3A_127] : memref<2x1600x32xf32, #tpu.memory_space<vmem>> -> memref<1x1600x32xf32, #tpu.memory_space<vmem>>
    %dma_start3A_129 = tpu.memref_squeeze %dma_start3A_128 : memref<1x1600x32xf32, #tpu.memory_space<vmem>> -> memref<1600x32xf32, #tpu.memory_space<vmem>>
    tpu.enqueue_dma source(%dma_start3A_129 : memref<1600x32xf32, #tpu.memory_space<vmem>>) target(%dma_start3A_125 : memref<1600x32xf32, #tpu.memory_space<hbm>>) target_semaphore(%arg12 : memref<!tpu.dma_semaphore, #tpu.memory_space<semaphore_mem>>)
    %add3A_130 = arith.constant 4800 : i32
    %add3A_131 = arith.addi %mul3A_2, %add3A_130 : i32
    %dma_start3A_132 = arith.constant 1 : i32
    %dma_start3A_133 = arith.constant 0 : i32
    %dma_start3A_134 = tpu.memref_slice %arg5[%dma_start3A_132, %dma_start3A_133] : memref<2x1600xi32, #tpu.memory_space<vmem>> -> memref<1x1600xi32, #tpu.memory_space<vmem>>
    %dma_start3A_135 = tpu.memref_squeeze %dma_start3A_134 : memref<1x1600xi32, #tpu.memory_space<vmem>> -> memref<1600xi32, #tpu.memory_space<vmem>>
    %dma_start3A_136 = tpu.memref_slice %arg2[%add3A_131] : memref<3276800xi32, #tpu.memory_space<hbm>> -> memref<1600xi32, #tpu.memory_space<hbm>>
    %dma_start3A_137 = arith.constant 0 : i32
    %dma_start3A_138 = tpu.memref_slice %arg5[%dma_start3A_132, %dma_start3A_137] : memref<2x1600xi32, #tpu.memory_space<vmem>> -> memref<1x1600xi32, #tpu.memory_space<vmem>>
    %dma_start3A_139 = tpu.memref_squeeze %dma_start3A_138 : memref<1x1600xi32, #tpu.memory_space<vmem>> -> memref<1600xi32, #tpu.memory_space<vmem>>
    %dma_start3A_140 = tpu.memref_slice %arg2[%add3A_131] : memref<3276800xi32, #tpu.memory_space<hbm>> -> memref<1600xi32, #tpu.memory_space<hbm>>
    tpu.enqueue_dma source(%dma_start3A_140 : memref<1600xi32, #tpu.memory_space<hbm>>) target(%dma_start3A_139 : memref<1600xi32, #tpu.memory_space<vmem>>) target_semaphore(%arg8 : memref<!tpu.dma_semaphore, #tpu.memory_space<semaphore_mem>>)
    %scan3A = arith.constant 0 : i32
    %scan3A_141 = arith.constant 0 : i32
    %scan3A_142 = arith.constant 30 : i32
    %scan3A_143 = arith.addi %scan3A_141, %scan3A_142 : i32
    %scan3A_144 = arith.constant 1 : i32
    scf.for %scan3A_294 = %scan3A_141 to %scan3A_143 step %scan3A_144  : i32 {
      %mul3A_295 = arith.constant 2 : i32
      %mul3A_296 = arith.muli %scan3A_294, %mul3A_295 : i32
      %add3A_297 = arith.constant 2 : i32
      %add3A_298 = arith.addi %add3A_297, %mul3A_296 : i32
      %add3A_299 = arith.constant 0 : i32
      %add3A_300 = arith.addi %add3A_298, %add3A_299 : i32
      %dma_wait3A_301 = arith.constant 0 : i32
      %dma_wait3A_302 = arith.constant 0 : i32
      %dma_wait3A_303 = tpu.memref_slice %arg5[%dma_wait3A_301, %dma_wait3A_302] : memref<2x1600xi32, #tpu.memory_space<vmem>> -> memref<1x1600xi32, #tpu.memory_space<vmem>>
      %dma_wait3A_304 = tpu.memref_squeeze %dma_wait3A_303 : memref<1x1600xi32, #tpu.memory_space<vmem>> -> memref<1600xi32, #tpu.memory_space<vmem>>
      %dma_wait3A_305 = tpu.memref_slice %arg2[%mul3A_2] : memref<3276800xi32, #tpu.memory_space<hbm>> -> memref<1600xi32, #tpu.memory_space<hbm>>
      %dma_wait3A_306 = arith.constant 0 : i32
      %dma_wait3A_307 = tpu.memref_slice %arg5[%dma_wait3A_301, %dma_wait3A_306] : memref<2x1600xi32, #tpu.memory_space<vmem>> -> memref<1x1600xi32, #tpu.memory_space<vmem>>
      %dma_wait3A_308 = tpu.memref_squeeze %dma_wait3A_307 : memref<1x1600xi32, #tpu.memory_space<vmem>> -> memref<1600xi32, #tpu.memory_space<vmem>>
      %dma_wait3A_309 = tpu.memref_slice %arg2[%mul3A_2] : memref<3276800xi32, #tpu.memory_space<hbm>> -> memref<1600xi32, #tpu.memory_space<hbm>>
      tpu.wait_dma2 semaphore(%arg7 : memref<!tpu.dma_semaphore, #tpu.memory_space<semaphore_mem>>) src(%dma_wait3A_309 : memref<1600xi32, #tpu.memory_space<hbm>>) dst(%dma_wait3A_308 : memref<1600xi32, #tpu.memory_space<vmem>>)
      %dma_wait3A_310 = arith.constant 0 : i32
      %dma_wait3A_311 = arith.constant 0 : i32
      %dma_wait3A_312 = arith.constant 0 : i32
      %dma_wait3A_313 = tpu.memref_slice %arg6[%dma_wait3A_310, %dma_wait3A_311, %dma_wait3A_312] : memref<2x1600x32xf32, #tpu.memory_space<vmem>> -> memref<1x1600x32xf32, #tpu.memory_space<vmem>>
      %dma_wait3A_314 = tpu.memref_squeeze %dma_wait3A_313 : memref<1x1600x32xf32, #tpu.memory_space<vmem>> -> memref<1600x32xf32, #tpu.memory_space<vmem>>
      %dma_wait3A_315 = arith.constant 0 : i32
      %dma_wait3A_316 = tpu.memref_slice %arg4[%mul3A_2, %dma_wait3A_315] : memref<3276800x32xf32, #tpu.memory_space<hbm>> -> memref<1600x32xf32, #tpu.memory_space<hbm>>
      %dma_wait3A_317 = arith.constant 0 : i32
      %dma_wait3A_318 = tpu.memref_slice %arg4[%mul3A_2, %dma_wait3A_317] : memref<3276800x32xf32, #tpu.memory_space<hbm>> -> memref<1600x32xf32, #tpu.memory_space<hbm>>
      %dma_wait3A_319 = arith.constant 0 : i32
      %dma_wait3A_320 = arith.constant 0 : i32
      %dma_wait3A_321 = tpu.memref_slice %arg6[%dma_wait3A_310, %dma_wait3A_319, %dma_wait3A_320] : memref<2x1600x32xf32, #tpu.memory_space<vmem>> -> memref<1x1600x32xf32, #tpu.memory_space<vmem>>
      %dma_wait3A_322 = tpu.memref_squeeze %dma_wait3A_321 : memref<1x1600x32xf32, #tpu.memory_space<vmem>> -> memref<1600x32xf32, #tpu.memory_space<vmem>>
      tpu.wait_dma2 semaphore(%arg11 : memref<!tpu.dma_semaphore, #tpu.memory_space<semaphore_mem>>) src(%dma_wait3A_322 : memref<1600x32xf32, #tpu.memory_space<vmem>>) dst(%dma_wait3A_318 : memref<1600x32xf32, #tpu.memory_space<hbm>>)
      %dma_start3A_323 = arith.constant 0 : i32
      %dma_start3A_324 = arith.constant 0 : i32
      %dma_start3A_325 = arith.constant 0 : i32
      %dma_start3A_326 = arith.constant 0 : i32
      %dma_start3A_327 = tpu.memref_slice %arg6[%dma_start3A_324, %dma_start3A_325, %dma_start3A_326] : memref<2x1600x32xf32, #tpu.memory_space<vmem>> -> memref<1x1600x32xf32, #tpu.memory_space<vmem>>
      %dma_start3A_328 = tpu.memref_squeeze %dma_start3A_327 : memref<1x1600x32xf32, #tpu.memory_space<vmem>> -> memref<1600x32xf32, #tpu.memory_space<vmem>>
      %dma_start3A_329 = arith.constant 0 : i32
      %dma_start3A_330 = tpu.memref_slice %arg5[%dma_start3A_323, %dma_start3A_329] : memref<2x1600xi32, #tpu.memory_space<vmem>> -> memref<1x1600xi32, #tpu.memory_space<vmem>>
      %dma_start3A_331 = tpu.memref_squeeze %dma_start3A_330 : memref<1x1600xi32, #tpu.memory_space<vmem>> -> memref<1600xi32, #tpu.memory_space<vmem>>
      %dma_start3A_332 = arith.constant 0 : i32
      %dma_start3A_333 = arith.constant 0 : i32
      %dma_start3A_334 = tpu.memref_slice %arg3[%dma_start3A_332, %dma_start3A_333] : memref<1000000x32xf32, #tpu.memory_space<hbm>> -> memref<1000000x32xf32, #tpu.memory_space<hbm>>
      tpu.enqueue_indirect_dma source(%dma_start3A_334 : memref<1000000x32xf32, #tpu.memory_space<hbm>>) target(%dma_start3A_328 : memref<1600x32xf32, #tpu.memory_space<vmem>>) offsets(%dma_start3A_331 : memref<1600xi32, #tpu.memory_space<vmem>>) semaphore(%arg9 : memref<!tpu.dma_semaphore, #tpu.memory_space<semaphore_mem>>)
      %dma_wait3A_335 = arith.constant 0 : i32
      %dma_wait3A_336 = arith.constant 0 : i32
      %dma_wait3A_337 = arith.constant 0 : i32
      %dma_wait3A_338 = arith.constant 0 : i32
      %dma_wait3A_339 = tpu.memref_slice %arg6[%dma_wait3A_336, %dma_wait3A_337, %dma_wait3A_338] : memref<2x1600x32xf32, #tpu.memory_space<vmem>> -> memref<1x1600x32xf32, #tpu.memory_space<vmem>>
      %dma_wait3A_340 = tpu.memref_squeeze %dma_wait3A_339 : memref<1x1600x32xf32, #tpu.memory_space<vmem>> -> memref<1600x32xf32, #tpu.memory_space<vmem>>
      %dma_wait3A_341 = arith.constant 0 : i32
      %dma_wait3A_342 = tpu.memref_slice %arg5[%dma_wait3A_335, %dma_wait3A_341] : memref<2x1600xi32, #tpu.memory_space<vmem>> -> memref<1x1600xi32, #tpu.memory_space<vmem>>
      %dma_wait3A_343 = tpu.memref_squeeze %dma_wait3A_342 : memref<1x1600xi32, #tpu.memory_space<vmem>> -> memref<1600xi32, #tpu.memory_space<vmem>>
      %dma_wait3A_344 = arith.constant 0 : i32
      %dma_wait3A_345 = arith.constant 0 : i32
      %dma_wait3A_346 = tpu.memref_slice %arg3[%dma_wait3A_344, %dma_wait3A_345] : memref<1000000x32xf32, #tpu.memory_space<hbm>> -> memref<1000000x32xf32, #tpu.memory_space<hbm>>
      tpu.wait_indirect_dma semaphore(%arg9 : memref<!tpu.dma_semaphore, #tpu.memory_space<semaphore_mem>>) src(%dma_wait3A_346 : memref<1000000x32xf32, #tpu.memory_space<hbm>>) dst(%dma_wait3A_340 : memref<1600x32xf32, #tpu.memory_space<vmem>>)
      %mul3A_347 = arith.constant 1600 : i32
      %mul3A_348 = arith.muli %add3A_300, %mul3A_347 : i32
      %add3A_349 = arith.addi %mul3A_2, %mul3A_348 : i32
      %dma_start3A_350 = arith.constant 0 : i32
      %dma_start3A_351 = arith.constant 0 : i32
      %dma_start3A_352 = arith.constant 0 : i32
      %dma_start3A_353 = tpu.memref_slice %arg6[%dma_start3A_350, %dma_start3A_351, %dma_start3A_352] : memref<2x1600x32xf32, #tpu.memory_space<vmem>> -> memref<1x1600x32xf32, #tpu.memory_space<vmem>>
      %dma_start3A_354 = tpu.memref_squeeze %dma_start3A_353 : memref<1x1600x32xf32, #tpu.memory_space<vmem>> -> memref<1600x32xf32, #tpu.memory_space<vmem>>
      %dma_start3A_355 = arith.constant 0 : i32
      %dma_start3A_356 = tpu.memref_slice %arg4[%add3A_349, %dma_start3A_355] : memref<3276800x32xf32, #tpu.memory_space<hbm>> -> memref<1600x32xf32, #tpu.memory_space<hbm>>
      %dma_start3A_357 = arith.constant 0 : i32
      %dma_start3A_358 = tpu.memref_slice %arg4[%add3A_349, %dma_start3A_357] : memref<3276800x32xf32, #tpu.memory_space<hbm>> -> memref<1600x32xf32, #tpu.memory_space<hbm>>
      %dma_start3A_359 = arith.constant 0 : i32
      %dma_start3A_360 = arith.constant 0 : i32
      %dma_start3A_361 = tpu.memref_slice %arg6[%dma_start3A_350, %dma_start3A_359, %dma_start3A_360] : memref<2x1600x32xf32, #tpu.memory_space<vmem>> -> memref<1x1600x32xf32, #tpu.memory_space<vmem>>
      %dma_start3A_362 = tpu.memref_squeeze %dma_start3A_361 : memref<1x1600x32xf32, #tpu.memory_space<vmem>> -> memref<1600x32xf32, #tpu.memory_space<vmem>>
      tpu.enqueue_dma source(%dma_start3A_362 : memref<1600x32xf32, #tpu.memory_space<vmem>>) target(%dma_start3A_358 : memref<1600x32xf32, #tpu.memory_space<hbm>>) target_semaphore(%arg11 : memref<!tpu.dma_semaphore, #tpu.memory_space<semaphore_mem>>)
      %add3A_363 = arith.constant 2 : i32
      %add3A_364 = arith.addi %add3A_300, %add3A_363 : i32
      %mul3A_365 = arith.constant 1600 : i32
      %mul3A_366 = arith.muli %add3A_364, %mul3A_365 : i32
      %add3A_367 = arith.addi %mul3A_2, %mul3A_366 : i32
      %dma_start3A_368 = arith.constant 0 : i32
      %dma_start3A_369 = arith.constant 0 : i32
      %dma_start3A_370 = tpu.memref_slice %arg5[%dma_start3A_368, %dma_start3A_369] : memref<2x1600xi32, #tpu.memory_space<vmem>> -> memref<1x1600xi32, #tpu.memory_space<vmem>>
      %dma_start3A_371 = tpu.memref_squeeze %dma_start3A_370 : memref<1x1600xi32, #tpu.memory_space<vmem>> -> memref<1600xi32, #tpu.memory_space<vmem>>
      %dma_start3A_372 = tpu.memref_slice %arg2[%add3A_367] : memref<3276800xi32, #tpu.memory_space<hbm>> -> memref<1600xi32, #tpu.memory_space<hbm>>
      %dma_start3A_373 = arith.constant 0 : i32
      %dma_start3A_374 = tpu.memref_slice %arg5[%dma_start3A_368, %dma_start3A_373] : memref<2x1600xi32, #tpu.memory_space<vmem>> -> memref<1x1600xi32, #tpu.memory_space<vmem>>
      %dma_start3A_375 = tpu.memref_squeeze %dma_start3A_374 : memref<1x1600xi32, #tpu.memory_space<vmem>> -> memref<1600xi32, #tpu.memory_space<vmem>>
      %dma_start3A_376 = tpu.memref_slice %arg2[%add3A_367] : memref<3276800xi32, #tpu.memory_space<hbm>> -> memref<1600xi32, #tpu.memory_space<hbm>>
      tpu.enqueue_dma source(%dma_start3A_376 : memref<1600xi32, #tpu.memory_space<hbm>>) target(%dma_start3A_375 : memref<1600xi32, #tpu.memory_space<vmem>>) target_semaphore(%arg7 : memref<!tpu.dma_semaphore, #tpu.memory_space<semaphore_mem>>)
      %mul3A_377 = arith.constant 2 : i32
      %mul3A_378 = arith.muli %scan3A_294, %mul3A_377 : i32
      %add3A_379 = arith.constant 2 : i32
      %add3A_380 = arith.addi %add3A_379, %mul3A_378 : i32
      %add3A_381 = arith.constant 1 : i32
      %add3A_382 = arith.addi %add3A_380, %add3A_381 : i32
      %dma_wait3A_383 = arith.constant 1 : i32
      %dma_wait3A_384 = arith.constant 0 : i32
      %dma_wait3A_385 = tpu.memref_slice %arg5[%dma_wait3A_383, %dma_wait3A_384] : memref<2x1600xi32, #tpu.memory_space<vmem>> -> memref<1x1600xi32, #tpu.memory_space<vmem>>
      %dma_wait3A_386 = tpu.memref_squeeze %dma_wait3A_385 : memref<1x1600xi32, #tpu.memory_space<vmem>> -> memref<1600xi32, #tpu.memory_space<vmem>>
      %dma_wait3A_387 = tpu.memref_slice %arg2[%mul3A_2] : memref<3276800xi32, #tpu.memory_space<hbm>> -> memref<1600xi32, #tpu.memory_space<hbm>>
      %dma_wait3A_388 = arith.constant 0 : i32
      %dma_wait3A_389 = tpu.memref_slice %arg5[%dma_wait3A_383, %dma_wait3A_388] : memref<2x1600xi32, #tpu.memory_space<vmem>> -> memref<1x1600xi32, #tpu.memory_space<vmem>>
      %dma_wait3A_390 = tpu.memref_squeeze %dma_wait3A_389 : memref<1x1600xi32, #tpu.memory_space<vmem>> -> memref<1600xi32, #tpu.memory_space<vmem>>
      %dma_wait3A_391 = tpu.memref_slice %arg2[%mul3A_2] : memref<3276800xi32, #tpu.memory_space<hbm>> -> memref<1600xi32, #tpu.memory_space<hbm>>
      tpu.wait_dma2 semaphore(%arg8 : memref<!tpu.dma_semaphore, #tpu.memory_space<semaphore_mem>>) src(%dma_wait3A_391 : memref<1600xi32, #tpu.memory_space<hbm>>) dst(%dma_wait3A_390 : memref<1600xi32, #tpu.memory_space<vmem>>)
      %dma_wait3A_392 = arith.constant 1 : i32
      %dma_wait3A_393 = arith.constant 0 : i32
      %dma_wait3A_394 = arith.constant 0 : i32
      %dma_wait3A_395 = tpu.memref_slice %arg6[%dma_wait3A_392, %dma_wait3A_393, %dma_wait3A_394] : memref<2x1600x32xf32, #tpu.memory_space<vmem>> -> memref<1x1600x32xf32, #tpu.memory_space<vmem>>
      %dma_wait3A_396 = tpu.memref_squeeze %dma_wait3A_395 : memref<1x1600x32xf32, #tpu.memory_space<vmem>> -> memref<1600x32xf32, #tpu.memory_space<vmem>>
      %dma_wait3A_397 = arith.constant 0 : i32
      %dma_wait3A_398 = tpu.memref_slice %arg4[%mul3A_2, %dma_wait3A_397] : memref<3276800x32xf32, #tpu.memory_space<hbm>> -> memref<1600x32xf32, #tpu.memory_space<hbm>>
      %dma_wait3A_399 = arith.constant 0 : i32
      %dma_wait3A_400 = tpu.memref_slice %arg4[%mul3A_2, %dma_wait3A_399] : memref<3276800x32xf32, #tpu.memory_space<hbm>> -> memref<1600x32xf32, #tpu.memory_space<hbm>>
      %dma_wait3A_401 = arith.constant 0 : i32
      %dma_wait3A_402 = arith.constant 0 : i32
      %dma_wait3A_403 = tpu.memref_slice %arg6[%dma_wait3A_392, %dma_wait3A_401, %dma_wait3A_402] : memref<2x1600x32xf32, #tpu.memory_space<vmem>> -> memref<1x1600x32xf32, #tpu.memory_space<vmem>>
      %dma_wait3A_404 = tpu.memref_squeeze %dma_wait3A_403 : memref<1x1600x32xf32, #tpu.memory_space<vmem>> -> memref<1600x32xf32, #tpu.memory_space<vmem>>
      tpu.wait_dma2 semaphore(%arg12 : memref<!tpu.dma_semaphore, #tpu.memory_space<semaphore_mem>>) src(%dma_wait3A_404 : memref<1600x32xf32, #tpu.memory_space<vmem>>) dst(%dma_wait3A_400 : memref<1600x32xf32, #tpu.memory_space<hbm>>)
      %dma_start3A_405 = arith.constant 1 : i32
      %dma_start3A_406 = arith.constant 1 : i32
      %dma_start3A_407 = arith.constant 0 : i32
      %dma_start3A_408 = arith.constant 0 : i32
      %dma_start3A_409 = tpu.memref_slice %arg6[%dma_start3A_406, %dma_start3A_407, %dma_start3A_408] : memref<2x1600x32xf32, #tpu.memory_space<vmem>> -> memref<1x1600x32xf32, #tpu.memory_space<vmem>>
      %dma_start3A_410 = tpu.memref_squeeze %dma_start3A_409 : memref<1x1600x32xf32, #tpu.memory_space<vmem>> -> memref<1600x32xf32, #tpu.memory_space<vmem>>
      %dma_start3A_411 = arith.constant 0 : i32
      %dma_start3A_412 = tpu.memref_slice %arg5[%dma_start3A_405, %dma_start3A_411] : memref<2x1600xi32, #tpu.memory_space<vmem>> -> memref<1x1600xi32, #tpu.memory_space<vmem>>
      %dma_start3A_413 = tpu.memref_squeeze %dma_start3A_412 : memref<1x1600xi32, #tpu.memory_space<vmem>> -> memref<1600xi32, #tpu.memory_space<vmem>>
      %dma_start3A_414 = arith.constant 0 : i32
      %dma_start3A_415 = arith.constant 0 : i32
      %dma_start3A_416 = tpu.memref_slice %arg3[%dma_start3A_414, %dma_start3A_415] : memref<1000000x32xf32, #tpu.memory_space<hbm>> -> memref<1000000x32xf32, #tpu.memory_space<hbm>>
      tpu.enqueue_indirect_dma source(%dma_start3A_416 : memref<1000000x32xf32, #tpu.memory_space<hbm>>) target(%dma_start3A_410 : memref<1600x32xf32, #tpu.memory_space<vmem>>) offsets(%dma_start3A_413 : memref<1600xi32, #tpu.memory_space<vmem>>) semaphore(%arg10 : memref<!tpu.dma_semaphore, #tpu.memory_space<semaphore_mem>>)
      %dma_wait3A_417 = arith.constant 1 : i32
      %dma_wait3A_418 = arith.constant 1 : i32
      %dma_wait3A_419 = arith.constant 0 : i32
      %dma_wait3A_420 = arith.constant 0 : i32
      %dma_wait3A_421 = tpu.memref_slice %arg6[%dma_wait3A_418, %dma_wait3A_419, %dma_wait3A_420] : memref<2x1600x32xf32, #tpu.memory_space<vmem>> -> memref<1x1600x32xf32, #tpu.memory_space<vmem>>
      %dma_wait3A_422 = tpu.memref_squeeze %dma_wait3A_421 : memref<1x1600x32xf32, #tpu.memory_space<vmem>> -> memref<1600x32xf32, #tpu.memory_space<vmem>>
      %dma_wait3A_423 = arith.constant 0 : i32
      %dma_wait3A_424 = tpu.memref_slice %arg5[%dma_wait3A_417, %dma_wait3A_423] : memref<2x1600xi32, #tpu.memory_space<vmem>> -> memref<1x1600xi32, #tpu.memory_space<vmem>>
      %dma_wait3A_425 = tpu.memref_squeeze %dma_wait3A_424 : memref<1x1600xi32, #tpu.memory_space<vmem>> -> memref<1600xi32, #tpu.memory_space<vmem>>
      %dma_wait3A_426 = arith.constant 0 : i32
      %dma_wait3A_427 = arith.constant 0 : i32
      %dma_wait3A_428 = tpu.memref_slice %arg3[%dma_wait3A_426, %dma_wait3A_427] : memref<1000000x32xf32, #tpu.memory_space<hbm>> -> memref<1000000x32xf32, #tpu.memory_space<hbm>>
      tpu.wait_indirect_dma semaphore(%arg10 : memref<!tpu.dma_semaphore, #tpu.memory_space<semaphore_mem>>) src(%dma_wait3A_428 : memref<1000000x32xf32, #tpu.memory_space<hbm>>) dst(%dma_wait3A_422 : memref<1600x32xf32, #tpu.memory_space<vmem>>)
      %mul3A_429 = arith.constant 1600 : i32
      %mul3A_430 = arith.muli %add3A_382, %mul3A_429 : i32
      %add3A_431 = arith.addi %mul3A_2, %mul3A_430 : i32
      %dma_start3A_432 = arith.constant 1 : i32
      %dma_start3A_433 = arith.constant 0 : i32
      %dma_start3A_434 = arith.constant 0 : i32
      %dma_start3A_435 = tpu.memref_slice %arg6[%dma_start3A_432, %dma_start3A_433, %dma_start3A_434] : memref<2x1600x32xf32, #tpu.memory_space<vmem>> -> memref<1x1600x32xf32, #tpu.memory_space<vmem>>
      %dma_start3A_436 = tpu.memref_squeeze %dma_start3A_435 : memref<1x1600x32xf32, #tpu.memory_space<vmem>> -> memref<1600x32xf32, #tpu.memory_space<vmem>>
      %dma_start3A_437 = arith.constant 0 : i32
      %dma_start3A_438 = tpu.memref_slice %arg4[%add3A_431, %dma_start3A_437] : memref<3276800x32xf32, #tpu.memory_space<hbm>> -> memref<1600x32xf32, #tpu.memory_space<hbm>>
      %dma_start3A_439 = arith.constant 0 : i32
      %dma_start3A_440 = tpu.memref_slice %arg4[%add3A_431, %dma_start3A_439] : memref<3276800x32xf32, #tpu.memory_space<hbm>> -> memref<1600x32xf32, #tpu.memory_space<hbm>>
      %dma_start3A_441 = arith.constant 0 : i32
      %dma_start3A_442 = arith.constant 0 : i32
      %dma_start3A_443 = tpu.memref_slice %arg6[%dma_start3A_432, %dma_start3A_441, %dma_start3A_442] : memref<2x1600x32xf32, #tpu.memory_space<vmem>> -> memref<1x1600x32xf32, #tpu.memory_space<vmem>>
      %dma_start3A_444 = tpu.memref_squeeze %dma_start3A_443 : memref<1x1600x32xf32, #tpu.memory_space<vmem>> -> memref<1600x32xf32, #tpu.memory_space<vmem>>
      tpu.enqueue_dma source(%dma_start3A_444 : memref<1600x32xf32, #tpu.memory_space<vmem>>) target(%dma_start3A_440 : memref<1600x32xf32, #tpu.memory_space<hbm>>) target_semaphore(%arg12 : memref<!tpu.dma_semaphore, #tpu.memory_space<semaphore_mem>>)
      %add3A_445 = arith.constant 2 : i32
      %add3A_446 = arith.addi %add3A_382, %add3A_445 : i32
      %mul3A_447 = arith.constant 1600 : i32
      %mul3A_448 = arith.muli %add3A_446, %mul3A_447 : i32
      %add3A_449 = arith.addi %mul3A_2, %mul3A_448 : i32
      %dma_start3A_450 = arith.constant 1 : i32
      %dma_start3A_451 = arith.constant 0 : i32
      %dma_start3A_452 = tpu.memref_slice %arg5[%dma_start3A_450, %dma_start3A_451] : memref<2x1600xi32, #tpu.memory_space<vmem>> -> memref<1x1600xi32, #tpu.memory_space<vmem>>
      %dma_start3A_453 = tpu.memref_squeeze %dma_start3A_452 : memref<1x1600xi32, #tpu.memory_space<vmem>> -> memref<1600xi32, #tpu.memory_space<vmem>>
      %dma_start3A_454 = tpu.memref_slice %arg2[%add3A_449] : memref<3276800xi32, #tpu.memory_space<hbm>> -> memref<1600xi32, #tpu.memory_space<hbm>>
      %dma_start3A_455 = arith.constant 0 : i32
      %dma_start3A_456 = tpu.memref_slice %arg5[%dma_start3A_450, %dma_start3A_455] : memref<2x1600xi32, #tpu.memory_space<vmem>> -> memref<1x1600xi32, #tpu.memory_space<vmem>>
      %dma_start3A_457 = tpu.memref_squeeze %dma_start3A_456 : memref<1x1600xi32, #tpu.memory_space<vmem>> -> memref<1600xi32, #tpu.memory_space<vmem>>
      %dma_start3A_458 = tpu.memref_slice %arg2[%add3A_449] : memref<3276800xi32, #tpu.memory_space<hbm>> -> memref<1600xi32, #tpu.memory_space<hbm>>
      tpu.enqueue_dma source(%dma_start3A_458 : memref<1600xi32, #tpu.memory_space<hbm>>) target(%dma_start3A_457 : memref<1600xi32, #tpu.memory_space<vmem>>) target_semaphore(%arg8 : memref<!tpu.dma_semaphore, #tpu.memory_space<semaphore_mem>>)
    }
    %scan3A_145 = arith.constant 30 : i32
    %dma_wait3A_146 = arith.constant 0 : i32
    %dma_wait3A_147 = arith.constant 0 : i32
    %dma_wait3A_148 = tpu.memref_slice %arg5[%dma_wait3A_146, %dma_wait3A_147] : memref<2x1600xi32, #tpu.memory_space<vmem>> -> memref<1x1600xi32, #tpu.memory_space<vmem>>
    %dma_wait3A_149 = tpu.memref_squeeze %dma_wait3A_148 : memref<1x1600xi32, #tpu.memory_space<vmem>> -> memref<1600xi32, #tpu.memory_space<vmem>>
    %dma_wait3A_150 = tpu.memref_slice %arg2[%mul3A_2] : memref<3276800xi32, #tpu.memory_space<hbm>> -> memref<1600xi32, #tpu.memory_space<hbm>>
    %dma_wait3A_151 = arith.constant 0 : i32
    %dma_wait3A_152 = tpu.memref_slice %arg5[%dma_wait3A_146, %dma_wait3A_151] : memref<2x1600xi32, #tpu.memory_space<vmem>> -> memref<1x1600xi32, #tpu.memory_space<vmem>>
    %dma_wait3A_153 = tpu.memref_squeeze %dma_wait3A_152 : memref<1x1600xi32, #tpu.memory_space<vmem>> -> memref<1600xi32, #tpu.memory_space<vmem>>
    %dma_wait3A_154 = tpu.memref_slice %arg2[%mul3A_2] : memref<3276800xi32, #tpu.memory_space<hbm>> -> memref<1600xi32, #tpu.memory_space<hbm>>
    tpu.wait_dma2 semaphore(%arg7 : memref<!tpu.dma_semaphore, #tpu.memory_space<semaphore_mem>>) src(%dma_wait3A_154 : memref<1600xi32, #tpu.memory_space<hbm>>) dst(%dma_wait3A_153 : memref<1600xi32, #tpu.memory_space<vmem>>)
    %dma_wait3A_155 = arith.constant 0 : i32
    %dma_wait3A_156 = arith.constant 0 : i32
    %dma_wait3A_157 = arith.constant 0 : i32
    %dma_wait3A_158 = tpu.memref_slice %arg6[%dma_wait3A_155, %dma_wait3A_156, %dma_wait3A_157] : memref<2x1600x32xf32, #tpu.memory_space<vmem>> -> memref<1x1600x32xf32, #tpu.memory_space<vmem>>
    %dma_wait3A_159 = tpu.memref_squeeze %dma_wait3A_158 : memref<1x1600x32xf32, #tpu.memory_space<vmem>> -> memref<1600x32xf32, #tpu.memory_space<vmem>>
    %dma_wait3A_160 = arith.constant 0 : i32
    %dma_wait3A_161 = tpu.memref_slice %arg4[%mul3A_2, %dma_wait3A_160] : memref<3276800x32xf32, #tpu.memory_space<hbm>> -> memref<1600x32xf32, #tpu.memory_space<hbm>>
    %dma_wait3A_162 = arith.constant 0 : i32
    %dma_wait3A_163 = tpu.memref_slice %arg4[%mul3A_2, %dma_wait3A_162] : memref<3276800x32xf32, #tpu.memory_space<hbm>> -> memref<1600x32xf32, #tpu.memory_space<hbm>>
    %dma_wait3A_164 = arith.constant 0 : i32
    %dma_wait3A_165 = arith.constant 0 : i32
    %dma_wait3A_166 = tpu.memref_slice %arg6[%dma_wait3A_155, %dma_wait3A_164, %dma_wait3A_165] : memref<2x1600x32xf32, #tpu.memory_space<vmem>> -> memref<1x1600x32xf32, #tpu.memory_space<vmem>>
    %dma_wait3A_167 = tpu.memref_squeeze %dma_wait3A_166 : memref<1x1600x32xf32, #tpu.memory_space<vmem>> -> memref<1600x32xf32, #tpu.memory_space<vmem>>
    tpu.wait_dma2 semaphore(%arg11 : memref<!tpu.dma_semaphore, #tpu.memory_space<semaphore_mem>>) src(%dma_wait3A_167 : memref<1600x32xf32, #tpu.memory_space<vmem>>) dst(%dma_wait3A_163 : memref<1600x32xf32, #tpu.memory_space<hbm>>)
    %dma_start3A_168 = arith.constant 0 : i32
    %dma_start3A_169 = arith.constant 0 : i32
    %dma_start3A_170 = arith.constant 0 : i32
    %dma_start3A_171 = arith.constant 0 : i32
    %dma_start3A_172 = tpu.memref_slice %arg6[%dma_start3A_169, %dma_start3A_170, %dma_start3A_171] : memref<2x1600x32xf32, #tpu.memory_space<vmem>> -> memref<1x1600x32xf32, #tpu.memory_space<vmem>>
    %dma_start3A_173 = tpu.memref_squeeze %dma_start3A_172 : memref<1x1600x32xf32, #tpu.memory_space<vmem>> -> memref<1600x32xf32, #tpu.memory_space<vmem>>
    %dma_start3A_174 = arith.constant 0 : i32
    %dma_start3A_175 = tpu.memref_slice %arg5[%dma_start3A_168, %dma_start3A_174] : memref<2x1600xi32, #tpu.memory_space<vmem>> -> memref<1x1600xi32, #tpu.memory_space<vmem>>
    %dma_start3A_176 = tpu.memref_squeeze %dma_start3A_175 : memref<1x1600xi32, #tpu.memory_space<vmem>> -> memref<1600xi32, #tpu.memory_space<vmem>>
    %dma_start3A_177 = arith.constant 0 : i32
    %dma_start3A_178 = arith.constant 0 : i32
    %dma_start3A_179 = tpu.memref_slice %arg3[%dma_start3A_177, %dma_start3A_178] : memref<1000000x32xf32, #tpu.memory_space<hbm>> -> memref<1000000x32xf32, #tpu.memory_space<hbm>>
    tpu.enqueue_indirect_dma source(%dma_start3A_179 : memref<1000000x32xf32, #tpu.memory_space<hbm>>) target(%dma_start3A_173 : memref<1600x32xf32, #tpu.memory_space<vmem>>) offsets(%dma_start3A_176 : memref<1600xi32, #tpu.memory_space<vmem>>) semaphore(%arg9 : memref<!tpu.dma_semaphore, #tpu.memory_space<semaphore_mem>>)
    %dma_wait3A_180 = arith.constant 0 : i32
    %dma_wait3A_181 = arith.constant 0 : i32
    %dma_wait3A_182 = arith.constant 0 : i32
    %dma_wait3A_183 = arith.constant 0 : i32
    %dma_wait3A_184 = tpu.memref_slice %arg6[%dma_wait3A_181, %dma_wait3A_182, %dma_wait3A_183] : memref<2x1600x32xf32, #tpu.memory_space<vmem>> -> memref<1x1600x32xf32, #tpu.memory_space<vmem>>
    %dma_wait3A_185 = tpu.memref_squeeze %dma_wait3A_184 : memref<1x1600x32xf32, #tpu.memory_space<vmem>> -> memref<1600x32xf32, #tpu.memory_space<vmem>>
    %dma_wait3A_186 = arith.constant 0 : i32
    %dma_wait3A_187 = tpu.memref_slice %arg5[%dma_wait3A_180, %dma_wait3A_186] : memref<2x1600xi32, #tpu.memory_space<vmem>> -> memref<1x1600xi32, #tpu.memory_space<vmem>>
    %dma_wait3A_188 = tpu.memref_squeeze %dma_wait3A_187 : memref<1x1600xi32, #tpu.memory_space<vmem>> -> memref<1600xi32, #tpu.memory_space<vmem>>
    %dma_wait3A_189 = arith.constant 0 : i32
    %dma_wait3A_190 = arith.constant 0 : i32
    %dma_wait3A_191 = tpu.memref_slice %arg3[%dma_wait3A_189, %dma_wait3A_190] : memref<1000000x32xf32, #tpu.memory_space<hbm>> -> memref<1000000x32xf32, #tpu.memory_space<hbm>>
    tpu.wait_indirect_dma semaphore(%arg9 : memref<!tpu.dma_semaphore, #tpu.memory_space<semaphore_mem>>) src(%dma_wait3A_191 : memref<1000000x32xf32, #tpu.memory_space<hbm>>) dst(%dma_wait3A_185 : memref<1600x32xf32, #tpu.memory_space<vmem>>)
    %add3A_192 = arith.constant 99200 : i32
    %add3A_193 = arith.addi %mul3A_2, %add3A_192 : i32
    %dma_start3A_194 = arith.constant 0 : i32
    %dma_start3A_195 = arith.constant 0 : i32
    %dma_start3A_196 = arith.constant 0 : i32
    %dma_start3A_197 = tpu.memref_slice %arg6[%dma_start3A_194, %dma_start3A_195, %dma_start3A_196] : memref<2x1600x32xf32, #tpu.memory_space<vmem>> -> memref<1x1600x32xf32, #tpu.memory_space<vmem>>
    %dma_start3A_198 = tpu.memref_squeeze %dma_start3A_197 : memref<1x1600x32xf32, #tpu.memory_space<vmem>> -> memref<1600x32xf32, #tpu.memory_space<vmem>>
    %dma_start3A_199 = arith.constant 0 : i32
    %dma_start3A_200 = tpu.memref_slice %arg4[%add3A_193, %dma_start3A_199] : memref<3276800x32xf32, #tpu.memory_space<hbm>> -> memref<1600x32xf32, #tpu.memory_space<hbm>>
    %dma_start3A_201 = arith.constant 0 : i32
    %dma_start3A_202 = tpu.memref_slice %arg4[%add3A_193, %dma_start3A_201] : memref<3276800x32xf32, #tpu.memory_space<hbm>> -> memref<1600x32xf32, #tpu.memory_space<hbm>>
    %dma_start3A_203 = arith.constant 0 : i32
    %dma_start3A_204 = arith.constant 0 : i32
    %dma_start3A_205 = tpu.memref_slice %arg6[%dma_start3A_194, %dma_start3A_203, %dma_start3A_204] : memref<2x1600x32xf32, #tpu.memory_space<vmem>> -> memref<1x1600x32xf32, #tpu.memory_space<vmem>>
    %dma_start3A_206 = tpu.memref_squeeze %dma_start3A_205 : memref<1x1600x32xf32, #tpu.memory_space<vmem>> -> memref<1600x32xf32, #tpu.memory_space<vmem>>
    tpu.enqueue_dma source(%dma_start3A_206 : memref<1600x32xf32, #tpu.memory_space<vmem>>) target(%dma_start3A_202 : memref<1600x32xf32, #tpu.memory_space<hbm>>) target_semaphore(%arg11 : memref<!tpu.dma_semaphore, #tpu.memory_space<semaphore_mem>>)
    %dma_wait3A_207 = arith.constant 1 : i32
    %dma_wait3A_208 = arith.constant 0 : i32
    %dma_wait3A_209 = tpu.memref_slice %arg5[%dma_wait3A_207, %dma_wait3A_208] : memref<2x1600xi32, #tpu.memory_space<vmem>> -> memref<1x1600xi32, #tpu.memory_space<vmem>>
    %dma_wait3A_210 = tpu.memref_squeeze %dma_wait3A_209 : memref<1x1600xi32, #tpu.memory_space<vmem>> -> memref<1600xi32, #tpu.memory_space<vmem>>
    %dma_wait3A_211 = tpu.memref_slice %arg2[%mul3A_2] : memref<3276800xi32, #tpu.memory_space<hbm>> -> memref<1600xi32, #tpu.memory_space<hbm>>
    %dma_wait3A_212 = arith.constant 0 : i32
    %dma_wait3A_213 = tpu.memref_slice %arg5[%dma_wait3A_207, %dma_wait3A_212] : memref<2x1600xi32, #tpu.memory_space<vmem>> -> memref<1x1600xi32, #tpu.memory_space<vmem>>
    %dma_wait3A_214 = tpu.memref_squeeze %dma_wait3A_213 : memref<1x1600xi32, #tpu.memory_space<vmem>> -> memref<1600xi32, #tpu.memory_space<vmem>>
    %dma_wait3A_215 = tpu.memref_slice %arg2[%mul3A_2] : memref<3276800xi32, #tpu.memory_space<hbm>> -> memref<1600xi32, #tpu.memory_space<hbm>>
    tpu.wait_dma2 semaphore(%arg8 : memref<!tpu.dma_semaphore, #tpu.memory_space<semaphore_mem>>) src(%dma_wait3A_215 : memref<1600xi32, #tpu.memory_space<hbm>>) dst(%dma_wait3A_214 : memref<1600xi32, #tpu.memory_space<vmem>>)
    %dma_wait3A_216 = arith.constant 1 : i32
    %dma_wait3A_217 = arith.constant 0 : i32
    %dma_wait3A_218 = arith.constant 0 : i32
    %dma_wait3A_219 = tpu.memref_slice %arg6[%dma_wait3A_216, %dma_wait3A_217, %dma_wait3A_218] : memref<2x1600x32xf32, #tpu.memory_space<vmem>> -> memref<1x1600x32xf32, #tpu.memory_space<vmem>>
    %dma_wait3A_220 = tpu.memref_squeeze %dma_wait3A_219 : memref<1x1600x32xf32, #tpu.memory_space<vmem>> -> memref<1600x32xf32, #tpu.memory_space<vmem>>
    %dma_wait3A_221 = arith.constant 0 : i32
    %dma_wait3A_222 = tpu.memref_slice %arg4[%mul3A_2, %dma_wait3A_221] : memref<3276800x32xf32, #tpu.memory_space<hbm>> -> memref<1600x32xf32, #tpu.memory_space<hbm>>
    %dma_wait3A_223 = arith.constant 0 : i32
    %dma_wait3A_224 = tpu.memref_slice %arg4[%mul3A_2, %dma_wait3A_223] : memref<3276800x32xf32, #tpu.memory_space<hbm>> -> memref<1600x32xf32, #tpu.memory_space<hbm>>
    %dma_wait3A_225 = arith.constant 0 : i32
    %dma_wait3A_226 = arith.constant 0 : i32
    %dma_wait3A_227 = tpu.memref_slice %arg6[%dma_wait3A_216, %dma_wait3A_225, %dma_wait3A_226] : memref<2x1600x32xf32, #tpu.memory_space<vmem>> -> memref<1x1600x32xf32, #tpu.memory_space<vmem>>
    %dma_wait3A_228 = tpu.memref_squeeze %dma_wait3A_227 : memref<1x1600x32xf32, #tpu.memory_space<vmem>> -> memref<1600x32xf32, #tpu.memory_space<vmem>>
    tpu.wait_dma2 semaphore(%arg12 : memref<!tpu.dma_semaphore, #tpu.memory_space<semaphore_mem>>) src(%dma_wait3A_228 : memref<1600x32xf32, #tpu.memory_space<vmem>>) dst(%dma_wait3A_224 : memref<1600x32xf32, #tpu.memory_space<hbm>>)
    %dma_start3A_229 = arith.constant 1 : i32
    %dma_start3A_230 = arith.constant 1 : i32
    %dma_start3A_231 = arith.constant 0 : i32
    %dma_start3A_232 = arith.constant 0 : i32
    %dma_start3A_233 = tpu.memref_slice %arg6[%dma_start3A_230, %dma_start3A_231, %dma_start3A_232] : memref<2x1600x32xf32, #tpu.memory_space<vmem>> -> memref<1x1600x32xf32, #tpu.memory_space<vmem>>
    %dma_start3A_234 = tpu.memref_squeeze %dma_start3A_233 : memref<1x1600x32xf32, #tpu.memory_space<vmem>> -> memref<1600x32xf32, #tpu.memory_space<vmem>>
    %dma_start3A_235 = arith.constant 0 : i32
    %dma_start3A_236 = tpu.memref_slice %arg5[%dma_start3A_229, %dma_start3A_235] : memref<2x1600xi32, #tpu.memory_space<vmem>> -> memref<1x1600xi32, #tpu.memory_space<vmem>>
    %dma_start3A_237 = tpu.memref_squeeze %dma_start3A_236 : memref<1x1600xi32, #tpu.memory_space<vmem>> -> memref<1600xi32, #tpu.memory_space<vmem>>
    %dma_start3A_238 = arith.constant 0 : i32
    %dma_start3A_239 = arith.constant 0 : i32
    %dma_start3A_240 = tpu.memref_slice %arg3[%dma_start3A_238, %dma_start3A_239] : memref<1000000x32xf32, #tpu.memory_space<hbm>> -> memref<1000000x32xf32, #tpu.memory_space<hbm>>
    tpu.enqueue_indirect_dma source(%dma_start3A_240 : memref<1000000x32xf32, #tpu.memory_space<hbm>>) target(%dma_start3A_234 : memref<1600x32xf32, #tpu.memory_space<vmem>>) offsets(%dma_start3A_237 : memref<1600xi32, #tpu.memory_space<vmem>>) semaphore(%arg10 : memref<!tpu.dma_semaphore, #tpu.memory_space<semaphore_mem>>)
    %dma_wait3A_241 = arith.constant 1 : i32
    %dma_wait3A_242 = arith.constant 1 : i32
    %dma_wait3A_243 = arith.constant 0 : i32
    %dma_wait3A_244 = arith.constant 0 : i32
    %dma_wait3A_245 = tpu.memref_slice %arg6[%dma_wait3A_242, %dma_wait3A_243, %dma_wait3A_244] : memref<2x1600x32xf32, #tpu.memory_space<vmem>> -> memref<1x1600x32xf32, #tpu.memory_space<vmem>>
    %dma_wait3A_246 = tpu.memref_squeeze %dma_wait3A_245 : memref<1x1600x32xf32, #tpu.memory_space<vmem>> -> memref<1600x32xf32, #tpu.memory_space<vmem>>
    %dma_wait3A_247 = arith.constant 0 : i32
    %dma_wait3A_248 = tpu.memref_slice %arg5[%dma_wait3A_241, %dma_wait3A_247] : memref<2x1600xi32, #tpu.memory_space<vmem>> -> memref<1x1600xi32, #tpu.memory_space<vmem>>
    %dma_wait3A_249 = tpu.memref_squeeze %dma_wait3A_248 : memref<1x1600xi32, #tpu.memory_space<vmem>> -> memref<1600xi32, #tpu.memory_space<vmem>>
    %dma_wait3A_250 = arith.constant 0 : i32
    %dma_wait3A_251 = arith.constant 0 : i32
    %dma_wait3A_252 = tpu.memref_slice %arg3[%dma_wait3A_250, %dma_wait3A_251] : memref<1000000x32xf32, #tpu.memory_space<hbm>> -> memref<1000000x32xf32, #tpu.memory_space<hbm>>
    tpu.wait_indirect_dma semaphore(%arg10 : memref<!tpu.dma_semaphore, #tpu.memory_space<semaphore_mem>>) src(%dma_wait3A_252 : memref<1000000x32xf32, #tpu.memory_space<hbm>>) dst(%dma_wait3A_246 : memref<1600x32xf32, #tpu.memory_space<vmem>>)
    %add3A_253 = arith.constant 100800 : i32
    %add3A_254 = arith.addi %mul3A_2, %add3A_253 : i32
    %dma_start3A_255 = arith.constant 1 : i32
    %dma_start3A_256 = arith.constant 0 : i32
    %dma_start3A_257 = arith.constant 0 : i32
    %dma_start3A_258 = tpu.memref_slice %arg6[%dma_start3A_255, %dma_start3A_256, %dma_start3A_257] : memref<2x1600x32xf32, #tpu.memory_space<vmem>> -> memref<1x1600x32xf32, #tpu.memory_space<vmem>>
    %dma_start3A_259 = tpu.memref_squeeze %dma_start3A_258 : memref<1x1600x32xf32, #tpu.memory_space<vmem>> -> memref<1600x32xf32, #tpu.memory_space<vmem>>
    %dma_start3A_260 = arith.constant 0 : i32
    %dma_start3A_261 = tpu.memref_slice %arg4[%add3A_254, %dma_start3A_260] : memref<3276800x32xf32, #tpu.memory_space<hbm>> -> memref<1600x32xf32, #tpu.memory_space<hbm>>
    %dma_start3A_262 = arith.constant 0 : i32
    %dma_start3A_263 = tpu.memref_slice %arg4[%add3A_254, %dma_start3A_262] : memref<3276800x32xf32, #tpu.memory_space<hbm>> -> memref<1600x32xf32, #tpu.memory_space<hbm>>
    %dma_start3A_264 = arith.constant 0 : i32
    %dma_start3A_265 = arith.constant 0 : i32
    %dma_start3A_266 = tpu.memref_slice %arg6[%dma_start3A_255, %dma_start3A_264, %dma_start3A_265] : memref<2x1600x32xf32, #tpu.memory_space<vmem>> -> memref<1x1600x32xf32, #tpu.memory_space<vmem>>
    %dma_start3A_267 = tpu.memref_squeeze %dma_start3A_266 : memref<1x1600x32xf32, #tpu.memory_space<vmem>> -> memref<1600x32xf32, #tpu.memory_space<vmem>>
    tpu.enqueue_dma source(%dma_start3A_267 : memref<1600x32xf32, #tpu.memory_space<vmem>>) target(%dma_start3A_263 : memref<1600x32xf32, #tpu.memory_space<hbm>>) target_semaphore(%arg12 : memref<!tpu.dma_semaphore, #tpu.memory_space<semaphore_mem>>)
    %dma_wait3A_268 = arith.constant 0 : i32
    %dma_wait3A_269 = arith.constant 0 : i32
    %dma_wait3A_270 = arith.constant 0 : i32
    %dma_wait3A_271 = tpu.memref_slice %arg6[%dma_wait3A_268, %dma_wait3A_269, %dma_wait3A_270] : memref<2x1600x32xf32, #tpu.memory_space<vmem>> -> memref<1x1600x32xf32, #tpu.memory_space<vmem>>
    %dma_wait3A_272 = tpu.memref_squeeze %dma_wait3A_271 : memref<1x1600x32xf32, #tpu.memory_space<vmem>> -> memref<1600x32xf32, #tpu.memory_space<vmem>>
    %dma_wait3A_273 = arith.constant 0 : i32
    %dma_wait3A_274 = tpu.memref_slice %arg4[%mul3A_2, %dma_wait3A_273] : memref<3276800x32xf32, #tpu.memory_space<hbm>> -> memref<1600x32xf32, #tpu.memory_space<hbm>>
    %dma_wait3A_275 = arith.constant 0 : i32
    %dma_wait3A_276 = tpu.memref_slice %arg4[%mul3A_2, %dma_wait3A_275] : memref<3276800x32xf32, #tpu.memory_space<hbm>> -> memref<1600x32xf32, #tpu.memory_space<hbm>>
    %dma_wait3A_277 = arith.constant 0 : i32
    %dma_wait3A_278 = arith.constant 0 : i32
    %dma_wait3A_279 = tpu.memref_slice %arg6[%dma_wait3A_268, %dma_wait3A_277, %dma_wait3A_278] : memref<2x1600x32xf32, #tpu.memory_space<vmem>> -> memref<1x1600x32xf32, #tpu.memory_space<vmem>>
    %dma_wait3A_280 = tpu.memref_squeeze %dma_wait3A_279 : memref<1x1600x32xf32, #tpu.memory_space<vmem>> -> memref<1600x32xf32, #tpu.memory_space<vmem>>
    tpu.wait_dma2 semaphore(%arg11 : memref<!tpu.dma_semaphore, #tpu.memory_space<semaphore_mem>>) src(%dma_wait3A_280 : memref<1600x32xf32, #tpu.memory_space<vmem>>) dst(%dma_wait3A_276 : memref<1600x32xf32, #tpu.memory_space<hbm>>)
    %dma_wait3A_281 = arith.constant 1 : i32
    %dma_wait3A_282 = arith.constant 0 : i32
    %dma_wait3A_283 = arith.constant 0 : i32
    %dma_wait3A_284 = tpu.memref_slice %arg6[%dma_wait3A_281, %dma_wait3A_282, %dma_wait3A_283] : memref<2x1600x32xf32, #tpu.memory_space<vmem>> -> memref<1x1600x32xf32, #tpu.memory_space<vmem>>
    %dma_wait3A_285 = tpu.memref_squeeze %dma_wait3A_284 : memref<1x1600x32xf32, #tpu.memory_space<vmem>> -> memref<1600x32xf32, #tpu.memory_space<vmem>>
    %dma_wait3A_286 = arith.constant 0 : i32
    %dma_wait3A_287 = tpu.memref_slice %arg4[%mul3A_2, %dma_wait3A_286] : memref<3276800x32xf32, #tpu.memory_space<hbm>> -> memref<1600x32xf32, #tpu.memory_space<hbm>>
    %dma_wait3A_288 = arith.constant 0 : i32
    %dma_wait3A_289 = tpu.memref_slice %arg4[%mul3A_2, %dma_wait3A_288] : memref<3276800x32xf32, #tpu.memory_space<hbm>> -> memref<1600x32xf32, #tpu.memory_space<hbm>>
    %dma_wait3A_290 = arith.constant 0 : i32
    %dma_wait3A_291 = arith.constant 0 : i32
    %dma_wait3A_292 = tpu.memref_slice %arg6[%dma_wait3A_281, %dma_wait3A_290, %dma_wait3A_291] : memref<2x1600x32xf32, #tpu.memory_space<vmem>> -> memref<1x1600x32xf32, #tpu.memory_space<vmem>>
    %dma_wait3A_293 = tpu.memref_squeeze %dma_wait3A_292 : memref<1x1600x32xf32, #tpu.memory_space<vmem>> -> memref<1600x32xf32, #tpu.memory_space<vmem>>
    tpu.wait_dma2 semaphore(%arg12 : memref<!tpu.dma_semaphore, #tpu.memory_space<semaphore_mem>>) src(%dma_wait3A_293 : memref<1600x32xf32, #tpu.memory_space<vmem>>) dst(%dma_wait3A_289 : memref<1600x32xf32, #tpu.memory_space<hbm>>)
    return
  }
}

#map = affine_map<(d0, d1) -> (0, 0)>
#map1 = affine_map<(d0, d1) -> (0, 0, 0)>
module attributes {stable_mosaic.version = 14 : i64} {
  func.func @_relayout_body(%arg0: i32, %arg1: i32, %arg2: memref<819200x128xf32, #tpu.memory_space<hbm>>, %arg3: memref<200x32x16384xf32, #tpu.memory_space<hbm>>, %arg4: memref<2x32x128xf32, #tpu.memory_space<vmem>>, %arg5: memref<2x32x128xf32, #tpu.memory_space<vmem>>, %arg6: memref<!tpu.dma_semaphore, #tpu.memory_space<semaphore_mem>>, %arg7: memref<!tpu.dma_semaphore, #tpu.memory_space<semaphore_mem>>, %arg8: memref<!tpu.dma_semaphore, #tpu.memory_space<semaphore_mem>>, %arg9: memref<!tpu.dma_semaphore, #tpu.memory_space<semaphore_mem>>) attributes {dimension_semantics = [#tpu.dimension_semantics<core_parallel>, #tpu.dimension_semantics<subcore_parallel>], iteration_bounds = array<i64: 2, 16>, scalar_prefetch = 0 : i64, scratch_operands = 6 : i64, tpu.core_type = #tpu.core_type<sc_vector_subcore>, window_params = [{transform_indices = #map}, {transform_indices = #map1}]} {
    %mul3A = arith.constant 2 : i32
    %mul3A_0 = arith.muli %arg1, %mul3A : i32
    %add3A = arith.addi %mul3A_0, %arg0 : i32
    %iota3A = tpu.iota {dimensions = array<i32: 0>} : vector<16xi32>
    %add3A_1 = arith.constant 0 : i32
    %add3A_2 = vector.broadcast %add3A_1 : i32 to vector<16xi32>
    %add3A_3 = arith.addi %iota3A, %add3A_2 : vector<16xi32>
    %mul3A_4 = arith.constant 32 : i32
    %mul3A_5 = vector.broadcast %mul3A_4 : i32 to vector<16xi32>
    %mul3A_6 = arith.muli %add3A_3, %mul3A_5 : vector<16xi32>
    %add3A_7 = arith.constant 16 : i32
    %add3A_8 = vector.broadcast %add3A_7 : i32 to vector<16xi32>
    %add3A_9 = arith.addi %iota3A, %add3A_8 : vector<16xi32>
    %mul3A_10 = arith.constant 32 : i32
    %mul3A_11 = vector.broadcast %mul3A_10 : i32 to vector<16xi32>
    %mul3A_12 = arith.muli %add3A_9, %mul3A_11 : vector<16xi32>
    %add3A_13 = arith.constant 32 : i32
    %add3A_14 = vector.broadcast %add3A_13 : i32 to vector<16xi32>
    %add3A_15 = arith.addi %iota3A, %add3A_14 : vector<16xi32>
    %mul3A_16 = arith.constant 32 : i32
    %mul3A_17 = vector.broadcast %mul3A_16 : i32 to vector<16xi32>
    %mul3A_18 = arith.muli %add3A_15, %mul3A_17 : vector<16xi32>
    %add3A_19 = arith.constant 48 : i32
    %add3A_20 = vector.broadcast %add3A_19 : i32 to vector<16xi32>
    %add3A_21 = arith.addi %iota3A, %add3A_20 : vector<16xi32>
    %mul3A_22 = arith.constant 32 : i32
    %mul3A_23 = vector.broadcast %mul3A_22 : i32 to vector<16xi32>
    %mul3A_24 = arith.muli %add3A_21, %mul3A_23 : vector<16xi32>
    %add3A_25 = arith.constant 64 : i32
    %add3A_26 = vector.broadcast %add3A_25 : i32 to vector<16xi32>
    %add3A_27 = arith.addi %iota3A, %add3A_26 : vector<16xi32>
    %mul3A_28 = arith.constant 32 : i32
    %mul3A_29 = vector.broadcast %mul3A_28 : i32 to vector<16xi32>
    %mul3A_30 = arith.muli %add3A_27, %mul3A_29 : vector<16xi32>
    %add3A_31 = arith.constant 80 : i32
    %add3A_32 = vector.broadcast %add3A_31 : i32 to vector<16xi32>
    %add3A_33 = arith.addi %iota3A, %add3A_32 : vector<16xi32>
    %mul3A_34 = arith.constant 32 : i32
    %mul3A_35 = vector.broadcast %mul3A_34 : i32 to vector<16xi32>
    %mul3A_36 = arith.muli %add3A_33, %mul3A_35 : vector<16xi32>
    %add3A_37 = arith.constant 96 : i32
    %add3A_38 = vector.broadcast %add3A_37 : i32 to vector<16xi32>
    %add3A_39 = arith.addi %iota3A, %add3A_38 : vector<16xi32>
    %mul3A_40 = arith.constant 32 : i32
    %mul3A_41 = vector.broadcast %mul3A_40 : i32 to vector<16xi32>
    %mul3A_42 = arith.muli %add3A_39, %mul3A_41 : vector<16xi32>
    %add3A_43 = arith.constant 112 : i32
    %add3A_44 = vector.broadcast %add3A_43 : i32 to vector<16xi32>
    %add3A_45 = arith.addi %iota3A, %add3A_44 : vector<16xi32>
    %mul3A_46 = arith.constant 32 : i32
    %mul3A_47 = vector.broadcast %mul3A_46 : i32 to vector<16xi32>
    %mul3A_48 = arith.muli %add3A_45, %mul3A_47 : vector<16xi32>
    %mul3A_49 = arith.constant 800 : i32
    %mul3A_50 = arith.muli %add3A, %mul3A_49 : i32
    %jit3A = arith.constant 128 : i32
    %div3A = arith.divsi %mul3A_50, %jit3A : i32
    %sign3A = arith.constant 0 : i32
    %sign3A_51 = arith.cmpi sgt, %mul3A_50, %sign3A : i32
    %sign3A_52 = arith.extui %sign3A_51 : i1 to i32
    %sign3A_53 = arith.constant 0 : i32
    %sign3A_54 = arith.cmpi slt, %mul3A_50, %sign3A_53 : i32
    %sign3A_55 = arith.extui %sign3A_54 : i1 to i32
    %sign3A_56 = arith.subi %sign3A_52, %sign3A_55 : i32
    %sign3A_57 = arith.constant 0 : i32
    %sign3A_58 = arith.cmpi sgt, %jit3A, %sign3A_57 : i32
    %sign3A_59 = arith.extui %sign3A_58 : i1 to i32
    %sign3A_60 = arith.constant 0 : i32
    %sign3A_61 = arith.cmpi slt, %jit3A, %sign3A_60 : i32
    %sign3A_62 = arith.extui %sign3A_61 : i1 to i32
    %sign3A_63 = arith.subi %sign3A_59, %sign3A_62 : i32
    %ne3A = arith.cmpi ne, %sign3A_56, %sign3A_63 : i32
    %rem3A = arith.remsi %mul3A_50, %jit3A : i32
    %ne3A_64 = arith.constant 0 : i32
    %ne3A_65 = arith.cmpi ne, %rem3A, %ne3A_64 : i32
    %and3A = arith.andi %ne3A, %ne3A_65 : i1
    %sub3A = arith.constant 1 : i32
    %sub3A_66 = arith.subi %div3A, %sub3A : i32
    %select_n3A = arith.select %and3A, %sub3A_66, %div3A : i32
    %mul3A_67 = arith.constant 4096 : i32
    %mul3A_68 = arith.muli %select_n3A, %mul3A_67 : i32
    %rem3A_69 = arith.constant 128 : i32
    %rem3A_70 = arith.remsi %mul3A_50, %rem3A_69 : i32
    %mul3A_71 = arith.constant 32 : i32
    %mul3A_72 = arith.muli %rem3A_70, %mul3A_71 : i32
    %add3A_73 = arith.addi %mul3A_68, %mul3A_72 : i32
    %dma_start3A = arith.constant 0 : i32
    %dma_start3A_74 = arith.constant 0 : i32
    %dma_start3A_75 = arith.constant 0 : i32
    %dma_start3A_76 = tpu.memref_slice %arg4[%dma_start3A, %dma_start3A_74, %dma_start3A_75] : memref<2x32x128xf32, #tpu.memory_space<vmem>> -> memref<1x32x128xf32, #tpu.memory_space<vmem>>
    %dma_start3A_77 = tpu.memref_squeeze %dma_start3A_76 : memref<1x32x128xf32, #tpu.memory_space<vmem>> -> memref<32x128xf32, #tpu.memory_space<vmem>>
    %dma_start3A_78 = arith.constant 0 : i32
    %dma_start3A_79 = tpu.memref_slice %arg2[%add3A_73, %dma_start3A_78] : memref<819200x128xf32, #tpu.memory_space<hbm>> -> memref<32x128xf32, #tpu.memory_space<hbm>>
    %dma_start3A_80 = arith.constant 0 : i32
    %dma_start3A_81 = arith.constant 0 : i32
    %dma_start3A_82 = tpu.memref_slice %arg4[%dma_start3A, %dma_start3A_80, %dma_start3A_81] : memref<2x32x128xf32, #tpu.memory_space<vmem>> -> memref<1x32x128xf32, #tpu.memory_space<vmem>>
    %dma_start3A_83 = tpu.memref_squeeze %dma_start3A_82 : memref<1x32x128xf32, #tpu.memory_space<vmem>> -> memref<32x128xf32, #tpu.memory_space<vmem>>
    %dma_start3A_84 = arith.constant 0 : i32
    %dma_start3A_85 = tpu.memref_slice %arg2[%add3A_73, %dma_start3A_84] : memref<819200x128xf32, #tpu.memory_space<hbm>> -> memref<32x128xf32, #tpu.memory_space<hbm>>
    tpu.enqueue_dma source(%dma_start3A_85 : memref<32x128xf32, #tpu.memory_space<hbm>>) target(%dma_start3A_83 : memref<32x128xf32, #tpu.memory_space<vmem>>) target_semaphore(%arg6 : memref<!tpu.dma_semaphore, #tpu.memory_space<semaphore_mem>>)
    %add3A_86 = arith.constant 1 : i32
    %add3A_87 = arith.addi %mul3A_50, %add3A_86 : i32
    %jit3A_88 = arith.constant 128 : i32
    %div3A_89 = arith.divsi %add3A_87, %jit3A_88 : i32
    %sign3A_90 = arith.constant 0 : i32
    %sign3A_91 = arith.cmpi sgt, %add3A_87, %sign3A_90 : i32
    %sign3A_92 = arith.extui %sign3A_91 : i1 to i32
    %sign3A_93 = arith.constant 0 : i32
    %sign3A_94 = arith.cmpi slt, %add3A_87, %sign3A_93 : i32
    %sign3A_95 = arith.extui %sign3A_94 : i1 to i32
    %sign3A_96 = arith.subi %sign3A_92, %sign3A_95 : i32
    %sign3A_97 = arith.constant 0 : i32
    %sign3A_98 = arith.cmpi sgt, %jit3A_88, %sign3A_97 : i32
    %sign3A_99 = arith.extui %sign3A_98 : i1 to i32
    %sign3A_100 = arith.constant 0 : i32
    %sign3A_101 = arith.cmpi slt, %jit3A_88, %sign3A_100 : i32
    %sign3A_102 = arith.extui %sign3A_101 : i1 to i32
    %sign3A_103 = arith.subi %sign3A_99, %sign3A_102 : i32
    %ne3A_104 = arith.cmpi ne, %sign3A_96, %sign3A_103 : i32
    %rem3A_105 = arith.remsi %add3A_87, %jit3A_88 : i32
    %ne3A_106 = arith.constant 0 : i32
    %ne3A_107 = arith.cmpi ne, %rem3A_105, %ne3A_106 : i32
    %and3A_108 = arith.andi %ne3A_104, %ne3A_107 : i1
    %sub3A_109 = arith.constant 1 : i32
    %sub3A_110 = arith.subi %div3A_89, %sub3A_109 : i32
    %select_n3A_111 = arith.select %and3A_108, %sub3A_110, %div3A_89 : i32
    %mul3A_112 = arith.constant 4096 : i32
    %mul3A_113 = arith.muli %select_n3A_111, %mul3A_112 : i32
    %rem3A_114 = arith.constant 128 : i32
    %rem3A_115 = arith.remsi %add3A_87, %rem3A_114 : i32
    %mul3A_116 = arith.constant 32 : i32
    %mul3A_117 = arith.muli %rem3A_115, %mul3A_116 : i32
    %add3A_118 = arith.addi %mul3A_113, %mul3A_117 : i32
    %dma_start3A_119 = arith.constant 1 : i32
    %dma_start3A_120 = arith.constant 0 : i32
    %dma_start3A_121 = arith.constant 0 : i32
    %dma_start3A_122 = tpu.memref_slice %arg4[%dma_start3A_119, %dma_start3A_120, %dma_start3A_121] : memref<2x32x128xf32, #tpu.memory_space<vmem>> -> memref<1x32x128xf32, #tpu.memory_space<vmem>>
    %dma_start3A_123 = tpu.memref_squeeze %dma_start3A_122 : memref<1x32x128xf32, #tpu.memory_space<vmem>> -> memref<32x128xf32, #tpu.memory_space<vmem>>
    %dma_start3A_124 = arith.constant 0 : i32
    %dma_start3A_125 = tpu.memref_slice %arg2[%add3A_118, %dma_start3A_124] : memref<819200x128xf32, #tpu.memory_space<hbm>> -> memref<32x128xf32, #tpu.memory_space<hbm>>
    %dma_start3A_126 = arith.constant 0 : i32
    %dma_start3A_127 = arith.constant 0 : i32
    %dma_start3A_128 = tpu.memref_slice %arg4[%dma_start3A_119, %dma_start3A_126, %dma_start3A_127] : memref<2x32x128xf32, #tpu.memory_space<vmem>> -> memref<1x32x128xf32, #tpu.memory_space<vmem>>
    %dma_start3A_129 = tpu.memref_squeeze %dma_start3A_128 : memref<1x32x128xf32, #tpu.memory_space<vmem>> -> memref<32x128xf32, #tpu.memory_space<vmem>>
    %dma_start3A_130 = arith.constant 0 : i32
    %dma_start3A_131 = tpu.memref_slice %arg2[%add3A_118, %dma_start3A_130] : memref<819200x128xf32, #tpu.memory_space<hbm>> -> memref<32x128xf32, #tpu.memory_space<hbm>>
    tpu.enqueue_dma source(%dma_start3A_131 : memref<32x128xf32, #tpu.memory_space<hbm>>) target(%dma_start3A_129 : memref<32x128xf32, #tpu.memory_space<vmem>>) target_semaphore(%arg7 : memref<!tpu.dma_semaphore, #tpu.memory_space<semaphore_mem>>)
    %dma_wait3A = arith.constant 0 : i32
    %dma_wait3A_132 = arith.constant 0 : i32
    %dma_wait3A_133 = arith.constant 0 : i32
    %dma_wait3A_134 = tpu.memref_slice %arg4[%dma_wait3A, %dma_wait3A_132, %dma_wait3A_133] : memref<2x32x128xf32, #tpu.memory_space<vmem>> -> memref<1x32x128xf32, #tpu.memory_space<vmem>>
    %dma_wait3A_135 = tpu.memref_squeeze %dma_wait3A_134 : memref<1x32x128xf32, #tpu.memory_space<vmem>> -> memref<32x128xf32, #tpu.memory_space<vmem>>
    %dma_wait3A_136 = arith.constant 0 : i32
    %dma_wait3A_137 = arith.constant 0 : i32
    %dma_wait3A_138 = tpu.memref_slice %arg2[%dma_wait3A_136, %dma_wait3A_137] : memref<819200x128xf32, #tpu.memory_space<hbm>> -> memref<32x128xf32, #tpu.memory_space<hbm>>
    %dma_wait3A_139 = arith.constant 0 : i32
    %dma_wait3A_140 = arith.constant 0 : i32
    %dma_wait3A_141 = tpu.memref_slice %arg4[%dma_wait3A, %dma_wait3A_139, %dma_wait3A_140] : memref<2x32x128xf32, #tpu.memory_space<vmem>> -> memref<1x32x128xf32, #tpu.memory_space<vmem>>
    %dma_wait3A_142 = tpu.memref_squeeze %dma_wait3A_141 : memref<1x32x128xf32, #tpu.memory_space<vmem>> -> memref<32x128xf32, #tpu.memory_space<vmem>>
    %dma_wait3A_143 = arith.constant 0 : i32
    %dma_wait3A_144 = arith.constant 0 : i32
    %dma_wait3A_145 = tpu.memref_slice %arg2[%dma_wait3A_143, %dma_wait3A_144] : memref<819200x128xf32, #tpu.memory_space<hbm>> -> memref<32x128xf32, #tpu.memory_space<hbm>>
    tpu.wait_dma2 semaphore(%arg6 : memref<!tpu.dma_semaphore, #tpu.memory_space<semaphore_mem>>) src(%dma_wait3A_145 : memref<32x128xf32, #tpu.memory_space<hbm>>) dst(%dma_wait3A_142 : memref<32x128xf32, #tpu.memory_space<vmem>>)
    %scan3A = arith.constant 0 : i32
    %scan3A_146 = arith.constant 0 : i32
    %scan3A_147 = arith.constant 32 : i32
    %scan3A_148 = arith.addi %scan3A_146, %scan3A_147 : i32
    %scan3A_149 = arith.constant 2 : i32
    scf.for %scan3A_400 = %scan3A_146 to %scan3A_148 step %scan3A_149  : i32 {
      %add3A_401 = vector.broadcast %scan3A_400 : i32 to vector<16xi32>
      %add3A_402 = arith.addi %mul3A_6, %add3A_401 : vector<16xi32>
      %shift_right_logical3A = arith.constant 7 : i32
      %shift_right_logical3A_403 = vector.broadcast %shift_right_logical3A : i32 to vector<16xi32>
      %shift_right_logical3A_404 = arith.shrui %add3A_402, %shift_right_logical3A_403 : vector<16xi32>
      %and3A_405 = arith.constant 127 : i32
      %and3A_406 = vector.broadcast %and3A_405 : i32 to vector<16xi32>
      %and3A_407 = arith.andi %add3A_402, %and3A_406 : vector<16xi32>
      %gather3A = arith.constant 0 : i32
      %gather3A_408 = arith.constant 0 : i32
      %gather3A_409 = arith.constant 0 : i32
      %gather3A_410 = tpu.memref_slice %arg4[%gather3A, %gather3A_408, %gather3A_409] : memref<2x32x128xf32, #tpu.memory_space<vmem>> -> memref<1x32x128xf32, #tpu.memory_space<vmem>>
      %gather3A_411 = tpu.memref_squeeze %gather3A_410 : memref<1x32x128xf32, #tpu.memory_space<vmem>> -> memref<32x128xf32, #tpu.memory_space<vmem>>
      %gather3A_412 = tpu.vector_load_idx %gather3A_411[%shift_right_logical3A_404, %and3A_407] : memref<32x128xf32, #tpu.memory_space<vmem>>[vector<16xi32>, vector<16xi32>], vector<16xf32>,
      %swap3A = arith.constant 0 : i32
      %swap3A_413 = arith.index_cast %swap3A : i32 to index
      %swap3A_414 = arith.index_cast %scan3A_400 : i32 to index
      %swap3A_415 = arith.constant 0 : index
      %swap3A_416 = tpu.vector_load %arg5[%swap3A_413, %swap3A_414, %swap3A_415] {strides = array<i32>} : memref<2x32x128xf32, #tpu.memory_space<vmem>>, vector<16xf32>,
      tpu.vector_store %arg5[%swap3A_413, %swap3A_414, %swap3A_415], %gather3A_412 {strides = array<i32>} : memref<2x32x128xf32, #tpu.memory_space<vmem>>, vector<16xf32>,
      %add3A_417 = vector.broadcast %scan3A_400 : i32 to vector<16xi32>
      %add3A_418 = arith.addi %mul3A_12, %add3A_417 : vector<16xi32>
      %shift_right_logical3A_419 = arith.constant 7 : i32
      %shift_right_logical3A_420 = vector.broadcast %shift_right_logical3A_419 : i32 to vector<16xi32>
      %shift_right_logical3A_421 = arith.shrui %add3A_418, %shift_right_logical3A_420 : vector<16xi32>
      %and3A_422 = arith.constant 127 : i32
      %and3A_423 = vector.broadcast %and3A_422 : i32 to vector<16xi32>
      %and3A_424 = arith.andi %add3A_418, %and3A_423 : vector<16xi32>
      %gather3A_425 = arith.constant 0 : i32
      %gather3A_426 = arith.constant 0 : i32
      %gather3A_427 = arith.constant 0 : i32
      %gather3A_428 = tpu.memref_slice %arg4[%gather3A_425, %gather3A_426, %gather3A_427] : memref<2x32x128xf32, #tpu.memory_space<vmem>> -> memref<1x32x128xf32, #tpu.memory_space<vmem>>
      %gather3A_429 = tpu.memref_squeeze %gather3A_428 : memref<1x32x128xf32, #tpu.memory_space<vmem>> -> memref<32x128xf32, #tpu.memory_space<vmem>>
      %gather3A_430 = tpu.vector_load_idx %gather3A_429[%shift_right_logical3A_421, %and3A_424] : memref<32x128xf32, #tpu.memory_space<vmem>>[vector<16xi32>, vector<16xi32>], vector<16xf32>,
      %swap3A_431 = arith.constant 0 : i32
      %swap3A_432 = arith.index_cast %swap3A_431 : i32 to index
      %swap3A_433 = arith.index_cast %scan3A_400 : i32 to index
      %swap3A_434 = arith.constant 16 : index
      %swap3A_435 = tpu.vector_load %arg5[%swap3A_432, %swap3A_433, %swap3A_434] {strides = array<i32>} : memref<2x32x128xf32, #tpu.memory_space<vmem>>, vector<16xf32>,
      tpu.vector_store %arg5[%swap3A_432, %swap3A_433, %swap3A_434], %gather3A_430 {strides = array<i32>} : memref<2x32x128xf32, #tpu.memory_space<vmem>>, vector<16xf32>,
      %add3A_436 = vector.broadcast %scan3A_400 : i32 to vector<16xi32>
      %add3A_437 = arith.addi %mul3A_18, %add3A_436 : vector<16xi32>
      %shift_right_logical3A_438 = arith.constant 7 : i32
      %shift_right_logical3A_439 = vector.broadcast %shift_right_logical3A_438 : i32 to vector<16xi32>
      %shift_right_logical3A_440 = arith.shrui %add3A_437, %shift_right_logical3A_439 : vector<16xi32>
      %and3A_441 = arith.constant 127 : i32
      %and3A_442 = vector.broadcast %and3A_441 : i32 to vector<16xi32>
      %and3A_443 = arith.andi %add3A_437, %and3A_442 : vector<16xi32>
      %gather3A_444 = arith.constant 0 : i32
      %gather3A_445 = arith.constant 0 : i32
      %gather3A_446 = arith.constant 0 : i32
      %gather3A_447 = tpu.memref_slice %arg4[%gather3A_444, %gather3A_445, %gather3A_446] : memref<2x32x128xf32, #tpu.memory_space<vmem>> -> memref<1x32x128xf32, #tpu.memory_space<vmem>>
      %gather3A_448 = tpu.memref_squeeze %gather3A_447 : memref<1x32x128xf32, #tpu.memory_space<vmem>> -> memref<32x128xf32, #tpu.memory_space<vmem>>
      %gather3A_449 = tpu.vector_load_idx %gather3A_448[%shift_right_logical3A_440, %and3A_443] : memref<32x128xf32, #tpu.memory_space<vmem>>[vector<16xi32>, vector<16xi32>], vector<16xf32>,
      %swap3A_450 = arith.constant 0 : i32
      %swap3A_451 = arith.index_cast %swap3A_450 : i32 to index
      %swap3A_452 = arith.index_cast %scan3A_400 : i32 to index
      %swap3A_453 = arith.constant 32 : index
      %swap3A_454 = tpu.vector_load %arg5[%swap3A_451, %swap3A_452, %swap3A_453] {strides = array<i32>} : memref<2x32x128xf32, #tpu.memory_space<vmem>>, vector<16xf32>,
      tpu.vector_store %arg5[%swap3A_451, %swap3A_452, %swap3A_453], %gather3A_449 {strides = array<i32>} : memref<2x32x128xf32, #tpu.memory_space<vmem>>, vector<16xf32>,
      %add3A_455 = vector.broadcast %scan3A_400 : i32 to vector<16xi32>
      %add3A_456 = arith.addi %mul3A_24, %add3A_455 : vector<16xi32>
      %shift_right_logical3A_457 = arith.constant 7 : i32
      %shift_right_logical3A_458 = vector.broadcast %shift_right_logical3A_457 : i32 to vector<16xi32>
      %shift_right_logical3A_459 = arith.shrui %add3A_456, %shift_right_logical3A_458 : vector<16xi32>
      %and3A_460 = arith.constant 127 : i32
      %and3A_461 = vector.broadcast %and3A_460 : i32 to vector<16xi32>
      %and3A_462 = arith.andi %add3A_456, %and3A_461 : vector<16xi32>
      %gather3A_463 = arith.constant 0 : i32
      %gather3A_464 = arith.constant 0 : i32
      %gather3A_465 = arith.constant 0 : i32
      %gather3A_466 = tpu.memref_slice %arg4[%gather3A_463, %gather3A_464, %gather3A_465] : memref<2x32x128xf32, #tpu.memory_space<vmem>> -> memref<1x32x128xf32, #tpu.memory_space<vmem>>
      %gather3A_467 = tpu.memref_squeeze %gather3A_466 : memref<1x32x128xf32, #tpu.memory_space<vmem>> -> memref<32x128xf32, #tpu.memory_space<vmem>>
      %gather3A_468 = tpu.vector_load_idx %gather3A_467[%shift_right_logical3A_459, %and3A_462] : memref<32x128xf32, #tpu.memory_space<vmem>>[vector<16xi32>, vector<16xi32>], vector<16xf32>,
      %swap3A_469 = arith.constant 0 : i32
      %swap3A_470 = arith.index_cast %swap3A_469 : i32 to index
      %swap3A_471 = arith.index_cast %scan3A_400 : i32 to index
      %swap3A_472 = arith.constant 48 : index
      %swap3A_473 = tpu.vector_load %arg5[%swap3A_470, %swap3A_471, %swap3A_472] {strides = array<i32>} : memref<2x32x128xf32, #tpu.memory_space<vmem>>, vector<16xf32>,
      tpu.vector_store %arg5[%swap3A_470, %swap3A_471, %swap3A_472], %gather3A_468 {strides = array<i32>} : memref<2x32x128xf32, #tpu.memory_space<vmem>>, vector<16xf32>,
      %add3A_474 = vector.broadcast %scan3A_400 : i32 to vector<16xi32>
      %add3A_475 = arith.addi %mul3A_30, %add3A_474 : vector<16xi32>
      %shift_right_logical3A_476 = arith.constant 7 : i32
      %shift_right_logical3A_477 = vector.broadcast %shift_right_logical3A_476 : i32 to vector<16xi32>
      %shift_right_logical3A_478 = arith.shrui %add3A_475, %shift_right_logical3A_477 : vector<16xi32>
      %and3A_479 = arith.constant 127 : i32
      %and3A_480 = vector.broadcast %and3A_479 : i32 to vector<16xi32>
      %and3A_481 = arith.andi %add3A_475, %and3A_480 : vector<16xi32>
      %gather3A_482 = arith.constant 0 : i32
      %gather3A_483 = arith.constant 0 : i32
      %gather3A_484 = arith.constant 0 : i32
      %gather3A_485 = tpu.memref_slice %arg4[%gather3A_482, %gather3A_483, %gather3A_484] : memref<2x32x128xf32, #tpu.memory_space<vmem>> -> memref<1x32x128xf32, #tpu.memory_space<vmem>>
      %gather3A_486 = tpu.memref_squeeze %gather3A_485 : memref<1x32x128xf32, #tpu.memory_space<vmem>> -> memref<32x128xf32, #tpu.memory_space<vmem>>
      %gather3A_487 = tpu.vector_load_idx %gather3A_486[%shift_right_logical3A_478, %and3A_481] : memref<32x128xf32, #tpu.memory_space<vmem>>[vector<16xi32>, vector<16xi32>], vector<16xf32>,
      %swap3A_488 = arith.constant 0 : i32
      %swap3A_489 = arith.index_cast %swap3A_488 : i32 to index
      %swap3A_490 = arith.index_cast %scan3A_400 : i32 to index
      %swap3A_491 = arith.constant 64 : index
      %swap3A_492 = tpu.vector_load %arg5[%swap3A_489, %swap3A_490, %swap3A_491] {strides = array<i32>} : memref<2x32x128xf32, #tpu.memory_space<vmem>>, vector<16xf32>,
      tpu.vector_store %arg5[%swap3A_489, %swap3A_490, %swap3A_491], %gather3A_487 {strides = array<i32>} : memref<2x32x128xf32, #tpu.memory_space<vmem>>, vector<16xf32>,
      %add3A_493 = vector.broadcast %scan3A_400 : i32 to vector<16xi32>
      %add3A_494 = arith.addi %mul3A_36, %add3A_493 : vector<16xi32>
      %shift_right_logical3A_495 = arith.constant 7 : i32
      %shift_right_logical3A_496 = vector.broadcast %shift_right_logical3A_495 : i32 to vector<16xi32>
      %shift_right_logical3A_497 = arith.shrui %add3A_494, %shift_right_logical3A_496 : vector<16xi32>
      %and3A_498 = arith.constant 127 : i32
      %and3A_499 = vector.broadcast %and3A_498 : i32 to vector<16xi32>
      %and3A_500 = arith.andi %add3A_494, %and3A_499 : vector<16xi32>
      %gather3A_501 = arith.constant 0 : i32
      %gather3A_502 = arith.constant 0 : i32
      %gather3A_503 = arith.constant 0 : i32
      %gather3A_504 = tpu.memref_slice %arg4[%gather3A_501, %gather3A_502, %gather3A_503] : memref<2x32x128xf32, #tpu.memory_space<vmem>> -> memref<1x32x128xf32, #tpu.memory_space<vmem>>
      %gather3A_505 = tpu.memref_squeeze %gather3A_504 : memref<1x32x128xf32, #tpu.memory_space<vmem>> -> memref<32x128xf32, #tpu.memory_space<vmem>>
      %gather3A_506 = tpu.vector_load_idx %gather3A_505[%shift_right_logical3A_497, %and3A_500] : memref<32x128xf32, #tpu.memory_space<vmem>>[vector<16xi32>, vector<16xi32>], vector<16xf32>,
      %swap3A_507 = arith.constant 0 : i32
      %swap3A_508 = arith.index_cast %swap3A_507 : i32 to index
      %swap3A_509 = arith.index_cast %scan3A_400 : i32 to index
      %swap3A_510 = arith.constant 80 : index
      %swap3A_511 = tpu.vector_load %arg5[%swap3A_508, %swap3A_509, %swap3A_510] {strides = array<i32>} : memref<2x32x128xf32, #tpu.memory_space<vmem>>, vector<16xf32>,
      tpu.vector_store %arg5[%swap3A_508, %swap3A_509, %swap3A_510], %gather3A_506 {strides = array<i32>} : memref<2x32x128xf32, #tpu.memory_space<vmem>>, vector<16xf32>,
      %add3A_512 = vector.broadcast %scan3A_400 : i32 to vector<16xi32>
      %add3A_513 = arith.addi %mul3A_42, %add3A_512 : vector<16xi32>
      %shift_right_logical3A_514 = arith.constant 7 : i32
      %shift_right_logical3A_515 = vector.broadcast %shift_right_logical3A_514 : i32 to vector<16xi32>
      %shift_right_logical3A_516 = arith.shrui %add3A_513, %shift_right_logical3A_515 : vector<16xi32>
      %and3A_517 = arith.constant 127 : i32
      %and3A_518 = vector.broadcast %and3A_517 : i32 to vector<16xi32>
      %and3A_519 = arith.andi %add3A_513, %and3A_518 : vector<16xi32>
      %gather3A_520 = arith.constant 0 : i32
      %gather3A_521 = arith.constant 0 : i32
      %gather3A_522 = arith.constant 0 : i32
      %gather3A_523 = tpu.memref_slice %arg4[%gather3A_520, %gather3A_521, %gather3A_522] : memref<2x32x128xf32, #tpu.memory_space<vmem>> -> memref<1x32x128xf32, #tpu.memory_space<vmem>>
      %gather3A_524 = tpu.memref_squeeze %gather3A_523 : memref<1x32x128xf32, #tpu.memory_space<vmem>> -> memref<32x128xf32, #tpu.memory_space<vmem>>
      %gather3A_525 = tpu.vector_load_idx %gather3A_524[%shift_right_logical3A_516, %and3A_519] : memref<32x128xf32, #tpu.memory_space<vmem>>[vector<16xi32>, vector<16xi32>], vector<16xf32>,
      %swap3A_526 = arith.constant 0 : i32
      %swap3A_527 = arith.index_cast %swap3A_526 : i32 to index
      %swap3A_528 = arith.index_cast %scan3A_400 : i32 to index
      %swap3A_529 = arith.constant 96 : index
      %swap3A_530 = tpu.vector_load %arg5[%swap3A_527, %swap3A_528, %swap3A_529] {strides = array<i32>} : memref<2x32x128xf32, #tpu.memory_space<vmem>>, vector<16xf32>,
      tpu.vector_store %arg5[%swap3A_527, %swap3A_528, %swap3A_529], %gather3A_525 {strides = array<i32>} : memref<2x32x128xf32, #tpu.memory_space<vmem>>, vector<16xf32>,
      %add3A_531 = vector.broadcast %scan3A_400 : i32 to vector<16xi32>
      %add3A_532 = arith.addi %mul3A_48, %add3A_531 : vector<16xi32>
      %shift_right_logical3A_533 = arith.constant 7 : i32
      %shift_right_logical3A_534 = vector.broadcast %shift_right_logical3A_533 : i32 to vector<16xi32>
      %shift_right_logical3A_535 = arith.shrui %add3A_532, %shift_right_logical3A_534 : vector<16xi32>
      %and3A_536 = arith.constant 127 : i32
      %and3A_537 = vector.broadcast %and3A_536 : i32 to vector<16xi32>
      %and3A_538 = arith.andi %add3A_532, %and3A_537 : vector<16xi32>
      %gather3A_539 = arith.constant 0 : i32
      %gather3A_540 = arith.constant 0 : i32
      %gather3A_541 = arith.constant 0 : i32
      %gather3A_542 = tpu.memref_slice %arg4[%gather3A_539, %gather3A_540, %gather3A_541] : memref<2x32x128xf32, #tpu.memory_space<vmem>> -> memref<1x32x128xf32, #tpu.memory_space<vmem>>
      %gather3A_543 = tpu.memref_squeeze %gather3A_542 : memref<1x32x128xf32, #tpu.memory_space<vmem>> -> memref<32x128xf32, #tpu.memory_space<vmem>>
      %gather3A_544 = tpu.vector_load_idx %gather3A_543[%shift_right_logical3A_535, %and3A_538] : memref<32x128xf32, #tpu.memory_space<vmem>>[vector<16xi32>, vector<16xi32>], vector<16xf32>,
      %swap3A_545 = arith.constant 0 : i32
      %swap3A_546 = arith.index_cast %swap3A_545 : i32 to index
      %swap3A_547 = arith.index_cast %scan3A_400 : i32 to index
      %swap3A_548 = arith.constant 112 : index
      %swap3A_549 = tpu.vector_load %arg5[%swap3A_546, %swap3A_547, %swap3A_548] {strides = array<i32>} : memref<2x32x128xf32, #tpu.memory_space<vmem>>, vector<16xf32>,
      tpu.vector_store %arg5[%swap3A_546, %swap3A_547, %swap3A_548], %gather3A_544 {strides = array<i32>} : memref<2x32x128xf32, #tpu.memory_space<vmem>>, vector<16xf32>,
      %scan3A_550 = arith.constant 1 : i32
      %scan3A_551 = arith.addi %scan3A_400, %scan3A_550 : i32
      %add3A_552 = vector.broadcast %scan3A_551 : i32 to vector<16xi32>
      %add3A_553 = arith.addi %mul3A_6, %add3A_552 : vector<16xi32>
      %shift_right_logical3A_554 = arith.constant 7 : i32
      %shift_right_logical3A_555 = vector.broadcast %shift_right_logical3A_554 : i32 to vector<16xi32>
      %shift_right_logical3A_556 = arith.shrui %add3A_553, %shift_right_logical3A_555 : vector<16xi32>
      %and3A_557 = arith.constant 127 : i32
      %and3A_558 = vector.broadcast %and3A_557 : i32 to vector<16xi32>
      %and3A_559 = arith.andi %add3A_553, %and3A_558 : vector<16xi32>
      %gather3A_560 = arith.constant 0 : i32
      %gather3A_561 = arith.constant 0 : i32
      %gather3A_562 = arith.constant 0 : i32
      %gather3A_563 = tpu.memref_slice %arg4[%gather3A_560, %gather3A_561, %gather3A_562] : memref<2x32x128xf32, #tpu.memory_space<vmem>> -> memref<1x32x128xf32, #tpu.memory_space<vmem>>
      %gather3A_564 = tpu.memref_squeeze %gather3A_563 : memref<1x32x128xf32, #tpu.memory_space<vmem>> -> memref<32x128xf32, #tpu.memory_space<vmem>>
      %gather3A_565 = tpu.vector_load_idx %gather3A_564[%shift_right_logical3A_556, %and3A_559] : memref<32x128xf32, #tpu.memory_space<vmem>>[vector<16xi32>, vector<16xi32>], vector<16xf32>,
      %swap3A_566 = arith.constant 0 : i32
      %swap3A_567 = arith.index_cast %swap3A_566 : i32 to index
      %swap3A_568 = arith.index_cast %scan3A_551 : i32 to index
      %swap3A_569 = arith.constant 0 : index
      %swap3A_570 = tpu.vector_load %arg5[%swap3A_567, %swap3A_568, %swap3A_569] {strides = array<i32>} : memref<2x32x128xf32, #tpu.memory_space<vmem>>, vector<16xf32>,
      tpu.vector_store %arg5[%swap3A_567, %swap3A_568, %swap3A_569], %gather3A_565 {strides = array<i32>} : memref<2x32x128xf32, #tpu.memory_space<vmem>>, vector<16xf32>,
      %add3A_571 = vector.broadcast %scan3A_551 : i32 to vector<16xi32>
      %add3A_572 = arith.addi %mul3A_12, %add3A_571 : vector<16xi32>
      %shift_right_logical3A_573 = arith.constant 7 : i32
      %shift_right_logical3A_574 = vector.broadcast %shift_right_logical3A_573 : i32 to vector<16xi32>
      %shift_right_logical3A_575 = arith.shrui %add3A_572, %shift_right_logical3A_574 : vector<16xi32>
      %and3A_576 = arith.constant 127 : i32
      %and3A_577 = vector.broadcast %and3A_576 : i32 to vector<16xi32>
      %and3A_578 = arith.andi %add3A_572, %and3A_577 : vector<16xi32>
      %gather3A_579 = arith.constant 0 : i32
      %gather3A_580 = arith.constant 0 : i32
      %gather3A_581 = arith.constant 0 : i32
      %gather3A_582 = tpu.memref_slice %arg4[%gather3A_579, %gather3A_580, %gather3A_581] : memref<2x32x128xf32, #tpu.memory_space<vmem>> -> memref<1x32x128xf32, #tpu.memory_space<vmem>>
      %gather3A_583 = tpu.memref_squeeze %gather3A_582 : memref<1x32x128xf32, #tpu.memory_space<vmem>> -> memref<32x128xf32, #tpu.memory_space<vmem>>
      %gather3A_584 = tpu.vector_load_idx %gather3A_583[%shift_right_logical3A_575, %and3A_578] : memref<32x128xf32, #tpu.memory_space<vmem>>[vector<16xi32>, vector<16xi32>], vector<16xf32>,
      %swap3A_585 = arith.constant 0 : i32
      %swap3A_586 = arith.index_cast %swap3A_585 : i32 to index
      %swap3A_587 = arith.index_cast %scan3A_551 : i32 to index
      %swap3A_588 = arith.constant 16 : index
      %swap3A_589 = tpu.vector_load %arg5[%swap3A_586, %swap3A_587, %swap3A_588] {strides = array<i32>} : memref<2x32x128xf32, #tpu.memory_space<vmem>>, vector<16xf32>,
      tpu.vector_store %arg5[%swap3A_586, %swap3A_587, %swap3A_588], %gather3A_584 {strides = array<i32>} : memref<2x32x128xf32, #tpu.memory_space<vmem>>, vector<16xf32>,
      %add3A_590 = vector.broadcast %scan3A_551 : i32 to vector<16xi32>
      %add3A_591 = arith.addi %mul3A_18, %add3A_590 : vector<16xi32>
      %shift_right_logical3A_592 = arith.constant 7 : i32
      %shift_right_logical3A_593 = vector.broadcast %shift_right_logical3A_592 : i32 to vector<16xi32>
      %shift_right_logical3A_594 = arith.shrui %add3A_591, %shift_right_logical3A_593 : vector<16xi32>
      %and3A_595 = arith.constant 127 : i32
      %and3A_596 = vector.broadcast %and3A_595 : i32 to vector<16xi32>
      %and3A_597 = arith.andi %add3A_591, %and3A_596 : vector<16xi32>
      %gather3A_598 = arith.constant 0 : i32
      %gather3A_599 = arith.constant 0 : i32
      %gather3A_600 = arith.constant 0 : i32
      %gather3A_601 = tpu.memref_slice %arg4[%gather3A_598, %gather3A_599, %gather3A_600] : memref<2x32x128xf32, #tpu.memory_space<vmem>> -> memref<1x32x128xf32, #tpu.memory_space<vmem>>
      %gather3A_602 = tpu.memref_squeeze %gather3A_601 : memref<1x32x128xf32, #tpu.memory_space<vmem>> -> memref<32x128xf32, #tpu.memory_space<vmem>>
      %gather3A_603 = tpu.vector_load_idx %gather3A_602[%shift_right_logical3A_594, %and3A_597] : memref<32x128xf32, #tpu.memory_space<vmem>>[vector<16xi32>, vector<16xi32>], vector<16xf32>,
      %swap3A_604 = arith.constant 0 : i32
      %swap3A_605 = arith.index_cast %swap3A_604 : i32 to index
      %swap3A_606 = arith.index_cast %scan3A_551 : i32 to index
      %swap3A_607 = arith.constant 32 : index
      %swap3A_608 = tpu.vector_load %arg5[%swap3A_605, %swap3A_606, %swap3A_607] {strides = array<i32>} : memref<2x32x128xf32, #tpu.memory_space<vmem>>, vector<16xf32>,
      tpu.vector_store %arg5[%swap3A_605, %swap3A_606, %swap3A_607], %gather3A_603 {strides = array<i32>} : memref<2x32x128xf32, #tpu.memory_space<vmem>>, vector<16xf32>,
      %add3A_609 = vector.broadcast %scan3A_551 : i32 to vector<16xi32>
      %add3A_610 = arith.addi %mul3A_24, %add3A_609 : vector<16xi32>
      %shift_right_logical3A_611 = arith.constant 7 : i32
      %shift_right_logical3A_612 = vector.broadcast %shift_right_logical3A_611 : i32 to vector<16xi32>
      %shift_right_logical3A_613 = arith.shrui %add3A_610, %shift_right_logical3A_612 : vector<16xi32>
      %and3A_614 = arith.constant 127 : i32
      %and3A_615 = vector.broadcast %and3A_614 : i32 to vector<16xi32>
      %and3A_616 = arith.andi %add3A_610, %and3A_615 : vector<16xi32>
      %gather3A_617 = arith.constant 0 : i32
      %gather3A_618 = arith.constant 0 : i32
      %gather3A_619 = arith.constant 0 : i32
      %gather3A_620 = tpu.memref_slice %arg4[%gather3A_617, %gather3A_618, %gather3A_619] : memref<2x32x128xf32, #tpu.memory_space<vmem>> -> memref<1x32x128xf32, #tpu.memory_space<vmem>>
      %gather3A_621 = tpu.memref_squeeze %gather3A_620 : memref<1x32x128xf32, #tpu.memory_space<vmem>> -> memref<32x128xf32, #tpu.memory_space<vmem>>
      %gather3A_622 = tpu.vector_load_idx %gather3A_621[%shift_right_logical3A_613, %and3A_616] : memref<32x128xf32, #tpu.memory_space<vmem>>[vector<16xi32>, vector<16xi32>], vector<16xf32>,
      %swap3A_623 = arith.constant 0 : i32
      %swap3A_624 = arith.index_cast %swap3A_623 : i32 to index
      %swap3A_625 = arith.index_cast %scan3A_551 : i32 to index
      %swap3A_626 = arith.constant 48 : index
      %swap3A_627 = tpu.vector_load %arg5[%swap3A_624, %swap3A_625, %swap3A_626] {strides = array<i32>} : memref<2x32x128xf32, #tpu.memory_space<vmem>>, vector<16xf32>,
      tpu.vector_store %arg5[%swap3A_624, %swap3A_625, %swap3A_626], %gather3A_622 {strides = array<i32>} : memref<2x32x128xf32, #tpu.memory_space<vmem>>, vector<16xf32>,
      %add3A_628 = vector.broadcast %scan3A_551 : i32 to vector<16xi32>
      %add3A_629 = arith.addi %mul3A_30, %add3A_628 : vector<16xi32>
      %shift_right_logical3A_630 = arith.constant 7 : i32
      %shift_right_logical3A_631 = vector.broadcast %shift_right_logical3A_630 : i32 to vector<16xi32>
      %shift_right_logical3A_632 = arith.shrui %add3A_629, %shift_right_logical3A_631 : vector<16xi32>
      %and3A_633 = arith.constant 127 : i32
      %and3A_634 = vector.broadcast %and3A_633 : i32 to vector<16xi32>
      %and3A_635 = arith.andi %add3A_629, %and3A_634 : vector<16xi32>
      %gather3A_636 = arith.constant 0 : i32
      %gather3A_637 = arith.constant 0 : i32
      %gather3A_638 = arith.constant 0 : i32
      %gather3A_639 = tpu.memref_slice %arg4[%gather3A_636, %gather3A_637, %gather3A_638] : memref<2x32x128xf32, #tpu.memory_space<vmem>> -> memref<1x32x128xf32, #tpu.memory_space<vmem>>
      %gather3A_640 = tpu.memref_squeeze %gather3A_639 : memref<1x32x128xf32, #tpu.memory_space<vmem>> -> memref<32x128xf32, #tpu.memory_space<vmem>>
      %gather3A_641 = tpu.vector_load_idx %gather3A_640[%shift_right_logical3A_632, %and3A_635] : memref<32x128xf32, #tpu.memory_space<vmem>>[vector<16xi32>, vector<16xi32>], vector<16xf32>,
      %swap3A_642 = arith.constant 0 : i32
      %swap3A_643 = arith.index_cast %swap3A_642 : i32 to index
      %swap3A_644 = arith.index_cast %scan3A_551 : i32 to index
      %swap3A_645 = arith.constant 64 : index
      %swap3A_646 = tpu.vector_load %arg5[%swap3A_643, %swap3A_644, %swap3A_645] {strides = array<i32>} : memref<2x32x128xf32, #tpu.memory_space<vmem>>, vector<16xf32>,
      tpu.vector_store %arg5[%swap3A_643, %swap3A_644, %swap3A_645], %gather3A_641 {strides = array<i32>} : memref<2x32x128xf32, #tpu.memory_space<vmem>>, vector<16xf32>,
      %add3A_647 = vector.broadcast %scan3A_551 : i32 to vector<16xi32>
      %add3A_648 = arith.addi %mul3A_36, %add3A_647 : vector<16xi32>
      %shift_right_logical3A_649 = arith.constant 7 : i32
      %shift_right_logical3A_650 = vector.broadcast %shift_right_logical3A_649 : i32 to vector<16xi32>
      %shift_right_logical3A_651 = arith.shrui %add3A_648, %shift_right_logical3A_650 : vector<16xi32>
      %and3A_652 = arith.constant 127 : i32
      %and3A_653 = vector.broadcast %and3A_652 : i32 to vector<16xi32>
      %and3A_654 = arith.andi %add3A_648, %and3A_653 : vector<16xi32>
      %gather3A_655 = arith.constant 0 : i32
      %gather3A_656 = arith.constant 0 : i32
      %gather3A_657 = arith.constant 0 : i32
      %gather3A_658 = tpu.memref_slice %arg4[%gather3A_655, %gather3A_656, %gather3A_657] : memref<2x32x128xf32, #tpu.memory_space<vmem>> -> memref<1x32x128xf32, #tpu.memory_space<vmem>>
      %gather3A_659 = tpu.memref_squeeze %gather3A_658 : memref<1x32x128xf32, #tpu.memory_space<vmem>> -> memref<32x128xf32, #tpu.memory_space<vmem>>
      %gather3A_660 = tpu.vector_load_idx %gather3A_659[%shift_right_logical3A_651, %and3A_654] : memref<32x128xf32, #tpu.memory_space<vmem>>[vector<16xi32>, vector<16xi32>], vector<16xf32>,
      %swap3A_661 = arith.constant 0 : i32
      %swap3A_662 = arith.index_cast %swap3A_661 : i32 to index
      %swap3A_663 = arith.index_cast %scan3A_551 : i32 to index
      %swap3A_664 = arith.constant 80 : index
      %swap3A_665 = tpu.vector_load %arg5[%swap3A_662, %swap3A_663, %swap3A_664] {strides = array<i32>} : memref<2x32x128xf32, #tpu.memory_space<vmem>>, vector<16xf32>,
      tpu.vector_store %arg5[%swap3A_662, %swap3A_663, %swap3A_664], %gather3A_660 {strides = array<i32>} : memref<2x32x128xf32, #tpu.memory_space<vmem>>, vector<16xf32>,
      %add3A_666 = vector.broadcast %scan3A_551 : i32 to vector<16xi32>
      %add3A_667 = arith.addi %mul3A_42, %add3A_666 : vector<16xi32>
      %shift_right_logical3A_668 = arith.constant 7 : i32
      %shift_right_logical3A_669 = vector.broadcast %shift_right_logical3A_668 : i32 to vector<16xi32>
      %shift_right_logical3A_670 = arith.shrui %add3A_667, %shift_right_logical3A_669 : vector<16xi32>
      %and3A_671 = arith.constant 127 : i32
      %and3A_672 = vector.broadcast %and3A_671 : i32 to vector<16xi32>
      %and3A_673 = arith.andi %add3A_667, %and3A_672 : vector<16xi32>
      %gather3A_674 = arith.constant 0 : i32
      %gather3A_675 = arith.constant 0 : i32
      %gather3A_676 = arith.constant 0 : i32
      %gather3A_677 = tpu.memref_slice %arg4[%gather3A_674, %gather3A_675, %gather3A_676] : memref<2x32x128xf32, #tpu.memory_space<vmem>> -> memref<1x32x128xf32, #tpu.memory_space<vmem>>
      %gather3A_678 = tpu.memref_squeeze %gather3A_677 : memref<1x32x128xf32, #tpu.memory_space<vmem>> -> memref<32x128xf32, #tpu.memory_space<vmem>>
      %gather3A_679 = tpu.vector_load_idx %gather3A_678[%shift_right_logical3A_670, %and3A_673] : memref<32x128xf32, #tpu.memory_space<vmem>>[vector<16xi32>, vector<16xi32>], vector<16xf32>,
      %swap3A_680 = arith.constant 0 : i32
      %swap3A_681 = arith.index_cast %swap3A_680 : i32 to index
      %swap3A_682 = arith.index_cast %scan3A_551 : i32 to index
      %swap3A_683 = arith.constant 96 : index
      %swap3A_684 = tpu.vector_load %arg5[%swap3A_681, %swap3A_682, %swap3A_683] {strides = array<i32>} : memref<2x32x128xf32, #tpu.memory_space<vmem>>, vector<16xf32>,
      tpu.vector_store %arg5[%swap3A_681, %swap3A_682, %swap3A_683], %gather3A_679 {strides = array<i32>} : memref<2x32x128xf32, #tpu.memory_space<vmem>>, vector<16xf32>,
      %add3A_685 = vector.broadcast %scan3A_551 : i32 to vector<16xi32>
      %add3A_686 = arith.addi %mul3A_48, %add3A_685 : vector<16xi32>
      %shift_right_logical3A_687 = arith.constant 7 : i32
      %shift_right_logical3A_688 = vector.broadcast %shift_right_logical3A_687 : i32 to vector<16xi32>
      %shift_right_logical3A_689 = arith.shrui %add3A_686, %shift_right_logical3A_688 : vector<16xi32>
      %and3A_690 = arith.constant 127 : i32
      %and3A_691 = vector.broadcast %and3A_690 : i32 to vector<16xi32>
      %and3A_692 = arith.andi %add3A_686, %and3A_691 : vector<16xi32>
      %gather3A_693 = arith.constant 0 : i32
      %gather3A_694 = arith.constant 0 : i32
      %gather3A_695 = arith.constant 0 : i32
      %gather3A_696 = tpu.memref_slice %arg4[%gather3A_693, %gather3A_694, %gather3A_695] : memref<2x32x128xf32, #tpu.memory_space<vmem>> -> memref<1x32x128xf32, #tpu.memory_space<vmem>>
      %gather3A_697 = tpu.memref_squeeze %gather3A_696 : memref<1x32x128xf32, #tpu.memory_space<vmem>> -> memref<32x128xf32, #tpu.memory_space<vmem>>
      %gather3A_698 = tpu.vector_load_idx %gather3A_697[%shift_right_logical3A_689, %and3A_692] : memref<32x128xf32, #tpu.memory_space<vmem>>[vector<16xi32>, vector<16xi32>], vector<16xf32>,
      %swap3A_699 = arith.constant 0 : i32
      %swap3A_700 = arith.index_cast %swap3A_699 : i32 to index
      %swap3A_701 = arith.index_cast %scan3A_551 : i32 to index
      %swap3A_702 = arith.constant 112 : index
      %swap3A_703 = tpu.vector_load %arg5[%swap3A_700, %swap3A_701, %swap3A_702] {strides = array<i32>} : memref<2x32x128xf32, #tpu.memory_space<vmem>>, vector<16xf32>,
      tpu.vector_store %arg5[%swap3A_700, %swap3A_701, %swap3A_702], %gather3A_698 {strides = array<i32>} : memref<2x32x128xf32, #tpu.memory_space<vmem>>, vector<16xf32>,
    }
    %scan3A_150 = arith.constant 32 : i32
    %add3A_151 = arith.constant 0 : i32
    %add3A_152 = arith.addi %mul3A_50, %add3A_151 : i32
    %jit3A_153 = arith.constant 128 : i32
    %div3A_154 = arith.divsi %add3A_152, %jit3A_153 : i32
    %sign3A_155 = arith.constant 0 : i32
    %sign3A_156 = arith.cmpi sgt, %add3A_152, %sign3A_155 : i32
    %sign3A_157 = arith.extui %sign3A_156 : i1 to i32
    %sign3A_158 = arith.constant 0 : i32
    %sign3A_159 = arith.cmpi slt, %add3A_152, %sign3A_158 : i32
    %sign3A_160 = arith.extui %sign3A_159 : i1 to i32
    %sign3A_161 = arith.subi %sign3A_157, %sign3A_160 : i32
    %sign3A_162 = arith.constant 0 : i32
    %sign3A_163 = arith.cmpi sgt, %jit3A_153, %sign3A_162 : i32
    %sign3A_164 = arith.extui %sign3A_163 : i1 to i32
    %sign3A_165 = arith.constant 0 : i32
    %sign3A_166 = arith.cmpi slt, %jit3A_153, %sign3A_165 : i32
    %sign3A_167 = arith.extui %sign3A_166 : i1 to i32
    %sign3A_168 = arith.subi %sign3A_164, %sign3A_167 : i32
    %ne3A_169 = arith.cmpi ne, %sign3A_161, %sign3A_168 : i32
    %rem3A_170 = arith.remsi %add3A_152, %jit3A_153 : i32
    %ne3A_171 = arith.constant 0 : i32
    %ne3A_172 = arith.cmpi ne, %rem3A_170, %ne3A_171 : i32
    %and3A_173 = arith.andi %ne3A_169, %ne3A_172 : i1
    %sub3A_174 = arith.constant 1 : i32
    %sub3A_175 = arith.subi %div3A_154, %sub3A_174 : i32
    %select_n3A_176 = arith.select %and3A_173, %sub3A_175, %div3A_154 : i32
    %rem3A_177 = arith.constant 128 : i32
    %rem3A_178 = arith.remsi %add3A_152, %rem3A_177 : i32
    %mul3A_179 = arith.constant 128 : i32
    %mul3A_180 = arith.muli %rem3A_178, %mul3A_179 : i32
    %dma_start3A_181 = arith.constant 0 : i32
    %dma_start3A_182 = arith.constant 0 : i32
    %dma_start3A_183 = arith.constant 0 : i32
    %dma_start3A_184 = tpu.memref_slice %arg5[%dma_start3A_181, %dma_start3A_182, %dma_start3A_183] : memref<2x32x128xf32, #tpu.memory_space<vmem>> -> memref<1x32x128xf32, #tpu.memory_space<vmem>>
    %dma_start3A_185 = tpu.memref_squeeze %dma_start3A_184 : memref<1x32x128xf32, #tpu.memory_space<vmem>> -> memref<32x128xf32, #tpu.memory_space<vmem>>
    %dma_start3A_186 = arith.constant 0 : i32
    %dma_start3A_187 = tpu.memref_slice %arg3[%select_n3A_176, %dma_start3A_186, %mul3A_180] : memref<200x32x16384xf32, #tpu.memory_space<hbm>> -> memref<1x32x128xf32, #tpu.memory_space<hbm>>
    %dma_start3A_188 = tpu.memref_squeeze %dma_start3A_187 : memref<1x32x128xf32, #tpu.memory_space<hbm>> -> memref<32x128xf32, #tpu.memory_space<hbm>>
    %dma_start3A_189 = arith.constant 0 : i32
    %dma_start3A_190 = tpu.memref_slice %arg3[%select_n3A_176, %dma_start3A_189, %mul3A_180] : memref<200x32x16384xf32, #tpu.memory_space<hbm>> -> memref<1x32x128xf32, #tpu.memory_space<hbm>>
    %dma_start3A_191 = tpu.memref_squeeze %dma_start3A_190 : memref<1x32x128xf32, #tpu.memory_space<hbm>> -> memref<32x128xf32, #tpu.memory_space<hbm>>
    %dma_start3A_192 = arith.constant 0 : i32
    %dma_start3A_193 = arith.constant 0 : i32
    %dma_start3A_194 = tpu.memref_slice %arg5[%dma_start3A_181, %dma_start3A_192, %dma_start3A_193] : memref<2x32x128xf32, #tpu.memory_space<vmem>> -> memref<1x32x128xf32, #tpu.memory_space<vmem>>
    %dma_start3A_195 = tpu.memref_squeeze %dma_start3A_194 : memref<1x32x128xf32, #tpu.memory_space<vmem>> -> memref<32x128xf32, #tpu.memory_space<vmem>>
    tpu.enqueue_dma source(%dma_start3A_195 : memref<32x128xf32, #tpu.memory_space<vmem>>) target(%dma_start3A_191 : memref<32x128xf32, #tpu.memory_space<hbm>>) target_semaphore(%arg8 : memref<!tpu.dma_semaphore, #tpu.memory_space<semaphore_mem>>)
    %add3A_196 = arith.constant 0 : i32
    %add3A_197 = arith.addi %mul3A_50, %add3A_196 : i32
    %add3A_198 = arith.constant 2 : i32
    %add3A_199 = arith.addi %add3A_197, %add3A_198 : i32
    %jit3A_200 = arith.constant 128 : i32
    %div3A_201 = arith.divsi %add3A_199, %jit3A_200 : i32
    %sign3A_202 = arith.constant 0 : i32
    %sign3A_203 = arith.cmpi sgt, %add3A_199, %sign3A_202 : i32
    %sign3A_204 = arith.extui %sign3A_203 : i1 to i32
    %sign3A_205 = arith.constant 0 : i32
    %sign3A_206 = arith.cmpi slt, %add3A_199, %sign3A_205 : i32
    %sign3A_207 = arith.extui %sign3A_206 : i1 to i32
    %sign3A_208 = arith.subi %sign3A_204, %sign3A_207 : i32
    %sign3A_209 = arith.constant 0 : i32
    %sign3A_210 = arith.cmpi sgt, %jit3A_200, %sign3A_209 : i32
    %sign3A_211 = arith.extui %sign3A_210 : i1 to i32
    %sign3A_212 = arith.constant 0 : i32
    %sign3A_213 = arith.cmpi slt, %jit3A_200, %sign3A_212 : i32
    %sign3A_214 = arith.extui %sign3A_213 : i1 to i32
    %sign3A_215 = arith.subi %sign3A_211, %sign3A_214 : i32
    %ne3A_216 = arith.cmpi ne, %sign3A_208, %sign3A_215 : i32
    %rem3A_217 = arith.remsi %add3A_199, %jit3A_200 : i32
    %ne3A_218 = arith.constant 0 : i32
    %ne3A_219 = arith.cmpi ne, %rem3A_217, %ne3A_218 : i32
    %and3A_220 = arith.andi %ne3A_216, %ne3A_219 : i1
    %sub3A_221 = arith.constant 1 : i32
    %sub3A_222 = arith.subi %div3A_201, %sub3A_221 : i32
    %select_n3A_223 = arith.select %and3A_220, %sub3A_222, %div3A_201 : i32
    %mul3A_224 = arith.constant 4096 : i32
    %mul3A_225 = arith.muli %select_n3A_223, %mul3A_224 : i32
    %rem3A_226 = arith.constant 128 : i32
    %rem3A_227 = arith.remsi %add3A_199, %rem3A_226 : i32
    %mul3A_228 = arith.constant 32 : i32
    %mul3A_229 = arith.muli %rem3A_227, %mul3A_228 : i32
    %add3A_230 = arith.addi %mul3A_225, %mul3A_229 : i32
    %dma_start3A_231 = arith.constant 0 : i32
    %dma_start3A_232 = arith.constant 0 : i32
    %dma_start3A_233 = arith.constant 0 : i32
    %dma_start3A_234 = tpu.memref_slice %arg4[%dma_start3A_231, %dma_start3A_232, %dma_start3A_233] : memref<2x32x128xf32, #tpu.memory_space<vmem>> -> memref<1x32x128xf32, #tpu.memory_space<vmem>>
    %dma_start3A_235 = tpu.memref_squeeze %dma_start3A_234 : memref<1x32x128xf32, #tpu.memory_space<vmem>> -> memref<32x128xf32, #tpu.memory_space<vmem>>
    %dma_start3A_236 = arith.constant 0 : i32
    %dma_start3A_237 = tpu.memref_slice %arg2[%add3A_230, %dma_start3A_236] : memref<819200x128xf32, #tpu.memory_space<hbm>> -> memref<32x128xf32, #tpu.memory_space<hbm>>
    %dma_start3A_238 = arith.constant 0 : i32
    %dma_start3A_239 = arith.constant 0 : i32
    %dma_start3A_240 = tpu.memref_slice %arg4[%dma_start3A_231, %dma_start3A_238, %dma_start3A_239] : memref<2x32x128xf32, #tpu.memory_space<vmem>> -> memref<1x32x128xf32, #tpu.memory_space<vmem>>
    %dma_start3A_241 = tpu.memref_squeeze %dma_start3A_240 : memref<1x32x128xf32, #tpu.memory_space<vmem>> -> memref<32x128xf32, #tpu.memory_space<vmem>>
    %dma_start3A_242 = arith.constant 0 : i32
    %dma_start3A_243 = tpu.memref_slice %arg2[%add3A_230, %dma_start3A_242] : memref<819200x128xf32, #tpu.memory_space<hbm>> -> memref<32x128xf32, #tpu.memory_space<hbm>>
    tpu.enqueue_dma source(%dma_start3A_243 : memref<32x128xf32, #tpu.memory_space<hbm>>) target(%dma_start3A_241 : memref<32x128xf32, #tpu.memory_space<vmem>>) target_semaphore(%arg6 : memref<!tpu.dma_semaphore, #tpu.memory_space<semaphore_mem>>)
    %dma_wait3A_244 = arith.constant 1 : i32
    %dma_wait3A_245 = arith.constant 0 : i32
    %dma_wait3A_246 = arith.constant 0 : i32
    %dma_wait3A_247 = tpu.memref_slice %arg4[%dma_wait3A_244, %dma_wait3A_245, %dma_wait3A_246] : memref<2x32x128xf32, #tpu.memory_space<vmem>> -> memref<1x32x128xf32, #tpu.memory_space<vmem>>
    %dma_wait3A_248 = tpu.memref_squeeze %dma_wait3A_247 : memref<1x32x128xf32, #tpu.memory_space<vmem>> -> memref<32x128xf32, #tpu.memory_space<vmem>>
    %dma_wait3A_249 = arith.constant 0 : i32
    %dma_wait3A_250 = arith.constant 0 : i32
    %dma_wait3A_251 = tpu.memref_slice %arg2[%dma_wait3A_249, %dma_wait3A_250] : memref<819200x128xf32, #tpu.memory_space<hbm>> -> memref<32x128xf32, #tpu.memory_space<hbm>>
    %dma_wait3A_252 = arith.constant 0 : i32
    %dma_wait3A_253 = arith.constant 0 : i32
    %dma_wait3A_254 = tpu.memref_slice %arg4[%dma_wait3A_244, %dma_wait3A_252, %dma_wait3A_253] : memref<2x32x128xf32, #tpu.memory_space<vmem>> -> memref<1x32x128xf32, #tpu.memory_space<vmem>>
    %dma_wait3A_255 = tpu.memref_squeeze %dma_wait3A_254 : memref<1x32x128xf32, #tpu.memory_space<vmem>> -> memref<32x128xf32, #tpu.memory_space<vmem>>
    %dma_wait3A_256 = arith.constant 0 : i32
    %dma_wait3A_257 = arith.constant 0 : i32
    %dma_wait3A_258 = tpu.memref_slice %arg2[%dma_wait3A_256, %dma_wait3A_257] : memref<819200x128xf32, #tpu.memory_space<hbm>> -> memref<32x128xf32, #tpu.memory_space<hbm>>
    tpu.wait_dma2 semaphore(%arg7 : memref<!tpu.dma_semaphore, #tpu.memory_space<semaphore_mem>>) src(%dma_wait3A_258 : memref<32x128xf32, #tpu.memory_space<hbm>>) dst(%dma_wait3A_255 : memref<32x128xf32, #tpu.memory_space<vmem>>)
    %scan3A_259 = arith.constant 0 : i32
    %scan3A_260 = arith.constant 0 : i32
    %scan3A_261 = arith.constant 32 : i32
    %scan3A_262 = arith.addi %scan3A_260, %scan3A_261 : i32
    %scan3A_263 = arith.constant 2 : i32
    scf.for %scan3A_400 = %scan3A_260 to %scan3A_262 step %scan3A_263  : i32 {
      %add3A_401 = vector.broadcast %scan3A_400 : i32 to vector<16xi32>
      %add3A_402 = arith.addi %mul3A_6, %add3A_401 : vector<16xi32>
      %shift_right_logical3A = arith.constant 7 : i32
      %shift_right_logical3A_403 = vector.broadcast %shift_right_logical3A : i32 to vector<16xi32>
      %shift_right_logical3A_404 = arith.shrui %add3A_402, %shift_right_logical3A_403 : vector<16xi32>
      %and3A_405 = arith.constant 127 : i32
      %and3A_406 = vector.broadcast %and3A_405 : i32 to vector<16xi32>
      %and3A_407 = arith.andi %add3A_402, %and3A_406 : vector<16xi32>
      %gather3A = arith.constant 1 : i32
      %gather3A_408 = arith.constant 0 : i32
      %gather3A_409 = arith.constant 0 : i32
      %gather3A_410 = tpu.memref_slice %arg4[%gather3A, %gather3A_408, %gather3A_409] : memref<2x32x128xf32, #tpu.memory_space<vmem>> -> memref<1x32x128xf32, #tpu.memory_space<vmem>>
      %gather3A_411 = tpu.memref_squeeze %gather3A_410 : memref<1x32x128xf32, #tpu.memory_space<vmem>> -> memref<32x128xf32, #tpu.memory_space<vmem>>
      %gather3A_412 = tpu.vector_load_idx %gather3A_411[%shift_right_logical3A_404, %and3A_407] : memref<32x128xf32, #tpu.memory_space<vmem>>[vector<16xi32>, vector<16xi32>], vector<16xf32>,
      %swap3A = arith.constant 1 : i32
      %swap3A_413 = arith.index_cast %swap3A : i32 to index
      %swap3A_414 = arith.index_cast %scan3A_400 : i32 to index
      %swap3A_415 = arith.constant 0 : index
      %swap3A_416 = tpu.vector_load %arg5[%swap3A_413, %swap3A_414, %swap3A_415] {strides = array<i32>} : memref<2x32x128xf32, #tpu.memory_space<vmem>>, vector<16xf32>,
      tpu.vector_store %arg5[%swap3A_413, %swap3A_414, %swap3A_415], %gather3A_412 {strides = array<i32>} : memref<2x32x128xf32, #tpu.memory_space<vmem>>, vector<16xf32>,
      %add3A_417 = vector.broadcast %scan3A_400 : i32 to vector<16xi32>
      %add3A_418 = arith.addi %mul3A_12, %add3A_417 : vector<16xi32>
      %shift_right_logical3A_419 = arith.constant 7 : i32
      %shift_right_logical3A_420 = vector.broadcast %shift_right_logical3A_419 : i32 to vector<16xi32>
      %shift_right_logical3A_421 = arith.shrui %add3A_418, %shift_right_logical3A_420 : vector<16xi32>
      %and3A_422 = arith.constant 127 : i32
      %and3A_423 = vector.broadcast %and3A_422 : i32 to vector<16xi32>
      %and3A_424 = arith.andi %add3A_418, %and3A_423 : vector<16xi32>
      %gather3A_425 = arith.constant 1 : i32
      %gather3A_426 = arith.constant 0 : i32
      %gather3A_427 = arith.constant 0 : i32
      %gather3A_428 = tpu.memref_slice %arg4[%gather3A_425, %gather3A_426, %gather3A_427] : memref<2x32x128xf32, #tpu.memory_space<vmem>> -> memref<1x32x128xf32, #tpu.memory_space<vmem>>
      %gather3A_429 = tpu.memref_squeeze %gather3A_428 : memref<1x32x128xf32, #tpu.memory_space<vmem>> -> memref<32x128xf32, #tpu.memory_space<vmem>>
      %gather3A_430 = tpu.vector_load_idx %gather3A_429[%shift_right_logical3A_421, %and3A_424] : memref<32x128xf32, #tpu.memory_space<vmem>>[vector<16xi32>, vector<16xi32>], vector<16xf32>,
      %swap3A_431 = arith.constant 1 : i32
      %swap3A_432 = arith.index_cast %swap3A_431 : i32 to index
      %swap3A_433 = arith.index_cast %scan3A_400 : i32 to index
      %swap3A_434 = arith.constant 16 : index
      %swap3A_435 = tpu.vector_load %arg5[%swap3A_432, %swap3A_433, %swap3A_434] {strides = array<i32>} : memref<2x32x128xf32, #tpu.memory_space<vmem>>, vector<16xf32>,
      tpu.vector_store %arg5[%swap3A_432, %swap3A_433, %swap3A_434], %gather3A_430 {strides = array<i32>} : memref<2x32x128xf32, #tpu.memory_space<vmem>>, vector<16xf32>,
      %add3A_436 = vector.broadcast %scan3A_400 : i32 to vector<16xi32>
      %add3A_437 = arith.addi %mul3A_18, %add3A_436 : vector<16xi32>
      %shift_right_logical3A_438 = arith.constant 7 : i32
      %shift_right_logical3A_439 = vector.broadcast %shift_right_logical3A_438 : i32 to vector<16xi32>
      %shift_right_logical3A_440 = arith.shrui %add3A_437, %shift_right_logical3A_439 : vector<16xi32>
      %and3A_441 = arith.constant 127 : i32
      %and3A_442 = vector.broadcast %and3A_441 : i32 to vector<16xi32>
      %and3A_443 = arith.andi %add3A_437, %and3A_442 : vector<16xi32>
      %gather3A_444 = arith.constant 1 : i32
      %gather3A_445 = arith.constant 0 : i32
      %gather3A_446 = arith.constant 0 : i32
      %gather3A_447 = tpu.memref_slice %arg4[%gather3A_444, %gather3A_445, %gather3A_446] : memref<2x32x128xf32, #tpu.memory_space<vmem>> -> memref<1x32x128xf32, #tpu.memory_space<vmem>>
      %gather3A_448 = tpu.memref_squeeze %gather3A_447 : memref<1x32x128xf32, #tpu.memory_space<vmem>> -> memref<32x128xf32, #tpu.memory_space<vmem>>
      %gather3A_449 = tpu.vector_load_idx %gather3A_448[%shift_right_logical3A_440, %and3A_443] : memref<32x128xf32, #tpu.memory_space<vmem>>[vector<16xi32>, vector<16xi32>], vector<16xf32>,
      %swap3A_450 = arith.constant 1 : i32
      %swap3A_451 = arith.index_cast %swap3A_450 : i32 to index
      %swap3A_452 = arith.index_cast %scan3A_400 : i32 to index
      %swap3A_453 = arith.constant 32 : index
      %swap3A_454 = tpu.vector_load %arg5[%swap3A_451, %swap3A_452, %swap3A_453] {strides = array<i32>} : memref<2x32x128xf32, #tpu.memory_space<vmem>>, vector<16xf32>,
      tpu.vector_store %arg5[%swap3A_451, %swap3A_452, %swap3A_453], %gather3A_449 {strides = array<i32>} : memref<2x32x128xf32, #tpu.memory_space<vmem>>, vector<16xf32>,
      %add3A_455 = vector.broadcast %scan3A_400 : i32 to vector<16xi32>
      %add3A_456 = arith.addi %mul3A_24, %add3A_455 : vector<16xi32>
      %shift_right_logical3A_457 = arith.constant 7 : i32
      %shift_right_logical3A_458 = vector.broadcast %shift_right_logical3A_457 : i32 to vector<16xi32>
      %shift_right_logical3A_459 = arith.shrui %add3A_456, %shift_right_logical3A_458 : vector<16xi32>
      %and3A_460 = arith.constant 127 : i32
      %and3A_461 = vector.broadcast %and3A_460 : i32 to vector<16xi32>
      %and3A_462 = arith.andi %add3A_456, %and3A_461 : vector<16xi32>
      %gather3A_463 = arith.constant 1 : i32
      %gather3A_464 = arith.constant 0 : i32
      %gather3A_465 = arith.constant 0 : i32
      %gather3A_466 = tpu.memref_slice %arg4[%gather3A_463, %gather3A_464, %gather3A_465] : memref<2x32x128xf32, #tpu.memory_space<vmem>> -> memref<1x32x128xf32, #tpu.memory_space<vmem>>
      %gather3A_467 = tpu.memref_squeeze %gather3A_466 : memref<1x32x128xf32, #tpu.memory_space<vmem>> -> memref<32x128xf32, #tpu.memory_space<vmem>>
      %gather3A_468 = tpu.vector_load_idx %gather3A_467[%shift_right_logical3A_459, %and3A_462] : memref<32x128xf32, #tpu.memory_space<vmem>>[vector<16xi32>, vector<16xi32>], vector<16xf32>,
      %swap3A_469 = arith.constant 1 : i32
      %swap3A_470 = arith.index_cast %swap3A_469 : i32 to index
      %swap3A_471 = arith.index_cast %scan3A_400 : i32 to index
      %swap3A_472 = arith.constant 48 : index
      %swap3A_473 = tpu.vector_load %arg5[%swap3A_470, %swap3A_471, %swap3A_472] {strides = array<i32>} : memref<2x32x128xf32, #tpu.memory_space<vmem>>, vector<16xf32>,
      tpu.vector_store %arg5[%swap3A_470, %swap3A_471, %swap3A_472], %gather3A_468 {strides = array<i32>} : memref<2x32x128xf32, #tpu.memory_space<vmem>>, vector<16xf32>,
      %add3A_474 = vector.broadcast %scan3A_400 : i32 to vector<16xi32>
      %add3A_475 = arith.addi %mul3A_30, %add3A_474 : vector<16xi32>
      %shift_right_logical3A_476 = arith.constant 7 : i32
      %shift_right_logical3A_477 = vector.broadcast %shift_right_logical3A_476 : i32 to vector<16xi32>
      %shift_right_logical3A_478 = arith.shrui %add3A_475, %shift_right_logical3A_477 : vector<16xi32>
      %and3A_479 = arith.constant 127 : i32
      %and3A_480 = vector.broadcast %and3A_479 : i32 to vector<16xi32>
      %and3A_481 = arith.andi %add3A_475, %and3A_480 : vector<16xi32>
      %gather3A_482 = arith.constant 1 : i32
      %gather3A_483 = arith.constant 0 : i32
      %gather3A_484 = arith.constant 0 : i32
      %gather3A_485 = tpu.memref_slice %arg4[%gather3A_482, %gather3A_483, %gather3A_484] : memref<2x32x128xf32, #tpu.memory_space<vmem>> -> memref<1x32x128xf32, #tpu.memory_space<vmem>>
      %gather3A_486 = tpu.memref_squeeze %gather3A_485 : memref<1x32x128xf32, #tpu.memory_space<vmem>> -> memref<32x128xf32, #tpu.memory_space<vmem>>
      %gather3A_487 = tpu.vector_load_idx %gather3A_486[%shift_right_logical3A_478, %and3A_481] : memref<32x128xf32, #tpu.memory_space<vmem>>[vector<16xi32>, vector<16xi32>], vector<16xf32>,
      %swap3A_488 = arith.constant 1 : i32
      %swap3A_489 = arith.index_cast %swap3A_488 : i32 to index
      %swap3A_490 = arith.index_cast %scan3A_400 : i32 to index
      %swap3A_491 = arith.constant 64 : index
      %swap3A_492 = tpu.vector_load %arg5[%swap3A_489, %swap3A_490, %swap3A_491] {strides = array<i32>} : memref<2x32x128xf32, #tpu.memory_space<vmem>>, vector<16xf32>,
      tpu.vector_store %arg5[%swap3A_489, %swap3A_490, %swap3A_491], %gather3A_487 {strides = array<i32>} : memref<2x32x128xf32, #tpu.memory_space<vmem>>, vector<16xf32>,
      %add3A_493 = vector.broadcast %scan3A_400 : i32 to vector<16xi32>
      %add3A_494 = arith.addi %mul3A_36, %add3A_493 : vector<16xi32>
      %shift_right_logical3A_495 = arith.constant 7 : i32
      %shift_right_logical3A_496 = vector.broadcast %shift_right_logical3A_495 : i32 to vector<16xi32>
      %shift_right_logical3A_497 = arith.shrui %add3A_494, %shift_right_logical3A_496 : vector<16xi32>
      %and3A_498 = arith.constant 127 : i32
      %and3A_499 = vector.broadcast %and3A_498 : i32 to vector<16xi32>
      %and3A_500 = arith.andi %add3A_494, %and3A_499 : vector<16xi32>
      %gather3A_501 = arith.constant 1 : i32
      %gather3A_502 = arith.constant 0 : i32
      %gather3A_503 = arith.constant 0 : i32
      %gather3A_504 = tpu.memref_slice %arg4[%gather3A_501, %gather3A_502, %gather3A_503] : memref<2x32x128xf32, #tpu.memory_space<vmem>> -> memref<1x32x128xf32, #tpu.memory_space<vmem>>
      %gather3A_505 = tpu.memref_squeeze %gather3A_504 : memref<1x32x128xf32, #tpu.memory_space<vmem>> -> memref<32x128xf32, #tpu.memory_space<vmem>>
      %gather3A_506 = tpu.vector_load_idx %gather3A_505[%shift_right_logical3A_497, %and3A_500] : memref<32x128xf32, #tpu.memory_space<vmem>>[vector<16xi32>, vector<16xi32>], vector<16xf32>,
      %swap3A_507 = arith.constant 1 : i32
      %swap3A_508 = arith.index_cast %swap3A_507 : i32 to index
      %swap3A_509 = arith.index_cast %scan3A_400 : i32 to index
      %swap3A_510 = arith.constant 80 : index
      %swap3A_511 = tpu.vector_load %arg5[%swap3A_508, %swap3A_509, %swap3A_510] {strides = array<i32>} : memref<2x32x128xf32, #tpu.memory_space<vmem>>, vector<16xf32>,
      tpu.vector_store %arg5[%swap3A_508, %swap3A_509, %swap3A_510], %gather3A_506 {strides = array<i32>} : memref<2x32x128xf32, #tpu.memory_space<vmem>>, vector<16xf32>,
      %add3A_512 = vector.broadcast %scan3A_400 : i32 to vector<16xi32>
      %add3A_513 = arith.addi %mul3A_42, %add3A_512 : vector<16xi32>
      %shift_right_logical3A_514 = arith.constant 7 : i32
      %shift_right_logical3A_515 = vector.broadcast %shift_right_logical3A_514 : i32 to vector<16xi32>
      %shift_right_logical3A_516 = arith.shrui %add3A_513, %shift_right_logical3A_515 : vector<16xi32>
      %and3A_517 = arith.constant 127 : i32
      %and3A_518 = vector.broadcast %and3A_517 : i32 to vector<16xi32>
      %and3A_519 = arith.andi %add3A_513, %and3A_518 : vector<16xi32>
      %gather3A_520 = arith.constant 1 : i32
      %gather3A_521 = arith.constant 0 : i32
      %gather3A_522 = arith.constant 0 : i32
      %gather3A_523 = tpu.memref_slice %arg4[%gather3A_520, %gather3A_521, %gather3A_522] : memref<2x32x128xf32, #tpu.memory_space<vmem>> -> memref<1x32x128xf32, #tpu.memory_space<vmem>>
      %gather3A_524 = tpu.memref_squeeze %gather3A_523 : memref<1x32x128xf32, #tpu.memory_space<vmem>> -> memref<32x128xf32, #tpu.memory_space<vmem>>
      %gather3A_525 = tpu.vector_load_idx %gather3A_524[%shift_right_logical3A_516, %and3A_519] : memref<32x128xf32, #tpu.memory_space<vmem>>[vector<16xi32>, vector<16xi32>], vector<16xf32>,
      %swap3A_526 = arith.constant 1 : i32
      %swap3A_527 = arith.index_cast %swap3A_526 : i32 to index
      %swap3A_528 = arith.index_cast %scan3A_400 : i32 to index
      %swap3A_529 = arith.constant 96 : index
      %swap3A_530 = tpu.vector_load %arg5[%swap3A_527, %swap3A_528, %swap3A_529] {strides = array<i32>} : memref<2x32x128xf32, #tpu.memory_space<vmem>>, vector<16xf32>,
      tpu.vector_store %arg5[%swap3A_527, %swap3A_528, %swap3A_529], %gather3A_525 {strides = array<i32>} : memref<2x32x128xf32, #tpu.memory_space<vmem>>, vector<16xf32>,
      %add3A_531 = vector.broadcast %scan3A_400 : i32 to vector<16xi32>
      %add3A_532 = arith.addi %mul3A_48, %add3A_531 : vector<16xi32>
      %shift_right_logical3A_533 = arith.constant 7 : i32
      %shift_right_logical3A_534 = vector.broadcast %shift_right_logical3A_533 : i32 to vector<16xi32>
      %shift_right_logical3A_535 = arith.shrui %add3A_532, %shift_right_logical3A_534 : vector<16xi32>
      %and3A_536 = arith.constant 127 : i32
      %and3A_537 = vector.broadcast %and3A_536 : i32 to vector<16xi32>
      %and3A_538 = arith.andi %add3A_532, %and3A_537 : vector<16xi32>
      %gather3A_539 = arith.constant 1 : i32
      %gather3A_540 = arith.constant 0 : i32
      %gather3A_541 = arith.constant 0 : i32
      %gather3A_542 = tpu.memref_slice %arg4[%gather3A_539, %gather3A_540, %gather3A_541] : memref<2x32x128xf32, #tpu.memory_space<vmem>> -> memref<1x32x128xf32, #tpu.memory_space<vmem>>
      %gather3A_543 = tpu.memref_squeeze %gather3A_542 : memref<1x32x128xf32, #tpu.memory_space<vmem>> -> memref<32x128xf32, #tpu.memory_space<vmem>>
      %gather3A_544 = tpu.vector_load_idx %gather3A_543[%shift_right_logical3A_535, %and3A_538] : memref<32x128xf32, #tpu.memory_space<vmem>>[vector<16xi32>, vector<16xi32>], vector<16xf32>,
      %swap3A_545 = arith.constant 1 : i32
      %swap3A_546 = arith.index_cast %swap3A_545 : i32 to index
      %swap3A_547 = arith.index_cast %scan3A_400 : i32 to index
      %swap3A_548 = arith.constant 112 : index
      %swap3A_549 = tpu.vector_load %arg5[%swap3A_546, %swap3A_547, %swap3A_548] {strides = array<i32>} : memref<2x32x128xf32, #tpu.memory_space<vmem>>, vector<16xf32>,
      tpu.vector_store %arg5[%swap3A_546, %swap3A_547, %swap3A_548], %gather3A_544 {strides = array<i32>} : memref<2x32x128xf32, #tpu.memory_space<vmem>>, vector<16xf32>,
      %scan3A_550 = arith.constant 1 : i32
      %scan3A_551 = arith.addi %scan3A_400, %scan3A_550 : i32
      %add3A_552 = vector.broadcast %scan3A_551 : i32 to vector<16xi32>
      %add3A_553 = arith.addi %mul3A_6, %add3A_552 : vector<16xi32>
      %shift_right_logical3A_554 = arith.constant 7 : i32
      %shift_right_logical3A_555 = vector.broadcast %shift_right_logical3A_554 : i32 to vector<16xi32>
      %shift_right_logical3A_556 = arith.shrui %add3A_553, %shift_right_logical3A_555 : vector<16xi32>
      %and3A_557 = arith.constant 127 : i32
      %and3A_558 = vector.broadcast %and3A_557 : i32 to vector<16xi32>
      %and3A_559 = arith.andi %add3A_553, %and3A_558 : vector<16xi32>
      %gather3A_560 = arith.constant 1 : i32
      %gather3A_561 = arith.constant 0 : i32
      %gather3A_562 = arith.constant 0 : i32
      %gather3A_563 = tpu.memref_slice %arg4[%gather3A_560, %gather3A_561, %gather3A_562] : memref<2x32x128xf32, #tpu.memory_space<vmem>> -> memref<1x32x128xf32, #tpu.memory_space<vmem>>
      %gather3A_564 = tpu.memref_squeeze %gather3A_563 : memref<1x32x128xf32, #tpu.memory_space<vmem>> -> memref<32x128xf32, #tpu.memory_space<vmem>>
      %gather3A_565 = tpu.vector_load_idx %gather3A_564[%shift_right_logical3A_556, %and3A_559] : memref<32x128xf32, #tpu.memory_space<vmem>>[vector<16xi32>, vector<16xi32>], vector<16xf32>,
      %swap3A_566 = arith.constant 1 : i32
      %swap3A_567 = arith.index_cast %swap3A_566 : i32 to index
      %swap3A_568 = arith.index_cast %scan3A_551 : i32 to index
      %swap3A_569 = arith.constant 0 : index
      %swap3A_570 = tpu.vector_load %arg5[%swap3A_567, %swap3A_568, %swap3A_569] {strides = array<i32>} : memref<2x32x128xf32, #tpu.memory_space<vmem>>, vector<16xf32>,
      tpu.vector_store %arg5[%swap3A_567, %swap3A_568, %swap3A_569], %gather3A_565 {strides = array<i32>} : memref<2x32x128xf32, #tpu.memory_space<vmem>>, vector<16xf32>,
      %add3A_571 = vector.broadcast %scan3A_551 : i32 to vector<16xi32>
      %add3A_572 = arith.addi %mul3A_12, %add3A_571 : vector<16xi32>
      %shift_right_logical3A_573 = arith.constant 7 : i32
      %shift_right_logical3A_574 = vector.broadcast %shift_right_logical3A_573 : i32 to vector<16xi32>
      %shift_right_logical3A_575 = arith.shrui %add3A_572, %shift_right_logical3A_574 : vector<16xi32>
      %and3A_576 = arith.constant 127 : i32
      %and3A_577 = vector.broadcast %and3A_576 : i32 to vector<16xi32>
      %and3A_578 = arith.andi %add3A_572, %and3A_577 : vector<16xi32>
      %gather3A_579 = arith.constant 1 : i32
      %gather3A_580 = arith.constant 0 : i32
      %gather3A_581 = arith.constant 0 : i32
      %gather3A_582 = tpu.memref_slice %arg4[%gather3A_579, %gather3A_580, %gather3A_581] : memref<2x32x128xf32, #tpu.memory_space<vmem>> -> memref<1x32x128xf32, #tpu.memory_space<vmem>>
      %gather3A_583 = tpu.memref_squeeze %gather3A_582 : memref<1x32x128xf32, #tpu.memory_space<vmem>> -> memref<32x128xf32, #tpu.memory_space<vmem>>
      %gather3A_584 = tpu.vector_load_idx %gather3A_583[%shift_right_logical3A_575, %and3A_578] : memref<32x128xf32, #tpu.memory_space<vmem>>[vector<16xi32>, vector<16xi32>], vector<16xf32>,
      %swap3A_585 = arith.constant 1 : i32
      %swap3A_586 = arith.index_cast %swap3A_585 : i32 to index
      %swap3A_587 = arith.index_cast %scan3A_551 : i32 to index
      %swap3A_588 = arith.constant 16 : index
      %swap3A_589 = tpu.vector_load %arg5[%swap3A_586, %swap3A_587, %swap3A_588] {strides = array<i32>} : memref<2x32x128xf32, #tpu.memory_space<vmem>>, vector<16xf32>,
      tpu.vector_store %arg5[%swap3A_586, %swap3A_587, %swap3A_588], %gather3A_584 {strides = array<i32>} : memref<2x32x128xf32, #tpu.memory_space<vmem>>, vector<16xf32>,
      %add3A_590 = vector.broadcast %scan3A_551 : i32 to vector<16xi32>
      %add3A_591 = arith.addi %mul3A_18, %add3A_590 : vector<16xi32>
      %shift_right_logical3A_592 = arith.constant 7 : i32
      %shift_right_logical3A_593 = vector.broadcast %shift_right_logical3A_592 : i32 to vector<16xi32>
      %shift_right_logical3A_594 = arith.shrui %add3A_591, %shift_right_logical3A_593 : vector<16xi32>
      %and3A_595 = arith.constant 127 : i32
      %and3A_596 = vector.broadcast %and3A_595 : i32 to vector<16xi32>
      %and3A_597 = arith.andi %add3A_591, %and3A_596 : vector<16xi32>
      %gather3A_598 = arith.constant 1 : i32
      %gather3A_599 = arith.constant 0 : i32
      %gather3A_600 = arith.constant 0 : i32
      %gather3A_601 = tpu.memref_slice %arg4[%gather3A_598, %gather3A_599, %gather3A_600] : memref<2x32x128xf32, #tpu.memory_space<vmem>> -> memref<1x32x128xf32, #tpu.memory_space<vmem>>
      %gather3A_602 = tpu.memref_squeeze %gather3A_601 : memref<1x32x128xf32, #tpu.memory_space<vmem>> -> memref<32x128xf32, #tpu.memory_space<vmem>>
      %gather3A_603 = tpu.vector_load_idx %gather3A_602[%shift_right_logical3A_594, %and3A_597] : memref<32x128xf32, #tpu.memory_space<vmem>>[vector<16xi32>, vector<16xi32>], vector<16xf32>,
      %swap3A_604 = arith.constant 1 : i32
      %swap3A_605 = arith.index_cast %swap3A_604 : i32 to index
      %swap3A_606 = arith.index_cast %scan3A_551 : i32 to index
      %swap3A_607 = arith.constant 32 : index
      %swap3A_608 = tpu.vector_load %arg5[%swap3A_605, %swap3A_606, %swap3A_607] {strides = array<i32>} : memref<2x32x128xf32, #tpu.memory_space<vmem>>, vector<16xf32>,
      tpu.vector_store %arg5[%swap3A_605, %swap3A_606, %swap3A_607], %gather3A_603 {strides = array<i32>} : memref<2x32x128xf32, #tpu.memory_space<vmem>>, vector<16xf32>,
      %add3A_609 = vector.broadcast %scan3A_551 : i32 to vector<16xi32>
      %add3A_610 = arith.addi %mul3A_24, %add3A_609 : vector<16xi32>
      %shift_right_logical3A_611 = arith.constant 7 : i32
      %shift_right_logical3A_612 = vector.broadcast %shift_right_logical3A_611 : i32 to vector<16xi32>
      %shift_right_logical3A_613 = arith.shrui %add3A_610, %shift_right_logical3A_612 : vector<16xi32>
      %and3A_614 = arith.constant 127 : i32
      %and3A_615 = vector.broadcast %and3A_614 : i32 to vector<16xi32>
      %and3A_616 = arith.andi %add3A_610, %and3A_615 : vector<16xi32>
      %gather3A_617 = arith.constant 1 : i32
      %gather3A_618 = arith.constant 0 : i32
      %gather3A_619 = arith.constant 0 : i32
      %gather3A_620 = tpu.memref_slice %arg4[%gather3A_617, %gather3A_618, %gather3A_619] : memref<2x32x128xf32, #tpu.memory_space<vmem>> -> memref<1x32x128xf32, #tpu.memory_space<vmem>>
      %gather3A_621 = tpu.memref_squeeze %gather3A_620 : memref<1x32x128xf32, #tpu.memory_space<vmem>> -> memref<32x128xf32, #tpu.memory_space<vmem>>
      %gather3A_622 = tpu.vector_load_idx %gather3A_621[%shift_right_logical3A_613, %and3A_616] : memref<32x128xf32, #tpu.memory_space<vmem>>[vector<16xi32>, vector<16xi32>], vector<16xf32>,
      %swap3A_623 = arith.constant 1 : i32
      %swap3A_624 = arith.index_cast %swap3A_623 : i32 to index
      %swap3A_625 = arith.index_cast %scan3A_551 : i32 to index
      %swap3A_626 = arith.constant 48 : index
      %swap3A_627 = tpu.vector_load %arg5[%swap3A_624, %swap3A_625, %swap3A_626] {strides = array<i32>} : memref<2x32x128xf32, #tpu.memory_space<vmem>>, vector<16xf32>,
      tpu.vector_store %arg5[%swap3A_624, %swap3A_625, %swap3A_626], %gather3A_622 {strides = array<i32>} : memref<2x32x128xf32, #tpu.memory_space<vmem>>, vector<16xf32>,
      %add3A_628 = vector.broadcast %scan3A_551 : i32 to vector<16xi32>
      %add3A_629 = arith.addi %mul3A_30, %add3A_628 : vector<16xi32>
      %shift_right_logical3A_630 = arith.constant 7 : i32
      %shift_right_logical3A_631 = vector.broadcast %shift_right_logical3A_630 : i32 to vector<16xi32>
      %shift_right_logical3A_632 = arith.shrui %add3A_629, %shift_right_logical3A_631 : vector<16xi32>
      %and3A_633 = arith.constant 127 : i32
      %and3A_634 = vector.broadcast %and3A_633 : i32 to vector<16xi32>
      %and3A_635 = arith.andi %add3A_629, %and3A_634 : vector<16xi32>
      %gather3A_636 = arith.constant 1 : i32
      %gather3A_637 = arith.constant 0 : i32
      %gather3A_638 = arith.constant 0 : i32
      %gather3A_639 = tpu.memref_slice %arg4[%gather3A_636, %gather3A_637, %gather3A_638] : memref<2x32x128xf32, #tpu.memory_space<vmem>> -> memref<1x32x128xf32, #tpu.memory_space<vmem>>
      %gather3A_640 = tpu.memref_squeeze %gather3A_639 : memref<1x32x128xf32, #tpu.memory_space<vmem>> -> memref<32x128xf32, #tpu.memory_space<vmem>>
      %gather3A_641 = tpu.vector_load_idx %gather3A_640[%shift_right_logical3A_632, %and3A_635] : memref<32x128xf32, #tpu.memory_space<vmem>>[vector<16xi32>, vector<16xi32>], vector<16xf32>,
      %swap3A_642 = arith.constant 1 : i32
      %swap3A_643 = arith.index_cast %swap3A_642 : i32 to index
      %swap3A_644 = arith.index_cast %scan3A_551 : i32 to index
      %swap3A_645 = arith.constant 64 : index
      %swap3A_646 = tpu.vector_load %arg5[%swap3A_643, %swap3A_644, %swap3A_645] {strides = array<i32>} : memref<2x32x128xf32, #tpu.memory_space<vmem>>, vector<16xf32>,
      tpu.vector_store %arg5[%swap3A_643, %swap3A_644, %swap3A_645], %gather3A_641 {strides = array<i32>} : memref<2x32x128xf32, #tpu.memory_space<vmem>>, vector<16xf32>,
      %add3A_647 = vector.broadcast %scan3A_551 : i32 to vector<16xi32>
      %add3A_648 = arith.addi %mul3A_36, %add3A_647 : vector<16xi32>
      %shift_right_logical3A_649 = arith.constant 7 : i32
      %shift_right_logical3A_650 = vector.broadcast %shift_right_logical3A_649 : i32 to vector<16xi32>
      %shift_right_logical3A_651 = arith.shrui %add3A_648, %shift_right_logical3A_650 : vector<16xi32>
      %and3A_652 = arith.constant 127 : i32
      %and3A_653 = vector.broadcast %and3A_652 : i32 to vector<16xi32>
      %and3A_654 = arith.andi %add3A_648, %and3A_653 : vector<16xi32>
      %gather3A_655 = arith.constant 1 : i32
      %gather3A_656 = arith.constant 0 : i32
      %gather3A_657 = arith.constant 0 : i32
      %gather3A_658 = tpu.memref_slice %arg4[%gather3A_655, %gather3A_656, %gather3A_657] : memref<2x32x128xf32, #tpu.memory_space<vmem>> -> memref<1x32x128xf32, #tpu.memory_space<vmem>>
      %gather3A_659 = tpu.memref_squeeze %gather3A_658 : memref<1x32x128xf32, #tpu.memory_space<vmem>> -> memref<32x128xf32, #tpu.memory_space<vmem>>
      %gather3A_660 = tpu.vector_load_idx %gather3A_659[%shift_right_logical3A_651, %and3A_654] : memref<32x128xf32, #tpu.memory_space<vmem>>[vector<16xi32>, vector<16xi32>], vector<16xf32>,
      %swap3A_661 = arith.constant 1 : i32
      %swap3A_662 = arith.index_cast %swap3A_661 : i32 to index
      %swap3A_663 = arith.index_cast %scan3A_551 : i32 to index
      %swap3A_664 = arith.constant 80 : index
      %swap3A_665 = tpu.vector_load %arg5[%swap3A_662, %swap3A_663, %swap3A_664] {strides = array<i32>} : memref<2x32x128xf32, #tpu.memory_space<vmem>>, vector<16xf32>,
      tpu.vector_store %arg5[%swap3A_662, %swap3A_663, %swap3A_664], %gather3A_660 {strides = array<i32>} : memref<2x32x128xf32, #tpu.memory_space<vmem>>, vector<16xf32>,
      %add3A_666 = vector.broadcast %scan3A_551 : i32 to vector<16xi32>
      %add3A_667 = arith.addi %mul3A_42, %add3A_666 : vector<16xi32>
      %shift_right_logical3A_668 = arith.constant 7 : i32
      %shift_right_logical3A_669 = vector.broadcast %shift_right_logical3A_668 : i32 to vector<16xi32>
      %shift_right_logical3A_670 = arith.shrui %add3A_667, %shift_right_logical3A_669 : vector<16xi32>
      %and3A_671 = arith.constant 127 : i32
      %and3A_672 = vector.broadcast %and3A_671 : i32 to vector<16xi32>
      %and3A_673 = arith.andi %add3A_667, %and3A_672 : vector<16xi32>
      %gather3A_674 = arith.constant 1 : i32
      %gather3A_675 = arith.constant 0 : i32
      %gather3A_676 = arith.constant 0 : i32
      %gather3A_677 = tpu.memref_slice %arg4[%gather3A_674, %gather3A_675, %gather3A_676] : memref<2x32x128xf32, #tpu.memory_space<vmem>> -> memref<1x32x128xf32, #tpu.memory_space<vmem>>
      %gather3A_678 = tpu.memref_squeeze %gather3A_677 : memref<1x32x128xf32, #tpu.memory_space<vmem>> -> memref<32x128xf32, #tpu.memory_space<vmem>>
      %gather3A_679 = tpu.vector_load_idx %gather3A_678[%shift_right_logical3A_670, %and3A_673] : memref<32x128xf32, #tpu.memory_space<vmem>>[vector<16xi32>, vector<16xi32>], vector<16xf32>,
      %swap3A_680 = arith.constant 1 : i32
      %swap3A_681 = arith.index_cast %swap3A_680 : i32 to index
      %swap3A_682 = arith.index_cast %scan3A_551 : i32 to index
      %swap3A_683 = arith.constant 96 : index
      %swap3A_684 = tpu.vector_load %arg5[%swap3A_681, %swap3A_682, %swap3A_683] {strides = array<i32>} : memref<2x32x128xf32, #tpu.memory_space<vmem>>, vector<16xf32>,
      tpu.vector_store %arg5[%swap3A_681, %swap3A_682, %swap3A_683], %gather3A_679 {strides = array<i32>} : memref<2x32x128xf32, #tpu.memory_space<vmem>>, vector<16xf32>,
      %add3A_685 = vector.broadcast %scan3A_551 : i32 to vector<16xi32>
      %add3A_686 = arith.addi %mul3A_48, %add3A_685 : vector<16xi32>
      %shift_right_logical3A_687 = arith.constant 7 : i32
      %shift_right_logical3A_688 = vector.broadcast %shift_right_logical3A_687 : i32 to vector<16xi32>
      %shift_right_logical3A_689 = arith.shrui %add3A_686, %shift_right_logical3A_688 : vector<16xi32>
      %and3A_690 = arith.constant 127 : i32
      %and3A_691 = vector.broadcast %and3A_690 : i32 to vector<16xi32>
      %and3A_692 = arith.andi %add3A_686, %and3A_691 : vector<16xi32>
      %gather3A_693 = arith.constant 1 : i32
      %gather3A_694 = arith.constant 0 : i32
      %gather3A_695 = arith.constant 0 : i32
      %gather3A_696 = tpu.memref_slice %arg4[%gather3A_693, %gather3A_694, %gather3A_695] : memref<2x32x128xf32, #tpu.memory_space<vmem>> -> memref<1x32x128xf32, #tpu.memory_space<vmem>>
      %gather3A_697 = tpu.memref_squeeze %gather3A_696 : memref<1x32x128xf32, #tpu.memory_space<vmem>> -> memref<32x128xf32, #tpu.memory_space<vmem>>
      %gather3A_698 = tpu.vector_load_idx %gather3A_697[%shift_right_logical3A_689, %and3A_692] : memref<32x128xf32, #tpu.memory_space<vmem>>[vector<16xi32>, vector<16xi32>], vector<16xf32>,
      %swap3A_699 = arith.constant 1 : i32
      %swap3A_700 = arith.index_cast %swap3A_699 : i32 to index
      %swap3A_701 = arith.index_cast %scan3A_551 : i32 to index
      %swap3A_702 = arith.constant 112 : index
      %swap3A_703 = tpu.vector_load %arg5[%swap3A_700, %swap3A_701, %swap3A_702] {strides = array<i32>} : memref<2x32x128xf32, #tpu.memory_space<vmem>>, vector<16xf32>,
      tpu.vector_store %arg5[%swap3A_700, %swap3A_701, %swap3A_702], %gather3A_698 {strides = array<i32>} : memref<2x32x128xf32, #tpu.memory_space<vmem>>, vector<16xf32>,
    }
    %scan3A_264 = arith.constant 32 : i32
    %add3A_265 = arith.constant 1 : i32
    %add3A_266 = arith.addi %mul3A_50, %add3A_265 : i32
    %jit3A_267 = arith.constant 128 : i32
    %div3A_268 = arith.divsi %add3A_266, %jit3A_267 : i32
    %sign3A_269 = arith.constant 0 : i32
    %sign3A_270 = arith.cmpi sgt, %add3A_266, %sign3A_269 : i32
    %sign3A_271 = arith.extui %sign3A_270 : i1 to i32
    %sign3A_272 = arith.constant 0 : i32
    %sign3A_273 = arith.cmpi slt, %add3A_266, %sign3A_272 : i32
    %sign3A_274 = arith.extui %sign3A_273 : i1 to i32
    %sign3A_275 = arith.subi %sign3A_271, %sign3A_274 : i32
    %sign3A_276 = arith.constant 0 : i32
    %sign3A_277 = arith.cmpi sgt, %jit3A_267, %sign3A_276 : i32
    %sign3A_278 = arith.extui %sign3A_277 : i1 to i32
    %sign3A_279 = arith.constant 0 : i32
    %sign3A_280 = arith.cmpi slt, %jit3A_267, %sign3A_279 : i32
    %sign3A_281 = arith.extui %sign3A_280 : i1 to i32
    %sign3A_282 = arith.subi %sign3A_278, %sign3A_281 : i32
    %ne3A_283 = arith.cmpi ne, %sign3A_275, %sign3A_282 : i32
    %rem3A_284 = arith.remsi %add3A_266, %jit3A_267 : i32
    %ne3A_285 = arith.constant 0 : i32
    %ne3A_286 = arith.cmpi ne, %rem3A_284, %ne3A_285 : i32
    %and3A_287 = arith.andi %ne3A_283, %ne3A_286 : i1
    %sub3A_288 = arith.constant 1 : i32
    %sub3A_289 = arith.subi %div3A_268, %sub3A_288 : i32
    %select_n3A_290 = arith.select %and3A_287, %sub3A_289, %div3A_268 : i32
    %rem3A_291 = arith.constant 128 : i32
    %rem3A_292 = arith.remsi %add3A_266, %rem3A_291 : i32
    %mul3A_293 = arith.constant 128 : i32
    %mul3A_294 = arith.muli %rem3A_292, %mul3A_293 : i32
    %dma_start3A_295 = arith.constant 1 : i32
    %dma_start3A_296 = arith.constant 0 : i32
    %dma_start3A_297 = arith.constant 0 : i32
    %dma_start3A_298 = tpu.memref_slice %arg5[%dma_start3A_295, %dma_start3A_296, %dma_start3A_297] : memref<2x32x128xf32, #tpu.memory_space<vmem>> -> memref<1x32x128xf32, #tpu.memory_space<vmem>>
    %dma_start3A_299 = tpu.memref_squeeze %dma_start3A_298 : memref<1x32x128xf32, #tpu.memory_space<vmem>> -> memref<32x128xf32, #tpu.memory_space<vmem>>
    %dma_start3A_300 = arith.constant 0 : i32
    %dma_start3A_301 = tpu.memref_slice %arg3[%select_n3A_290, %dma_start3A_300, %mul3A_294] : memref<200x32x16384xf32, #tpu.memory_space<hbm>> -> memref<1x32x128xf32, #tpu.memory_space<hbm>>
    %dma_start3A_302 = tpu.memref_squeeze %dma_start3A_301 : memref<1x32x128xf32, #tpu.memory_space<hbm>> -> memref<32x128xf32, #tpu.memory_space<hbm>>
    %dma_start3A_303 = arith.constant 0 : i32
    %dma_start3A_304 = tpu.memref_slice %arg3[%select_n3A_290, %dma_start3A_303, %mul3A_294] : memref<200x32x16384xf32, #tpu.memory_space<hbm>> -> memref<1x32x128xf32, #tpu.memory_space<hbm>>
    %dma_start3A_305 = tpu.memref_squeeze %dma_start3A_304 : memref<1x32x128xf32, #tpu.memory_space<hbm>> -> memref<32x128xf32, #tpu.memory_space<hbm>>
    %dma_start3A_306 = arith.constant 0 : i32
    %dma_start3A_307 = arith.constant 0 : i32
    %dma_start3A_308 = tpu.memref_slice %arg5[%dma_start3A_295, %dma_start3A_306, %dma_start3A_307] : memref<2x32x128xf32, #tpu.memory_space<vmem>> -> memref<1x32x128xf32, #tpu.memory_space<vmem>>
    %dma_start3A_309 = tpu.memref_squeeze %dma_start3A_308 : memref<1x32x128xf32, #tpu.memory_space<vmem>> -> memref<32x128xf32, #tpu.memory_space<vmem>>
    tpu.enqueue_dma source(%dma_start3A_309 : memref<32x128xf32, #tpu.memory_space<vmem>>) target(%dma_start3A_305 : memref<32x128xf32, #tpu.memory_space<hbm>>) target_semaphore(%arg9 : memref<!tpu.dma_semaphore, #tpu.memory_space<semaphore_mem>>)
    %add3A_310 = arith.constant 1 : i32
    %add3A_311 = arith.addi %mul3A_50, %add3A_310 : i32
    %add3A_312 = arith.constant 2 : i32
    %add3A_313 = arith.addi %add3A_311, %add3A_312 : i32
    %jit3A_314 = arith.constant 128 : i32
    %div3A_315 = arith.divsi %add3A_313, %jit3A_314 : i32
    %sign3A_316 = arith.constant 0 : i32
    %sign3A_317 = arith.cmpi sgt, %add3A_313, %sign3A_316 : i32
    %sign3A_318 = arith.extui %sign3A_317 : i1 to i32
    %sign3A_319 = arith.constant 0 : i32
    %sign3A_320 = arith.cmpi slt, %add3A_313, %sign3A_319 : i32
    %sign3A_321 = arith.extui %sign3A_320 : i1 to i32
    %sign3A_322 = arith.subi %sign3A_318, %sign3A_321 : i32
    %sign3A_323 = arith.constant 0 : i32
    %sign3A_324 = arith.cmpi sgt, %jit3A_314, %sign3A_323 : i32
    %sign3A_325 = arith.extui %sign3A_324 : i1 to i32
    %sign3A_326 = arith.constant 0 : i32
    %sign3A_327 = arith.cmpi slt, %jit3A_314, %sign3A_326 : i32
    %sign3A_328 = arith.extui %sign3A_327 : i1 to i32
    %sign3A_329 = arith.subi %sign3A_325, %sign3A_328 : i32
    %ne3A_330 = arith.cmpi ne, %sign3A_322, %sign3A_329 : i32
    %rem3A_331 = arith.remsi %add3A_313, %jit3A_314 : i32
    %ne3A_332 = arith.constant 0 : i32
    %ne3A_333 = arith.cmpi ne, %rem3A_331, %ne3A_332 : i32
    %and3A_334 = arith.andi %ne3A_330, %ne3A_333 : i1
    %sub3A_335 = arith.constant 1 : i32
    %sub3A_336 = arith.subi %div3A_315, %sub3A_335 : i32
    %select_n3A_337 = arith.select %and3A_334, %sub3A_336, %div3A_315 : i32
    %mul3A_338 = arith.constant 4096 : i32
    %mul3A_339 = arith.muli %select_n3A_337, %mul3A_338 : i32
    %rem3A_340 = arith.constant 128 : i32
    %rem3A_341 = arith.remsi %add3A_313, %rem3A_340 : i32
    %mul3A_342 = arith.constant 32 : i32
    %mul3A_343 = arith.muli %rem3A_341, %mul3A_342 : i32
    %add3A_344 = arith.addi %mul3A_339, %mul3A_343 : i32
    %dma_start3A_345 = arith.constant 1 : i32
    %dma_start3A_346 = arith.constant 0 : i32
    %dma_start3A_347 = arith.constant 0 : i32
    %dma_start3A_348 = tpu.memref_slice %arg4[%dma_start3A_345, %dma_start3A_346, %dma_start3A_347] : memref<2x32x128xf32, #tpu.memory_space<vmem>> -> memref<1x32x128xf32, #tpu.memory_space<vmem>>
    %dma_start3A_349 = tpu.memref_squeeze %dma_start3A_348 : memref<1x32x128xf32, #tpu.memory_space<vmem>> -> memref<32x128xf32, #tpu.memory_space<vmem>>
    %dma_start3A_350 = arith.constant 0 : i32
    %dma_start3A_351 = tpu.memref_slice %arg2[%add3A_344, %dma_start3A_350] : memref<819200x128xf32, #tpu.memory_space<hbm>> -> memref<32x128xf32, #tpu.memory_space<hbm>>
    %dma_start3A_352 = arith.constant 0 : i32
    %dma_start3A_353 = arith.constant 0 : i32
    %dma_start3A_354 = tpu.memref_slice %arg4[%dma_start3A_345, %dma_start3A_352, %dma_start3A_353] : memref<2x32x128xf32, #tpu.memory_space<vmem>> -> memref<1x32x128xf32, #tpu.memory_space<vmem>>
    %dma_start3A_355 = tpu.memref_squeeze %dma_start3A_354 : memref<1x32x128xf32, #tpu.memory_space<vmem>> -> memref<32x128xf32, #tpu.memory_space<vmem>>
    %dma_start3A_356 = arith.constant 0 : i32
    %dma_start3A_357 = tpu.memref_slice %arg2[%add3A_344, %dma_start3A_356] : memref<819200x128xf32, #tpu.memory_space<hbm>> -> memref<32x128xf32, #tpu.memory_space<hbm>>
    tpu.enqueue_dma source(%dma_start3A_357 : memref<32x128xf32, #tpu.memory_space<hbm>>) target(%dma_start3A_355 : memref<32x128xf32, #tpu.memory_space<vmem>>) target_semaphore(%arg7 : memref<!tpu.dma_semaphore, #tpu.memory_space<semaphore_mem>>)
    %scan3A_358 = arith.constant 0 : i32
    %scan3A_359 = arith.constant 0 : i32
    %scan3A_360 = arith.constant 399 : i32
    %scan3A_361 = arith.addi %scan3A_359, %scan3A_360 : i32
    %scan3A_362 = arith.constant 1 : i32
    scf.for %scan3A_400 = %scan3A_359 to %scan3A_361 step %scan3A_362  : i32 {
      %mul3A_401 = arith.constant 2 : i32
      %mul3A_402 = arith.muli %mul3A_401, %scan3A_400 : i32
      %add3A_403 = arith.constant 2 : i32
      %add3A_404 = arith.addi %add3A_403, %mul3A_402 : i32
      %add3A_405 = arith.constant 0 : i32
      %add3A_406 = arith.addi %add3A_404, %add3A_405 : i32
      %add3A_407 = arith.addi %mul3A_50, %add3A_406 : i32
      %dma_wait3A_408 = arith.constant 0 : i32
      %dma_wait3A_409 = arith.constant 0 : i32
      %dma_wait3A_410 = arith.constant 0 : i32
      %dma_wait3A_411 = tpu.memref_slice %arg4[%dma_wait3A_408, %dma_wait3A_409, %dma_wait3A_410] : memref<2x32x128xf32, #tpu.memory_space<vmem>> -> memref<1x32x128xf32, #tpu.memory_space<vmem>>
      %dma_wait3A_412 = tpu.memref_squeeze %dma_wait3A_411 : memref<1x32x128xf32, #tpu.memory_space<vmem>> -> memref<32x128xf32, #tpu.memory_space<vmem>>
      %dma_wait3A_413 = arith.constant 0 : i32
      %dma_wait3A_414 = arith.constant 0 : i32
      %dma_wait3A_415 = tpu.memref_slice %arg2[%dma_wait3A_413, %dma_wait3A_414] : memref<819200x128xf32, #tpu.memory_space<hbm>> -> memref<32x128xf32, #tpu.memory_space<hbm>>
      %dma_wait3A_416 = arith.constant 0 : i32
      %dma_wait3A_417 = arith.constant 0 : i32
      %dma_wait3A_418 = tpu.memref_slice %arg4[%dma_wait3A_408, %dma_wait3A_416, %dma_wait3A_417] : memref<2x32x128xf32, #tpu.memory_space<vmem>> -> memref<1x32x128xf32, #tpu.memory_space<vmem>>
      %dma_wait3A_419 = tpu.memref_squeeze %dma_wait3A_418 : memref<1x32x128xf32, #tpu.memory_space<vmem>> -> memref<32x128xf32, #tpu.memory_space<vmem>>
      %dma_wait3A_420 = arith.constant 0 : i32
      %dma_wait3A_421 = arith.constant 0 : i32
      %dma_wait3A_422 = tpu.memref_slice %arg2[%dma_wait3A_420, %dma_wait3A_421] : memref<819200x128xf32, #tpu.memory_space<hbm>> -> memref<32x128xf32, #tpu.memory_space<hbm>>
      tpu.wait_dma2 semaphore(%arg6 : memref<!tpu.dma_semaphore, #tpu.memory_space<semaphore_mem>>) src(%dma_wait3A_422 : memref<32x128xf32, #tpu.memory_space<hbm>>) dst(%dma_wait3A_419 : memref<32x128xf32, #tpu.memory_space<vmem>>)
      %dma_wait3A_423 = arith.constant 0 : i32
      %dma_wait3A_424 = arith.constant 0 : i32
      %dma_wait3A_425 = arith.constant 0 : i32
      %dma_wait3A_426 = arith.constant 0 : i32
      %dma_wait3A_427 = tpu.memref_slice %arg5[%dma_wait3A_423, %dma_wait3A_425, %dma_wait3A_426] : memref<2x32x128xf32, #tpu.memory_space<vmem>> -> memref<1x32x128xf32, #tpu.memory_space<vmem>>
      %dma_wait3A_428 = tpu.memref_squeeze %dma_wait3A_427 : memref<1x32x128xf32, #tpu.memory_space<vmem>> -> memref<32x128xf32, #tpu.memory_space<vmem>>
      %dma_wait3A_429 = arith.constant 0 : i32
      %dma_wait3A_430 = arith.constant 0 : i32
      %dma_wait3A_431 = tpu.memref_slice %arg3[%dma_wait3A_424, %dma_wait3A_429, %dma_wait3A_430] : memref<200x32x16384xf32, #tpu.memory_space<hbm>> -> memref<1x32x128xf32, #tpu.memory_space<hbm>>
      %dma_wait3A_432 = tpu.memref_squeeze %dma_wait3A_431 : memref<1x32x128xf32, #tpu.memory_space<hbm>> -> memref<32x128xf32, #tpu.memory_space<hbm>>
      %dma_wait3A_433 = arith.constant 0 : i32
      %dma_wait3A_434 = arith.constant 0 : i32
      %dma_wait3A_435 = tpu.memref_slice %arg3[%dma_wait3A_424, %dma_wait3A_433, %dma_wait3A_434] : memref<200x32x16384xf32, #tpu.memory_space<hbm>> -> memref<1x32x128xf32, #tpu.memory_space<hbm>>
      %dma_wait3A_436 = tpu.memref_squeeze %dma_wait3A_435 : memref<1x32x128xf32, #tpu.memory_space<hbm>> -> memref<32x128xf32, #tpu.memory_space<hbm>>
      %dma_wait3A_437 = arith.constant 0 : i32
      %dma_wait3A_438 = arith.constant 0 : i32
      %dma_wait3A_439 = tpu.memref_slice %arg5[%dma_wait3A_423, %dma_wait3A_437, %dma_wait3A_438] : memref<2x32x128xf32, #tpu.memory_space<vmem>> -> memref<1x32x128xf32, #tpu.memory_space<vmem>>
      %dma_wait3A_440 = tpu.memref_squeeze %dma_wait3A_439 : memref<1x32x128xf32, #tpu.memory_space<vmem>> -> memref<32x128xf32, #tpu.memory_space<vmem>>
      tpu.wait_dma2 semaphore(%arg8 : memref<!tpu.dma_semaphore, #tpu.memory_space<semaphore_mem>>) src(%dma_wait3A_440 : memref<32x128xf32, #tpu.memory_space<vmem>>) dst(%dma_wait3A_436 : memref<32x128xf32, #tpu.memory_space<hbm>>)
      %scan3A_441 = arith.constant 0 : i32
      %scan3A_442 = arith.constant 0 : i32
      %scan3A_443 = arith.constant 32 : i32
      %scan3A_444 = arith.addi %scan3A_442, %scan3A_443 : i32
      %scan3A_445 = arith.constant 2 : i32
      scf.for %scan3A_590 = %scan3A_442 to %scan3A_444 step %scan3A_445  : i32 {
        %add3A_591 = vector.broadcast %scan3A_590 : i32 to vector<16xi32>
        %add3A_592 = arith.addi %mul3A_6, %add3A_591 : vector<16xi32>
        %shift_right_logical3A = arith.constant 7 : i32
        %shift_right_logical3A_593 = vector.broadcast %shift_right_logical3A : i32 to vector<16xi32>
        %shift_right_logical3A_594 = arith.shrui %add3A_592, %shift_right_logical3A_593 : vector<16xi32>
        %and3A_595 = arith.constant 127 : i32
        %and3A_596 = vector.broadcast %and3A_595 : i32 to vector<16xi32>
        %and3A_597 = arith.andi %add3A_592, %and3A_596 : vector<16xi32>
        %gather3A = arith.constant 0 : i32
        %gather3A_598 = arith.constant 0 : i32
        %gather3A_599 = arith.constant 0 : i32
        %gather3A_600 = tpu.memref_slice %arg4[%gather3A, %gather3A_598, %gather3A_599] : memref<2x32x128xf32, #tpu.memory_space<vmem>> -> memref<1x32x128xf32, #tpu.memory_space<vmem>>
        %gather3A_601 = tpu.memref_squeeze %gather3A_600 : memref<1x32x128xf32, #tpu.memory_space<vmem>> -> memref<32x128xf32, #tpu.memory_space<vmem>>
        %gather3A_602 = tpu.vector_load_idx %gather3A_601[%shift_right_logical3A_594, %and3A_597] : memref<32x128xf32, #tpu.memory_space<vmem>>[vector<16xi32>, vector<16xi32>], vector<16xf32>,
        %swap3A = arith.constant 0 : i32
        %swap3A_603 = arith.index_cast %swap3A : i32 to index
        %swap3A_604 = arith.index_cast %scan3A_590 : i32 to index
        %swap3A_605 = arith.constant 0 : index
        %swap3A_606 = tpu.vector_load %arg5[%swap3A_603, %swap3A_604, %swap3A_605] {strides = array<i32>} : memref<2x32x128xf32, #tpu.memory_space<vmem>>, vector<16xf32>,
        tpu.vector_store %arg5[%swap3A_603, %swap3A_604, %swap3A_605], %gather3A_602 {strides = array<i32>} : memref<2x32x128xf32, #tpu.memory_space<vmem>>, vector<16xf32>,
        %add3A_607 = vector.broadcast %scan3A_590 : i32 to vector<16xi32>
        %add3A_608 = arith.addi %mul3A_12, %add3A_607 : vector<16xi32>
        %shift_right_logical3A_609 = arith.constant 7 : i32
        %shift_right_logical3A_610 = vector.broadcast %shift_right_logical3A_609 : i32 to vector<16xi32>
        %shift_right_logical3A_611 = arith.shrui %add3A_608, %shift_right_logical3A_610 : vector<16xi32>
        %and3A_612 = arith.constant 127 : i32
        %and3A_613 = vector.broadcast %and3A_612 : i32 to vector<16xi32>
        %and3A_614 = arith.andi %add3A_608, %and3A_613 : vector<16xi32>
        %gather3A_615 = arith.constant 0 : i32
        %gather3A_616 = arith.constant 0 : i32
        %gather3A_617 = arith.constant 0 : i32
        %gather3A_618 = tpu.memref_slice %arg4[%gather3A_615, %gather3A_616, %gather3A_617] : memref<2x32x128xf32, #tpu.memory_space<vmem>> -> memref<1x32x128xf32, #tpu.memory_space<vmem>>
        %gather3A_619 = tpu.memref_squeeze %gather3A_618 : memref<1x32x128xf32, #tpu.memory_space<vmem>> -> memref<32x128xf32, #tpu.memory_space<vmem>>
        %gather3A_620 = tpu.vector_load_idx %gather3A_619[%shift_right_logical3A_611, %and3A_614] : memref<32x128xf32, #tpu.memory_space<vmem>>[vector<16xi32>, vector<16xi32>], vector<16xf32>,
        %swap3A_621 = arith.constant 0 : i32
        %swap3A_622 = arith.index_cast %swap3A_621 : i32 to index
        %swap3A_623 = arith.index_cast %scan3A_590 : i32 to index
        %swap3A_624 = arith.constant 16 : index
        %swap3A_625 = tpu.vector_load %arg5[%swap3A_622, %swap3A_623, %swap3A_624] {strides = array<i32>} : memref<2x32x128xf32, #tpu.memory_space<vmem>>, vector<16xf32>,
        tpu.vector_store %arg5[%swap3A_622, %swap3A_623, %swap3A_624], %gather3A_620 {strides = array<i32>} : memref<2x32x128xf32, #tpu.memory_space<vmem>>, vector<16xf32>,
        %add3A_626 = vector.broadcast %scan3A_590 : i32 to vector<16xi32>
        %add3A_627 = arith.addi %mul3A_18, %add3A_626 : vector<16xi32>
        %shift_right_logical3A_628 = arith.constant 7 : i32
        %shift_right_logical3A_629 = vector.broadcast %shift_right_logical3A_628 : i32 to vector<16xi32>
        %shift_right_logical3A_630 = arith.shrui %add3A_627, %shift_right_logical3A_629 : vector<16xi32>
        %and3A_631 = arith.constant 127 : i32
        %and3A_632 = vector.broadcast %and3A_631 : i32 to vector<16xi32>
        %and3A_633 = arith.andi %add3A_627, %and3A_632 : vector<16xi32>
        %gather3A_634 = arith.constant 0 : i32
        %gather3A_635 = arith.constant 0 : i32
        %gather3A_636 = arith.constant 0 : i32
        %gather3A_637 = tpu.memref_slice %arg4[%gather3A_634, %gather3A_635, %gather3A_636] : memref<2x32x128xf32, #tpu.memory_space<vmem>> -> memref<1x32x128xf32, #tpu.memory_space<vmem>>
        %gather3A_638 = tpu.memref_squeeze %gather3A_637 : memref<1x32x128xf32, #tpu.memory_space<vmem>> -> memref<32x128xf32, #tpu.memory_space<vmem>>
        %gather3A_639 = tpu.vector_load_idx %gather3A_638[%shift_right_logical3A_630, %and3A_633] : memref<32x128xf32, #tpu.memory_space<vmem>>[vector<16xi32>, vector<16xi32>], vector<16xf32>,
        %swap3A_640 = arith.constant 0 : i32
        %swap3A_641 = arith.index_cast %swap3A_640 : i32 to index
        %swap3A_642 = arith.index_cast %scan3A_590 : i32 to index
        %swap3A_643 = arith.constant 32 : index
        %swap3A_644 = tpu.vector_load %arg5[%swap3A_641, %swap3A_642, %swap3A_643] {strides = array<i32>} : memref<2x32x128xf32, #tpu.memory_space<vmem>>, vector<16xf32>,
        tpu.vector_store %arg5[%swap3A_641, %swap3A_642, %swap3A_643], %gather3A_639 {strides = array<i32>} : memref<2x32x128xf32, #tpu.memory_space<vmem>>, vector<16xf32>,
        %add3A_645 = vector.broadcast %scan3A_590 : i32 to vector<16xi32>
        %add3A_646 = arith.addi %mul3A_24, %add3A_645 : vector<16xi32>
        %shift_right_logical3A_647 = arith.constant 7 : i32
        %shift_right_logical3A_648 = vector.broadcast %shift_right_logical3A_647 : i32 to vector<16xi32>
        %shift_right_logical3A_649 = arith.shrui %add3A_646, %shift_right_logical3A_648 : vector<16xi32>
        %and3A_650 = arith.constant 127 : i32
        %and3A_651 = vector.broadcast %and3A_650 : i32 to vector<16xi32>
        %and3A_652 = arith.andi %add3A_646, %and3A_651 : vector<16xi32>
        %gather3A_653 = arith.constant 0 : i32
        %gather3A_654 = arith.constant 0 : i32
        %gather3A_655 = arith.constant 0 : i32
        %gather3A_656 = tpu.memref_slice %arg4[%gather3A_653, %gather3A_654, %gather3A_655] : memref<2x32x128xf32, #tpu.memory_space<vmem>> -> memref<1x32x128xf32, #tpu.memory_space<vmem>>
        %gather3A_657 = tpu.memref_squeeze %gather3A_656 : memref<1x32x128xf32, #tpu.memory_space<vmem>> -> memref<32x128xf32, #tpu.memory_space<vmem>>
        %gather3A_658 = tpu.vector_load_idx %gather3A_657[%shift_right_logical3A_649, %and3A_652] : memref<32x128xf32, #tpu.memory_space<vmem>>[vector<16xi32>, vector<16xi32>], vector<16xf32>,
        %swap3A_659 = arith.constant 0 : i32
        %swap3A_660 = arith.index_cast %swap3A_659 : i32 to index
        %swap3A_661 = arith.index_cast %scan3A_590 : i32 to index
        %swap3A_662 = arith.constant 48 : index
        %swap3A_663 = tpu.vector_load %arg5[%swap3A_660, %swap3A_661, %swap3A_662] {strides = array<i32>} : memref<2x32x128xf32, #tpu.memory_space<vmem>>, vector<16xf32>,
        tpu.vector_store %arg5[%swap3A_660, %swap3A_661, %swap3A_662], %gather3A_658 {strides = array<i32>} : memref<2x32x128xf32, #tpu.memory_space<vmem>>, vector<16xf32>,
        %add3A_664 = vector.broadcast %scan3A_590 : i32 to vector<16xi32>
        %add3A_665 = arith.addi %mul3A_30, %add3A_664 : vector<16xi32>
        %shift_right_logical3A_666 = arith.constant 7 : i32
        %shift_right_logical3A_667 = vector.broadcast %shift_right_logical3A_666 : i32 to vector<16xi32>
        %shift_right_logical3A_668 = arith.shrui %add3A_665, %shift_right_logical3A_667 : vector<16xi32>
        %and3A_669 = arith.constant 127 : i32
        %and3A_670 = vector.broadcast %and3A_669 : i32 to vector<16xi32>
        %and3A_671 = arith.andi %add3A_665, %and3A_670 : vector<16xi32>
        %gather3A_672 = arith.constant 0 : i32
        %gather3A_673 = arith.constant 0 : i32
        %gather3A_674 = arith.constant 0 : i32
        %gather3A_675 = tpu.memref_slice %arg4[%gather3A_672, %gather3A_673, %gather3A_674] : memref<2x32x128xf32, #tpu.memory_space<vmem>> -> memref<1x32x128xf32, #tpu.memory_space<vmem>>
        %gather3A_676 = tpu.memref_squeeze %gather3A_675 : memref<1x32x128xf32, #tpu.memory_space<vmem>> -> memref<32x128xf32, #tpu.memory_space<vmem>>
        %gather3A_677 = tpu.vector_load_idx %gather3A_676[%shift_right_logical3A_668, %and3A_671] : memref<32x128xf32, #tpu.memory_space<vmem>>[vector<16xi32>, vector<16xi32>], vector<16xf32>,
        %swap3A_678 = arith.constant 0 : i32
        %swap3A_679 = arith.index_cast %swap3A_678 : i32 to index
        %swap3A_680 = arith.index_cast %scan3A_590 : i32 to index
        %swap3A_681 = arith.constant 64 : index
        %swap3A_682 = tpu.vector_load %arg5[%swap3A_679, %swap3A_680, %swap3A_681] {strides = array<i32>} : memref<2x32x128xf32, #tpu.memory_space<vmem>>, vector<16xf32>,
        tpu.vector_store %arg5[%swap3A_679, %swap3A_680, %swap3A_681], %gather3A_677 {strides = array<i32>} : memref<2x32x128xf32, #tpu.memory_space<vmem>>, vector<16xf32>,
        %add3A_683 = vector.broadcast %scan3A_590 : i32 to vector<16xi32>
        %add3A_684 = arith.addi %mul3A_36, %add3A_683 : vector<16xi32>
        %shift_right_logical3A_685 = arith.constant 7 : i32
        %shift_right_logical3A_686 = vector.broadcast %shift_right_logical3A_685 : i32 to vector<16xi32>
        %shift_right_logical3A_687 = arith.shrui %add3A_684, %shift_right_logical3A_686 : vector<16xi32>
        %and3A_688 = arith.constant 127 : i32
        %and3A_689 = vector.broadcast %and3A_688 : i32 to vector<16xi32>
        %and3A_690 = arith.andi %add3A_684, %and3A_689 : vector<16xi32>
        %gather3A_691 = arith.constant 0 : i32
        %gather3A_692 = arith.constant 0 : i32
        %gather3A_693 = arith.constant 0 : i32
        %gather3A_694 = tpu.memref_slice %arg4[%gather3A_691, %gather3A_692, %gather3A_693] : memref<2x32x128xf32, #tpu.memory_space<vmem>> -> memref<1x32x128xf32, #tpu.memory_space<vmem>>
        %gather3A_695 = tpu.memref_squeeze %gather3A_694 : memref<1x32x128xf32, #tpu.memory_space<vmem>> -> memref<32x128xf32, #tpu.memory_space<vmem>>
        %gather3A_696 = tpu.vector_load_idx %gather3A_695[%shift_right_logical3A_687, %and3A_690] : memref<32x128xf32, #tpu.memory_space<vmem>>[vector<16xi32>, vector<16xi32>], vector<16xf32>,
        %swap3A_697 = arith.constant 0 : i32
        %swap3A_698 = arith.index_cast %swap3A_697 : i32 to index
        %swap3A_699 = arith.index_cast %scan3A_590 : i32 to index
        %swap3A_700 = arith.constant 80 : index
        %swap3A_701 = tpu.vector_load %arg5[%swap3A_698, %swap3A_699, %swap3A_700] {strides = array<i32>} : memref<2x32x128xf32, #tpu.memory_space<vmem>>, vector<16xf32>,
        tpu.vector_store %arg5[%swap3A_698, %swap3A_699, %swap3A_700], %gather3A_696 {strides = array<i32>} : memref<2x32x128xf32, #tpu.memory_space<vmem>>, vector<16xf32>,
        %add3A_702 = vector.broadcast %scan3A_590 : i32 to vector<16xi32>
        %add3A_703 = arith.addi %mul3A_42, %add3A_702 : vector<16xi32>
        %shift_right_logical3A_704 = arith.constant 7 : i32
        %shift_right_logical3A_705 = vector.broadcast %shift_right_logical3A_704 : i32 to vector<16xi32>
        %shift_right_logical3A_706 = arith.shrui %add3A_703, %shift_right_logical3A_705 : vector<16xi32>
        %and3A_707 = arith.constant 127 : i32
        %and3A_708 = vector.broadcast %and3A_707 : i32 to vector<16xi32>
        %and3A_709 = arith.andi %add3A_703, %and3A_708 : vector<16xi32>
        %gather3A_710 = arith.constant 0 : i32
        %gather3A_711 = arith.constant 0 : i32
        %gather3A_712 = arith.constant 0 : i32
        %gather3A_713 = tpu.memref_slice %arg4[%gather3A_710, %gather3A_711, %gather3A_712] : memref<2x32x128xf32, #tpu.memory_space<vmem>> -> memref<1x32x128xf32, #tpu.memory_space<vmem>>
        %gather3A_714 = tpu.memref_squeeze %gather3A_713 : memref<1x32x128xf32, #tpu.memory_space<vmem>> -> memref<32x128xf32, #tpu.memory_space<vmem>>
        %gather3A_715 = tpu.vector_load_idx %gather3A_714[%shift_right_logical3A_706, %and3A_709] : memref<32x128xf32, #tpu.memory_space<vmem>>[vector<16xi32>, vector<16xi32>], vector<16xf32>,
        %swap3A_716 = arith.constant 0 : i32
        %swap3A_717 = arith.index_cast %swap3A_716 : i32 to index
        %swap3A_718 = arith.index_cast %scan3A_590 : i32 to index
        %swap3A_719 = arith.constant 96 : index
        %swap3A_720 = tpu.vector_load %arg5[%swap3A_717, %swap3A_718, %swap3A_719] {strides = array<i32>} : memref<2x32x128xf32, #tpu.memory_space<vmem>>, vector<16xf32>,
        tpu.vector_store %arg5[%swap3A_717, %swap3A_718, %swap3A_719], %gather3A_715 {strides = array<i32>} : memref<2x32x128xf32, #tpu.memory_space<vmem>>, vector<16xf32>,
        %add3A_721 = vector.broadcast %scan3A_590 : i32 to vector<16xi32>
        %add3A_722 = arith.addi %mul3A_48, %add3A_721 : vector<16xi32>
        %shift_right_logical3A_723 = arith.constant 7 : i32
        %shift_right_logical3A_724 = vector.broadcast %shift_right_logical3A_723 : i32 to vector<16xi32>
        %shift_right_logical3A_725 = arith.shrui %add3A_722, %shift_right_logical3A_724 : vector<16xi32>
        %and3A_726 = arith.constant 127 : i32
        %and3A_727 = vector.broadcast %and3A_726 : i32 to vector<16xi32>
        %and3A_728 = arith.andi %add3A_722, %and3A_727 : vector<16xi32>
        %gather3A_729 = arith.constant 0 : i32
        %gather3A_730 = arith.constant 0 : i32
        %gather3A_731 = arith.constant 0 : i32
        %gather3A_732 = tpu.memref_slice %arg4[%gather3A_729, %gather3A_730, %gather3A_731] : memref<2x32x128xf32, #tpu.memory_space<vmem>> -> memref<1x32x128xf32, #tpu.memory_space<vmem>>
        %gather3A_733 = tpu.memref_squeeze %gather3A_732 : memref<1x32x128xf32, #tpu.memory_space<vmem>> -> memref<32x128xf32, #tpu.memory_space<vmem>>
        %gather3A_734 = tpu.vector_load_idx %gather3A_733[%shift_right_logical3A_725, %and3A_728] : memref<32x128xf32, #tpu.memory_space<vmem>>[vector<16xi32>, vector<16xi32>], vector<16xf32>,
        %swap3A_735 = arith.constant 0 : i32
        %swap3A_736 = arith.index_cast %swap3A_735 : i32 to index
        %swap3A_737 = arith.index_cast %scan3A_590 : i32 to index
        %swap3A_738 = arith.constant 112 : index
        %swap3A_739 = tpu.vector_load %arg5[%swap3A_736, %swap3A_737, %swap3A_738] {strides = array<i32>} : memref<2x32x128xf32, #tpu.memory_space<vmem>>, vector<16xf32>,
        tpu.vector_store %arg5[%swap3A_736, %swap3A_737, %swap3A_738], %gather3A_734 {strides = array<i32>} : memref<2x32x128xf32, #tpu.memory_space<vmem>>, vector<16xf32>,
        %scan3A_740 = arith.constant 1 : i32
        %scan3A_741 = arith.addi %scan3A_590, %scan3A_740 : i32
        %add3A_742 = vector.broadcast %scan3A_741 : i32 to vector<16xi32>
        %add3A_743 = arith.addi %mul3A_6, %add3A_742 : vector<16xi32>
        %shift_right_logical3A_744 = arith.constant 7 : i32
        %shift_right_logical3A_745 = vector.broadcast %shift_right_logical3A_744 : i32 to vector<16xi32>
        %shift_right_logical3A_746 = arith.shrui %add3A_743, %shift_right_logical3A_745 : vector<16xi32>
        %and3A_747 = arith.constant 127 : i32
        %and3A_748 = vector.broadcast %and3A_747 : i32 to vector<16xi32>
        %and3A_749 = arith.andi %add3A_743, %and3A_748 : vector<16xi32>
        %gather3A_750 = arith.constant 0 : i32
        %gather3A_751 = arith.constant 0 : i32
        %gather3A_752 = arith.constant 0 : i32
        %gather3A_753 = tpu.memref_slice %arg4[%gather3A_750, %gather3A_751, %gather3A_752] : memref<2x32x128xf32, #tpu.memory_space<vmem>> -> memref<1x32x128xf32, #tpu.memory_space<vmem>>
        %gather3A_754 = tpu.memref_squeeze %gather3A_753 : memref<1x32x128xf32, #tpu.memory_space<vmem>> -> memref<32x128xf32, #tpu.memory_space<vmem>>
        %gather3A_755 = tpu.vector_load_idx %gather3A_754[%shift_right_logical3A_746, %and3A_749] : memref<32x128xf32, #tpu.memory_space<vmem>>[vector<16xi32>, vector<16xi32>], vector<16xf32>,
        %swap3A_756 = arith.constant 0 : i32
        %swap3A_757 = arith.index_cast %swap3A_756 : i32 to index
        %swap3A_758 = arith.index_cast %scan3A_741 : i32 to index
        %swap3A_759 = arith.constant 0 : index
        %swap3A_760 = tpu.vector_load %arg5[%swap3A_757, %swap3A_758, %swap3A_759] {strides = array<i32>} : memref<2x32x128xf32, #tpu.memory_space<vmem>>, vector<16xf32>,
        tpu.vector_store %arg5[%swap3A_757, %swap3A_758, %swap3A_759], %gather3A_755 {strides = array<i32>} : memref<2x32x128xf32, #tpu.memory_space<vmem>>, vector<16xf32>,
        %add3A_761 = vector.broadcast %scan3A_741 : i32 to vector<16xi32>
        %add3A_762 = arith.addi %mul3A_12, %add3A_761 : vector<16xi32>
        %shift_right_logical3A_763 = arith.constant 7 : i32
        %shift_right_logical3A_764 = vector.broadcast %shift_right_logical3A_763 : i32 to vector<16xi32>
        %shift_right_logical3A_765 = arith.shrui %add3A_762, %shift_right_logical3A_764 : vector<16xi32>
        %and3A_766 = arith.constant 127 : i32
        %and3A_767 = vector.broadcast %and3A_766 : i32 to vector<16xi32>
        %and3A_768 = arith.andi %add3A_762, %and3A_767 : vector<16xi32>
        %gather3A_769 = arith.constant 0 : i32
        %gather3A_770 = arith.constant 0 : i32
        %gather3A_771 = arith.constant 0 : i32
        %gather3A_772 = tpu.memref_slice %arg4[%gather3A_769, %gather3A_770, %gather3A_771] : memref<2x32x128xf32, #tpu.memory_space<vmem>> -> memref<1x32x128xf32, #tpu.memory_space<vmem>>
        %gather3A_773 = tpu.memref_squeeze %gather3A_772 : memref<1x32x128xf32, #tpu.memory_space<vmem>> -> memref<32x128xf32, #tpu.memory_space<vmem>>
        %gather3A_774 = tpu.vector_load_idx %gather3A_773[%shift_right_logical3A_765, %and3A_768] : memref<32x128xf32, #tpu.memory_space<vmem>>[vector<16xi32>, vector<16xi32>], vector<16xf32>,
        %swap3A_775 = arith.constant 0 : i32
        %swap3A_776 = arith.index_cast %swap3A_775 : i32 to index
        %swap3A_777 = arith.index_cast %scan3A_741 : i32 to index
        %swap3A_778 = arith.constant 16 : index
        %swap3A_779 = tpu.vector_load %arg5[%swap3A_776, %swap3A_777, %swap3A_778] {strides = array<i32>} : memref<2x32x128xf32, #tpu.memory_space<vmem>>, vector<16xf32>,
        tpu.vector_store %arg5[%swap3A_776, %swap3A_777, %swap3A_778], %gather3A_774 {strides = array<i32>} : memref<2x32x128xf32, #tpu.memory_space<vmem>>, vector<16xf32>,
        %add3A_780 = vector.broadcast %scan3A_741 : i32 to vector<16xi32>
        %add3A_781 = arith.addi %mul3A_18, %add3A_780 : vector<16xi32>
        %shift_right_logical3A_782 = arith.constant 7 : i32
        %shift_right_logical3A_783 = vector.broadcast %shift_right_logical3A_782 : i32 to vector<16xi32>
        %shift_right_logical3A_784 = arith.shrui %add3A_781, %shift_right_logical3A_783 : vector<16xi32>
        %and3A_785 = arith.constant 127 : i32
        %and3A_786 = vector.broadcast %and3A_785 : i32 to vector<16xi32>
        %and3A_787 = arith.andi %add3A_781, %and3A_786 : vector<16xi32>
        %gather3A_788 = arith.constant 0 : i32
        %gather3A_789 = arith.constant 0 : i32
        %gather3A_790 = arith.constant 0 : i32
        %gather3A_791 = tpu.memref_slice %arg4[%gather3A_788, %gather3A_789, %gather3A_790] : memref<2x32x128xf32, #tpu.memory_space<vmem>> -> memref<1x32x128xf32, #tpu.memory_space<vmem>>
        %gather3A_792 = tpu.memref_squeeze %gather3A_791 : memref<1x32x128xf32, #tpu.memory_space<vmem>> -> memref<32x128xf32, #tpu.memory_space<vmem>>
        %gather3A_793 = tpu.vector_load_idx %gather3A_792[%shift_right_logical3A_784, %and3A_787] : memref<32x128xf32, #tpu.memory_space<vmem>>[vector<16xi32>, vector<16xi32>], vector<16xf32>,
        %swap3A_794 = arith.constant 0 : i32
        %swap3A_795 = arith.index_cast %swap3A_794 : i32 to index
        %swap3A_796 = arith.index_cast %scan3A_741 : i32 to index
        %swap3A_797 = arith.constant 32 : index
        %swap3A_798 = tpu.vector_load %arg5[%swap3A_795, %swap3A_796, %swap3A_797] {strides = array<i32>} : memref<2x32x128xf32, #tpu.memory_space<vmem>>, vector<16xf32>,
        tpu.vector_store %arg5[%swap3A_795, %swap3A_796, %swap3A_797], %gather3A_793 {strides = array<i32>} : memref<2x32x128xf32, #tpu.memory_space<vmem>>, vector<16xf32>,
        %add3A_799 = vector.broadcast %scan3A_741 : i32 to vector<16xi32>
        %add3A_800 = arith.addi %mul3A_24, %add3A_799 : vector<16xi32>
        %shift_right_logical3A_801 = arith.constant 7 : i32
        %shift_right_logical3A_802 = vector.broadcast %shift_right_logical3A_801 : i32 to vector<16xi32>
        %shift_right_logical3A_803 = arith.shrui %add3A_800, %shift_right_logical3A_802 : vector<16xi32>
        %and3A_804 = arith.constant 127 : i32
        %and3A_805 = vector.broadcast %and3A_804 : i32 to vector<16xi32>
        %and3A_806 = arith.andi %add3A_800, %and3A_805 : vector<16xi32>
        %gather3A_807 = arith.constant 0 : i32
        %gather3A_808 = arith.constant 0 : i32
        %gather3A_809 = arith.constant 0 : i32
        %gather3A_810 = tpu.memref_slice %arg4[%gather3A_807, %gather3A_808, %gather3A_809] : memref<2x32x128xf32, #tpu.memory_space<vmem>> -> memref<1x32x128xf32, #tpu.memory_space<vmem>>
        %gather3A_811 = tpu.memref_squeeze %gather3A_810 : memref<1x32x128xf32, #tpu.memory_space<vmem>> -> memref<32x128xf32, #tpu.memory_space<vmem>>
        %gather3A_812 = tpu.vector_load_idx %gather3A_811[%shift_right_logical3A_803, %and3A_806] : memref<32x128xf32, #tpu.memory_space<vmem>>[vector<16xi32>, vector<16xi32>], vector<16xf32>,
        %swap3A_813 = arith.constant 0 : i32
        %swap3A_814 = arith.index_cast %swap3A_813 : i32 to index
        %swap3A_815 = arith.index_cast %scan3A_741 : i32 to index
        %swap3A_816 = arith.constant 48 : index
        %swap3A_817 = tpu.vector_load %arg5[%swap3A_814, %swap3A_815, %swap3A_816] {strides = array<i32>} : memref<2x32x128xf32, #tpu.memory_space<vmem>>, vector<16xf32>,
        tpu.vector_store %arg5[%swap3A_814, %swap3A_815, %swap3A_816], %gather3A_812 {strides = array<i32>} : memref<2x32x128xf32, #tpu.memory_space<vmem>>, vector<16xf32>,
        %add3A_818 = vector.broadcast %scan3A_741 : i32 to vector<16xi32>
        %add3A_819 = arith.addi %mul3A_30, %add3A_818 : vector<16xi32>
        %shift_right_logical3A_820 = arith.constant 7 : i32
        %shift_right_logical3A_821 = vector.broadcast %shift_right_logical3A_820 : i32 to vector<16xi32>
        %shift_right_logical3A_822 = arith.shrui %add3A_819, %shift_right_logical3A_821 : vector<16xi32>
        %and3A_823 = arith.constant 127 : i32
        %and3A_824 = vector.broadcast %and3A_823 : i32 to vector<16xi32>
        %and3A_825 = arith.andi %add3A_819, %and3A_824 : vector<16xi32>
        %gather3A_826 = arith.constant 0 : i32
        %gather3A_827 = arith.constant 0 : i32
        %gather3A_828 = arith.constant 0 : i32
        %gather3A_829 = tpu.memref_slice %arg4[%gather3A_826, %gather3A_827, %gather3A_828] : memref<2x32x128xf32, #tpu.memory_space<vmem>> -> memref<1x32x128xf32, #tpu.memory_space<vmem>>
        %gather3A_830 = tpu.memref_squeeze %gather3A_829 : memref<1x32x128xf32, #tpu.memory_space<vmem>> -> memref<32x128xf32, #tpu.memory_space<vmem>>
        %gather3A_831 = tpu.vector_load_idx %gather3A_830[%shift_right_logical3A_822, %and3A_825] : memref<32x128xf32, #tpu.memory_space<vmem>>[vector<16xi32>, vector<16xi32>], vector<16xf32>,
        %swap3A_832 = arith.constant 0 : i32
        %swap3A_833 = arith.index_cast %swap3A_832 : i32 to index
        %swap3A_834 = arith.index_cast %scan3A_741 : i32 to index
        %swap3A_835 = arith.constant 64 : index
        %swap3A_836 = tpu.vector_load %arg5[%swap3A_833, %swap3A_834, %swap3A_835] {strides = array<i32>} : memref<2x32x128xf32, #tpu.memory_space<vmem>>, vector<16xf32>,
        tpu.vector_store %arg5[%swap3A_833, %swap3A_834, %swap3A_835], %gather3A_831 {strides = array<i32>} : memref<2x32x128xf32, #tpu.memory_space<vmem>>, vector<16xf32>,
        %add3A_837 = vector.broadcast %scan3A_741 : i32 to vector<16xi32>
        %add3A_838 = arith.addi %mul3A_36, %add3A_837 : vector<16xi32>
        %shift_right_logical3A_839 = arith.constant 7 : i32
        %shift_right_logical3A_840 = vector.broadcast %shift_right_logical3A_839 : i32 to vector<16xi32>
        %shift_right_logical3A_841 = arith.shrui %add3A_838, %shift_right_logical3A_840 : vector<16xi32>
        %and3A_842 = arith.constant 127 : i32
        %and3A_843 = vector.broadcast %and3A_842 : i32 to vector<16xi32>
        %and3A_844 = arith.andi %add3A_838, %and3A_843 : vector<16xi32>
        %gather3A_845 = arith.constant 0 : i32
        %gather3A_846 = arith.constant 0 : i32
        %gather3A_847 = arith.constant 0 : i32
        %gather3A_848 = tpu.memref_slice %arg4[%gather3A_845, %gather3A_846, %gather3A_847] : memref<2x32x128xf32, #tpu.memory_space<vmem>> -> memref<1x32x128xf32, #tpu.memory_space<vmem>>
        %gather3A_849 = tpu.memref_squeeze %gather3A_848 : memref<1x32x128xf32, #tpu.memory_space<vmem>> -> memref<32x128xf32, #tpu.memory_space<vmem>>
        %gather3A_850 = tpu.vector_load_idx %gather3A_849[%shift_right_logical3A_841, %and3A_844] : memref<32x128xf32, #tpu.memory_space<vmem>>[vector<16xi32>, vector<16xi32>], vector<16xf32>,
        %swap3A_851 = arith.constant 0 : i32
        %swap3A_852 = arith.index_cast %swap3A_851 : i32 to index
        %swap3A_853 = arith.index_cast %scan3A_741 : i32 to index
        %swap3A_854 = arith.constant 80 : index
        %swap3A_855 = tpu.vector_load %arg5[%swap3A_852, %swap3A_853, %swap3A_854] {strides = array<i32>} : memref<2x32x128xf32, #tpu.memory_space<vmem>>, vector<16xf32>,
        tpu.vector_store %arg5[%swap3A_852, %swap3A_853, %swap3A_854], %gather3A_850 {strides = array<i32>} : memref<2x32x128xf32, #tpu.memory_space<vmem>>, vector<16xf32>,
        %add3A_856 = vector.broadcast %scan3A_741 : i32 to vector<16xi32>
        %add3A_857 = arith.addi %mul3A_42, %add3A_856 : vector<16xi32>
        %shift_right_logical3A_858 = arith.constant 7 : i32
        %shift_right_logical3A_859 = vector.broadcast %shift_right_logical3A_858 : i32 to vector<16xi32>
        %shift_right_logical3A_860 = arith.shrui %add3A_857, %shift_right_logical3A_859 : vector<16xi32>
        %and3A_861 = arith.constant 127 : i32
        %and3A_862 = vector.broadcast %and3A_861 : i32 to vector<16xi32>
        %and3A_863 = arith.andi %add3A_857, %and3A_862 : vector<16xi32>
        %gather3A_864 = arith.constant 0 : i32
        %gather3A_865 = arith.constant 0 : i32
        %gather3A_866 = arith.constant 0 : i32
        %gather3A_867 = tpu.memref_slice %arg4[%gather3A_864, %gather3A_865, %gather3A_866] : memref<2x32x128xf32, #tpu.memory_space<vmem>> -> memref<1x32x128xf32, #tpu.memory_space<vmem>>
        %gather3A_868 = tpu.memref_squeeze %gather3A_867 : memref<1x32x128xf32, #tpu.memory_space<vmem>> -> memref<32x128xf32, #tpu.memory_space<vmem>>
        %gather3A_869 = tpu.vector_load_idx %gather3A_868[%shift_right_logical3A_860, %and3A_863] : memref<32x128xf32, #tpu.memory_space<vmem>>[vector<16xi32>, vector<16xi32>], vector<16xf32>,
        %swap3A_870 = arith.constant 0 : i32
        %swap3A_871 = arith.index_cast %swap3A_870 : i32 to index
        %swap3A_872 = arith.index_cast %scan3A_741 : i32 to index
        %swap3A_873 = arith.constant 96 : index
        %swap3A_874 = tpu.vector_load %arg5[%swap3A_871, %swap3A_872, %swap3A_873] {strides = array<i32>} : memref<2x32x128xf32, #tpu.memory_space<vmem>>, vector<16xf32>,
        tpu.vector_store %arg5[%swap3A_871, %swap3A_872, %swap3A_873], %gather3A_869 {strides = array<i32>} : memref<2x32x128xf32, #tpu.memory_space<vmem>>, vector<16xf32>,
        %add3A_875 = vector.broadcast %scan3A_741 : i32 to vector<16xi32>
        %add3A_876 = arith.addi %mul3A_48, %add3A_875 : vector<16xi32>
        %shift_right_logical3A_877 = arith.constant 7 : i32
        %shift_right_logical3A_878 = vector.broadcast %shift_right_logical3A_877 : i32 to vector<16xi32>
        %shift_right_logical3A_879 = arith.shrui %add3A_876, %shift_right_logical3A_878 : vector<16xi32>
        %and3A_880 = arith.constant 127 : i32
        %and3A_881 = vector.broadcast %and3A_880 : i32 to vector<16xi32>
        %and3A_882 = arith.andi %add3A_876, %and3A_881 : vector<16xi32>
        %gather3A_883 = arith.constant 0 : i32
        %gather3A_884 = arith.constant 0 : i32
        %gather3A_885 = arith.constant 0 : i32
        %gather3A_886 = tpu.memref_slice %arg4[%gather3A_883, %gather3A_884, %gather3A_885] : memref<2x32x128xf32, #tpu.memory_space<vmem>> -> memref<1x32x128xf32, #tpu.memory_space<vmem>>
        %gather3A_887 = tpu.memref_squeeze %gather3A_886 : memref<1x32x128xf32, #tpu.memory_space<vmem>> -> memref<32x128xf32, #tpu.memory_space<vmem>>
        %gather3A_888 = tpu.vector_load_idx %gather3A_887[%shift_right_logical3A_879, %and3A_882] : memref<32x128xf32, #tpu.memory_space<vmem>>[vector<16xi32>, vector<16xi32>], vector<16xf32>,
        %swap3A_889 = arith.constant 0 : i32
        %swap3A_890 = arith.index_cast %swap3A_889 : i32 to index
        %swap3A_891 = arith.index_cast %scan3A_741 : i32 to index
        %swap3A_892 = arith.constant 112 : index
        %swap3A_893 = tpu.vector_load %arg5[%swap3A_890, %swap3A_891, %swap3A_892] {strides = array<i32>} : memref<2x32x128xf32, #tpu.memory_space<vmem>>, vector<16xf32>,
        tpu.vector_store %arg5[%swap3A_890, %swap3A_891, %swap3A_892], %gather3A_888 {strides = array<i32>} : memref<2x32x128xf32, #tpu.memory_space<vmem>>, vector<16xf32>,
      }
      %scan3A_446 = arith.constant 32 : i32
      %jit3A_447 = arith.constant 128 : i32
      %div3A_448 = arith.divsi %add3A_407, %jit3A_447 : i32
      %sign3A_449 = arith.constant 0 : i32
      %sign3A_450 = arith.cmpi sgt, %add3A_407, %sign3A_449 : i32
      %sign3A_451 = arith.extui %sign3A_450 : i1 to i32
      %sign3A_452 = arith.constant 0 : i32
      %sign3A_453 = arith.cmpi slt, %add3A_407, %sign3A_452 : i32
      %sign3A_454 = arith.extui %sign3A_453 : i1 to i32
      %sign3A_455 = arith.subi %sign3A_451, %sign3A_454 : i32
      %sign3A_456 = arith.constant 0 : i32
      %sign3A_457 = arith.cmpi sgt, %jit3A_447, %sign3A_456 : i32
      %sign3A_458 = arith.extui %sign3A_457 : i1 to i32
      %sign3A_459 = arith.constant 0 : i32
      %sign3A_460 = arith.cmpi slt, %jit3A_447, %sign3A_459 : i32
      %sign3A_461 = arith.extui %sign3A_460 : i1 to i32
      %sign3A_462 = arith.subi %sign3A_458, %sign3A_461 : i32
      %ne3A_463 = arith.cmpi ne, %sign3A_455, %sign3A_462 : i32
      %rem3A_464 = arith.remsi %add3A_407, %jit3A_447 : i32
      %ne3A_465 = arith.constant 0 : i32
      %ne3A_466 = arith.cmpi ne, %rem3A_464, %ne3A_465 : i32
      %and3A_467 = arith.andi %ne3A_463, %ne3A_466 : i1
      %sub3A_468 = arith.constant 1 : i32
      %sub3A_469 = arith.subi %div3A_448, %sub3A_468 : i32
      %select_n3A_470 = arith.select %and3A_467, %sub3A_469, %div3A_448 : i32
      %rem3A_471 = arith.constant 128 : i32
      %rem3A_472 = arith.remsi %add3A_407, %rem3A_471 : i32
      %mul3A_473 = arith.constant 128 : i32
      %mul3A_474 = arith.muli %rem3A_472, %mul3A_473 : i32
      %dma_start3A_475 = arith.constant 0 : i32
      %dma_start3A_476 = arith.constant 0 : i32
      %dma_start3A_477 = arith.constant 0 : i32
      %dma_start3A_478 = tpu.memref_slice %arg5[%dma_start3A_475, %dma_start3A_476, %dma_start3A_477] : memref<2x32x128xf32, #tpu.memory_space<vmem>> -> memref<1x32x128xf32, #tpu.memory_space<vmem>>
      %dma_start3A_479 = tpu.memref_squeeze %dma_start3A_478 : memref<1x32x128xf32, #tpu.memory_space<vmem>> -> memref<32x128xf32, #tpu.memory_space<vmem>>
      %dma_start3A_480 = arith.constant 0 : i32
      %dma_start3A_481 = tpu.memref_slice %arg3[%select_n3A_470, %dma_start3A_480, %mul3A_474] : memref<200x32x16384xf32, #tpu.memory_space<hbm>> -> memref<1x32x128xf32, #tpu.memory_space<hbm>>
      %dma_start3A_482 = tpu.memref_squeeze %dma_start3A_481 : memref<1x32x128xf32, #tpu.memory_space<hbm>> -> memref<32x128xf32, #tpu.memory_space<hbm>>
      %dma_start3A_483 = arith.constant 0 : i32
      %dma_start3A_484 = tpu.memref_slice %arg3[%select_n3A_470, %dma_start3A_483, %mul3A_474] : memref<200x32x16384xf32, #tpu.memory_space<hbm>> -> memref<1x32x128xf32, #tpu.memory_space<hbm>>
      %dma_start3A_485 = tpu.memref_squeeze %dma_start3A_484 : memref<1x32x128xf32, #tpu.memory_space<hbm>> -> memref<32x128xf32, #tpu.memory_space<hbm>>
      %dma_start3A_486 = arith.constant 0 : i32
      %dma_start3A_487 = arith.constant 0 : i32
      %dma_start3A_488 = tpu.memref_slice %arg5[%dma_start3A_475, %dma_start3A_486, %dma_start3A_487] : memref<2x32x128xf32, #tpu.memory_space<vmem>> -> memref<1x32x128xf32, #tpu.memory_space<vmem>>
      %dma_start3A_489 = tpu.memref_squeeze %dma_start3A_488 : memref<1x32x128xf32, #tpu.memory_space<vmem>> -> memref<32x128xf32, #tpu.memory_space<vmem>>
      tpu.enqueue_dma source(%dma_start3A_489 : memref<32x128xf32, #tpu.memory_space<vmem>>) target(%dma_start3A_485 : memref<32x128xf32, #tpu.memory_space<hbm>>) target_semaphore(%arg8 : memref<!tpu.dma_semaphore, #tpu.memory_space<semaphore_mem>>)
      %add3A_490 = arith.constant 2 : i32
      %add3A_491 = arith.addi %add3A_406, %add3A_490 : i32
      %lt3A = arith.constant 800 : i32
      %lt3A_492 = arith.cmpi slt, %add3A_491, %lt3A : i32
      %convert_element_type3A = arith.extui %lt3A_492 : i1 to i32
      %cond3A = arith.constant 0 : i32
      %cond3A_493 = arith.cmpi ne, %convert_element_type3A, %cond3A : i32
      scf.if %cond3A_493 {
        %add3A_590 = arith.constant 2 : i32
        %add3A_591 = arith.addi %add3A_407, %add3A_590 : i32
        %jit3A_592 = arith.constant 128 : i32
        %div3A_593 = arith.divsi %add3A_591, %jit3A_592 : i32
        %sign3A_594 = arith.constant 0 : i32
        %sign3A_595 = arith.cmpi sgt, %add3A_591, %sign3A_594 : i32
        %sign3A_596 = arith.extui %sign3A_595 : i1 to i32
        %sign3A_597 = arith.constant 0 : i32
        %sign3A_598 = arith.cmpi slt, %add3A_591, %sign3A_597 : i32
        %sign3A_599 = arith.extui %sign3A_598 : i1 to i32
        %sign3A_600 = arith.subi %sign3A_596, %sign3A_599 : i32
        %sign3A_601 = arith.constant 0 : i32
        %sign3A_602 = arith.cmpi sgt, %jit3A_592, %sign3A_601 : i32
        %sign3A_603 = arith.extui %sign3A_602 : i1 to i32
        %sign3A_604 = arith.constant 0 : i32
        %sign3A_605 = arith.cmpi slt, %jit3A_592, %sign3A_604 : i32
        %sign3A_606 = arith.extui %sign3A_605 : i1 to i32
        %sign3A_607 = arith.subi %sign3A_603, %sign3A_606 : i32
        %ne3A_608 = arith.cmpi ne, %sign3A_600, %sign3A_607 : i32
        %rem3A_609 = arith.remsi %add3A_591, %jit3A_592 : i32
        %ne3A_610 = arith.constant 0 : i32
        %ne3A_611 = arith.cmpi ne, %rem3A_609, %ne3A_610 : i32
        %and3A_612 = arith.andi %ne3A_608, %ne3A_611 : i1
        %sub3A_613 = arith.constant 1 : i32
        %sub3A_614 = arith.subi %div3A_593, %sub3A_613 : i32
        %select_n3A_615 = arith.select %and3A_612, %sub3A_614, %div3A_593 : i32
        %mul3A_616 = arith.constant 4096 : i32
        %mul3A_617 = arith.muli %select_n3A_615, %mul3A_616 : i32
        %rem3A_618 = arith.constant 128 : i32
        %rem3A_619 = arith.remsi %add3A_591, %rem3A_618 : i32
        %mul3A_620 = arith.constant 32 : i32
        %mul3A_621 = arith.muli %rem3A_619, %mul3A_620 : i32
        %add3A_622 = arith.addi %mul3A_617, %mul3A_621 : i32
        %dma_start3A_623 = arith.constant 0 : i32
        %dma_start3A_624 = arith.constant 0 : i32
        %dma_start3A_625 = arith.constant 0 : i32
        %dma_start3A_626 = tpu.memref_slice %arg4[%dma_start3A_623, %dma_start3A_624, %dma_start3A_625] : memref<2x32x128xf32, #tpu.memory_space<vmem>> -> memref<1x32x128xf32, #tpu.memory_space<vmem>>
        %dma_start3A_627 = tpu.memref_squeeze %dma_start3A_626 : memref<1x32x128xf32, #tpu.memory_space<vmem>> -> memref<32x128xf32, #tpu.memory_space<vmem>>
        %dma_start3A_628 = arith.constant 0 : i32
        %dma_start3A_629 = tpu.memref_slice %arg2[%add3A_622, %dma_start3A_628] : memref<819200x128xf32, #tpu.memory_space<hbm>> -> memref<32x128xf32, #tpu.memory_space<hbm>>
        %dma_start3A_630 = arith.constant 0 : i32
        %dma_start3A_631 = arith.constant 0 : i32
        %dma_start3A_632 = tpu.memref_slice %arg4[%dma_start3A_623, %dma_start3A_630, %dma_start3A_631] : memref<2x32x128xf32, #tpu.memory_space<vmem>> -> memref<1x32x128xf32, #tpu.memory_space<vmem>>
        %dma_start3A_633 = tpu.memref_squeeze %dma_start3A_632 : memref<1x32x128xf32, #tpu.memory_space<vmem>> -> memref<32x128xf32, #tpu.memory_space<vmem>>
        %dma_start3A_634 = arith.constant 0 : i32
        %dma_start3A_635 = tpu.memref_slice %arg2[%add3A_622, %dma_start3A_634] : memref<819200x128xf32, #tpu.memory_space<hbm>> -> memref<32x128xf32, #tpu.memory_space<hbm>>
        tpu.enqueue_dma source(%dma_start3A_635 : memref<32x128xf32, #tpu.memory_space<hbm>>) target(%dma_start3A_633 : memref<32x128xf32, #tpu.memory_space<vmem>>) target_semaphore(%arg6 : memref<!tpu.dma_semaphore, #tpu.memory_space<semaphore_mem>>)
      } else {
      }
      %mul3A_494 = arith.constant 2 : i32
      %mul3A_495 = arith.muli %mul3A_494, %scan3A_400 : i32
      %add3A_496 = arith.constant 2 : i32
      %add3A_497 = arith.addi %add3A_496, %mul3A_495 : i32
      %add3A_498 = arith.constant 1 : i32
      %add3A_499 = arith.addi %add3A_497, %add3A_498 : i32
      %add3A_500 = arith.addi %mul3A_50, %add3A_499 : i32
      %dma_wait3A_501 = arith.constant 1 : i32
      %dma_wait3A_502 = arith.constant 0 : i32
      %dma_wait3A_503 = arith.constant 0 : i32
      %dma_wait3A_504 = tpu.memref_slice %arg4[%dma_wait3A_501, %dma_wait3A_502, %dma_wait3A_503] : memref<2x32x128xf32, #tpu.memory_space<vmem>> -> memref<1x32x128xf32, #tpu.memory_space<vmem>>
      %dma_wait3A_505 = tpu.memref_squeeze %dma_wait3A_504 : memref<1x32x128xf32, #tpu.memory_space<vmem>> -> memref<32x128xf32, #tpu.memory_space<vmem>>
      %dma_wait3A_506 = arith.constant 0 : i32
      %dma_wait3A_507 = arith.constant 0 : i32
      %dma_wait3A_508 = tpu.memref_slice %arg2[%dma_wait3A_506, %dma_wait3A_507] : memref<819200x128xf32, #tpu.memory_space<hbm>> -> memref<32x128xf32, #tpu.memory_space<hbm>>
      %dma_wait3A_509 = arith.constant 0 : i32
      %dma_wait3A_510 = arith.constant 0 : i32
      %dma_wait3A_511 = tpu.memref_slice %arg4[%dma_wait3A_501, %dma_wait3A_509, %dma_wait3A_510] : memref<2x32x128xf32, #tpu.memory_space<vmem>> -> memref<1x32x128xf32, #tpu.memory_space<vmem>>
      %dma_wait3A_512 = tpu.memref_squeeze %dma_wait3A_511 : memref<1x32x128xf32, #tpu.memory_space<vmem>> -> memref<32x128xf32, #tpu.memory_space<vmem>>
      %dma_wait3A_513 = arith.constant 0 : i32
      %dma_wait3A_514 = arith.constant 0 : i32
      %dma_wait3A_515 = tpu.memref_slice %arg2[%dma_wait3A_513, %dma_wait3A_514] : memref<819200x128xf32, #tpu.memory_space<hbm>> -> memref<32x128xf32, #tpu.memory_space<hbm>>
      tpu.wait_dma2 semaphore(%arg7 : memref<!tpu.dma_semaphore, #tpu.memory_space<semaphore_mem>>) src(%dma_wait3A_515 : memref<32x128xf32, #tpu.memory_space<hbm>>) dst(%dma_wait3A_512 : memref<32x128xf32, #tpu.memory_space<vmem>>)
      %dma_wait3A_516 = arith.constant 1 : i32
      %dma_wait3A_517 = arith.constant 0 : i32
      %dma_wait3A_518 = arith.constant 0 : i32
      %dma_wait3A_519 = arith.constant 0 : i32
      %dma_wait3A_520 = tpu.memref_slice %arg5[%dma_wait3A_516, %dma_wait3A_518, %dma_wait3A_519] : memref<2x32x128xf32, #tpu.memory_space<vmem>> -> memref<1x32x128xf32, #tpu.memory_space<vmem>>
      %dma_wait3A_521 = tpu.memref_squeeze %dma_wait3A_520 : memref<1x32x128xf32, #tpu.memory_space<vmem>> -> memref<32x128xf32, #tpu.memory_space<vmem>>
      %dma_wait3A_522 = arith.constant 0 : i32
      %dma_wait3A_523 = arith.constant 0 : i32
      %dma_wait3A_524 = tpu.memref_slice %arg3[%dma_wait3A_517, %dma_wait3A_522, %dma_wait3A_523] : memref<200x32x16384xf32, #tpu.memory_space<hbm>> -> memref<1x32x128xf32, #tpu.memory_space<hbm>>
      %dma_wait3A_525 = tpu.memref_squeeze %dma_wait3A_524 : memref<1x32x128xf32, #tpu.memory_space<hbm>> -> memref<32x128xf32, #tpu.memory_space<hbm>>
      %dma_wait3A_526 = arith.constant 0 : i32
      %dma_wait3A_527 = arith.constant 0 : i32
      %dma_wait3A_528 = tpu.memref_slice %arg3[%dma_wait3A_517, %dma_wait3A_526, %dma_wait3A_527] : memref<200x32x16384xf32, #tpu.memory_space<hbm>> -> memref<1x32x128xf32, #tpu.memory_space<hbm>>
      %dma_wait3A_529 = tpu.memref_squeeze %dma_wait3A_528 : memref<1x32x128xf32, #tpu.memory_space<hbm>> -> memref<32x128xf32, #tpu.memory_space<hbm>>
      %dma_wait3A_530 = arith.constant 0 : i32
      %dma_wait3A_531 = arith.constant 0 : i32
      %dma_wait3A_532 = tpu.memref_slice %arg5[%dma_wait3A_516, %dma_wait3A_530, %dma_wait3A_531] : memref<2x32x128xf32, #tpu.memory_space<vmem>> -> memref<1x32x128xf32, #tpu.memory_space<vmem>>
      %dma_wait3A_533 = tpu.memref_squeeze %dma_wait3A_532 : memref<1x32x128xf32, #tpu.memory_space<vmem>> -> memref<32x128xf32, #tpu.memory_space<vmem>>
      tpu.wait_dma2 semaphore(%arg9 : memref<!tpu.dma_semaphore, #tpu.memory_space<semaphore_mem>>) src(%dma_wait3A_533 : memref<32x128xf32, #tpu.memory_space<vmem>>) dst(%dma_wait3A_529 : memref<32x128xf32, #tpu.memory_space<hbm>>)
      %scan3A_534 = arith.constant 0 : i32
      %scan3A_535 = arith.constant 0 : i32
      %scan3A_536 = arith.constant 32 : i32
      %scan3A_537 = arith.addi %scan3A_535, %scan3A_536 : i32
      %scan3A_538 = arith.constant 2 : i32
      scf.for %scan3A_590 = %scan3A_535 to %scan3A_537 step %scan3A_538  : i32 {
        %add3A_591 = vector.broadcast %scan3A_590 : i32 to vector<16xi32>
        %add3A_592 = arith.addi %mul3A_6, %add3A_591 : vector<16xi32>
        %shift_right_logical3A = arith.constant 7 : i32
        %shift_right_logical3A_593 = vector.broadcast %shift_right_logical3A : i32 to vector<16xi32>
        %shift_right_logical3A_594 = arith.shrui %add3A_592, %shift_right_logical3A_593 : vector<16xi32>
        %and3A_595 = arith.constant 127 : i32
        %and3A_596 = vector.broadcast %and3A_595 : i32 to vector<16xi32>
        %and3A_597 = arith.andi %add3A_592, %and3A_596 : vector<16xi32>
        %gather3A = arith.constant 1 : i32
        %gather3A_598 = arith.constant 0 : i32
        %gather3A_599 = arith.constant 0 : i32
        %gather3A_600 = tpu.memref_slice %arg4[%gather3A, %gather3A_598, %gather3A_599] : memref<2x32x128xf32, #tpu.memory_space<vmem>> -> memref<1x32x128xf32, #tpu.memory_space<vmem>>
        %gather3A_601 = tpu.memref_squeeze %gather3A_600 : memref<1x32x128xf32, #tpu.memory_space<vmem>> -> memref<32x128xf32, #tpu.memory_space<vmem>>
        %gather3A_602 = tpu.vector_load_idx %gather3A_601[%shift_right_logical3A_594, %and3A_597] : memref<32x128xf32, #tpu.memory_space<vmem>>[vector<16xi32>, vector<16xi32>], vector<16xf32>,
        %swap3A = arith.constant 1 : i32
        %swap3A_603 = arith.index_cast %swap3A : i32 to index
        %swap3A_604 = arith.index_cast %scan3A_590 : i32 to index
        %swap3A_605 = arith.constant 0 : index
        %swap3A_606 = tpu.vector_load %arg5[%swap3A_603, %swap3A_604, %swap3A_605] {strides = array<i32>} : memref<2x32x128xf32, #tpu.memory_space<vmem>>, vector<16xf32>,
        tpu.vector_store %arg5[%swap3A_603, %swap3A_604, %swap3A_605], %gather3A_602 {strides = array<i32>} : memref<2x32x128xf32, #tpu.memory_space<vmem>>, vector<16xf32>,
        %add3A_607 = vector.broadcast %scan3A_590 : i32 to vector<16xi32>
        %add3A_608 = arith.addi %mul3A_12, %add3A_607 : vector<16xi32>
        %shift_right_logical3A_609 = arith.constant 7 : i32
        %shift_right_logical3A_610 = vector.broadcast %shift_right_logical3A_609 : i32 to vector<16xi32>
        %shift_right_logical3A_611 = arith.shrui %add3A_608, %shift_right_logical3A_610 : vector<16xi32>
        %and3A_612 = arith.constant 127 : i32
        %and3A_613 = vector.broadcast %and3A_612 : i32 to vector<16xi32>
        %and3A_614 = arith.andi %add3A_608, %and3A_613 : vector<16xi32>
        %gather3A_615 = arith.constant 1 : i32
        %gather3A_616 = arith.constant 0 : i32
        %gather3A_617 = arith.constant 0 : i32
        %gather3A_618 = tpu.memref_slice %arg4[%gather3A_615, %gather3A_616, %gather3A_617] : memref<2x32x128xf32, #tpu.memory_space<vmem>> -> memref<1x32x128xf32, #tpu.memory_space<vmem>>
        %gather3A_619 = tpu.memref_squeeze %gather3A_618 : memref<1x32x128xf32, #tpu.memory_space<vmem>> -> memref<32x128xf32, #tpu.memory_space<vmem>>
        %gather3A_620 = tpu.vector_load_idx %gather3A_619[%shift_right_logical3A_611, %and3A_614] : memref<32x128xf32, #tpu.memory_space<vmem>>[vector<16xi32>, vector<16xi32>], vector<16xf32>,
        %swap3A_621 = arith.constant 1 : i32
        %swap3A_622 = arith.index_cast %swap3A_621 : i32 to index
        %swap3A_623 = arith.index_cast %scan3A_590 : i32 to index
        %swap3A_624 = arith.constant 16 : index
        %swap3A_625 = tpu.vector_load %arg5[%swap3A_622, %swap3A_623, %swap3A_624] {strides = array<i32>} : memref<2x32x128xf32, #tpu.memory_space<vmem>>, vector<16xf32>,
        tpu.vector_store %arg5[%swap3A_622, %swap3A_623, %swap3A_624], %gather3A_620 {strides = array<i32>} : memref<2x32x128xf32, #tpu.memory_space<vmem>>, vector<16xf32>,
        %add3A_626 = vector.broadcast %scan3A_590 : i32 to vector<16xi32>
        %add3A_627 = arith.addi %mul3A_18, %add3A_626 : vector<16xi32>
        %shift_right_logical3A_628 = arith.constant 7 : i32
        %shift_right_logical3A_629 = vector.broadcast %shift_right_logical3A_628 : i32 to vector<16xi32>
        %shift_right_logical3A_630 = arith.shrui %add3A_627, %shift_right_logical3A_629 : vector<16xi32>
        %and3A_631 = arith.constant 127 : i32
        %and3A_632 = vector.broadcast %and3A_631 : i32 to vector<16xi32>
        %and3A_633 = arith.andi %add3A_627, %and3A_632 : vector<16xi32>
        %gather3A_634 = arith.constant 1 : i32
        %gather3A_635 = arith.constant 0 : i32
        %gather3A_636 = arith.constant 0 : i32
        %gather3A_637 = tpu.memref_slice %arg4[%gather3A_634, %gather3A_635, %gather3A_636] : memref<2x32x128xf32, #tpu.memory_space<vmem>> -> memref<1x32x128xf32, #tpu.memory_space<vmem>>
        %gather3A_638 = tpu.memref_squeeze %gather3A_637 : memref<1x32x128xf32, #tpu.memory_space<vmem>> -> memref<32x128xf32, #tpu.memory_space<vmem>>
        %gather3A_639 = tpu.vector_load_idx %gather3A_638[%shift_right_logical3A_630, %and3A_633] : memref<32x128xf32, #tpu.memory_space<vmem>>[vector<16xi32>, vector<16xi32>], vector<16xf32>,
        %swap3A_640 = arith.constant 1 : i32
        %swap3A_641 = arith.index_cast %swap3A_640 : i32 to index
        %swap3A_642 = arith.index_cast %scan3A_590 : i32 to index
        %swap3A_643 = arith.constant 32 : index
        %swap3A_644 = tpu.vector_load %arg5[%swap3A_641, %swap3A_642, %swap3A_643] {strides = array<i32>} : memref<2x32x128xf32, #tpu.memory_space<vmem>>, vector<16xf32>,
        tpu.vector_store %arg5[%swap3A_641, %swap3A_642, %swap3A_643], %gather3A_639 {strides = array<i32>} : memref<2x32x128xf32, #tpu.memory_space<vmem>>, vector<16xf32>,
        %add3A_645 = vector.broadcast %scan3A_590 : i32 to vector<16xi32>
        %add3A_646 = arith.addi %mul3A_24, %add3A_645 : vector<16xi32>
        %shift_right_logical3A_647 = arith.constant 7 : i32
        %shift_right_logical3A_648 = vector.broadcast %shift_right_logical3A_647 : i32 to vector<16xi32>
        %shift_right_logical3A_649 = arith.shrui %add3A_646, %shift_right_logical3A_648 : vector<16xi32>
        %and3A_650 = arith.constant 127 : i32
        %and3A_651 = vector.broadcast %and3A_650 : i32 to vector<16xi32>
        %and3A_652 = arith.andi %add3A_646, %and3A_651 : vector<16xi32>
        %gather3A_653 = arith.constant 1 : i32
        %gather3A_654 = arith.constant 0 : i32
        %gather3A_655 = arith.constant 0 : i32
        %gather3A_656 = tpu.memref_slice %arg4[%gather3A_653, %gather3A_654, %gather3A_655] : memref<2x32x128xf32, #tpu.memory_space<vmem>> -> memref<1x32x128xf32, #tpu.memory_space<vmem>>
        %gather3A_657 = tpu.memref_squeeze %gather3A_656 : memref<1x32x128xf32, #tpu.memory_space<vmem>> -> memref<32x128xf32, #tpu.memory_space<vmem>>
        %gather3A_658 = tpu.vector_load_idx %gather3A_657[%shift_right_logical3A_649, %and3A_652] : memref<32x128xf32, #tpu.memory_space<vmem>>[vector<16xi32>, vector<16xi32>], vector<16xf32>,
        %swap3A_659 = arith.constant 1 : i32
        %swap3A_660 = arith.index_cast %swap3A_659 : i32 to index
        %swap3A_661 = arith.index_cast %scan3A_590 : i32 to index
        %swap3A_662 = arith.constant 48 : index
        %swap3A_663 = tpu.vector_load %arg5[%swap3A_660, %swap3A_661, %swap3A_662] {strides = array<i32>} : memref<2x32x128xf32, #tpu.memory_space<vmem>>, vector<16xf32>,
        tpu.vector_store %arg5[%swap3A_660, %swap3A_661, %swap3A_662], %gather3A_658 {strides = array<i32>} : memref<2x32x128xf32, #tpu.memory_space<vmem>>, vector<16xf32>,
        %add3A_664 = vector.broadcast %scan3A_590 : i32 to vector<16xi32>
        %add3A_665 = arith.addi %mul3A_30, %add3A_664 : vector<16xi32>
        %shift_right_logical3A_666 = arith.constant 7 : i32
        %shift_right_logical3A_667 = vector.broadcast %shift_right_logical3A_666 : i32 to vector<16xi32>
        %shift_right_logical3A_668 = arith.shrui %add3A_665, %shift_right_logical3A_667 : vector<16xi32>
        %and3A_669 = arith.constant 127 : i32
        %and3A_670 = vector.broadcast %and3A_669 : i32 to vector<16xi32>
        %and3A_671 = arith.andi %add3A_665, %and3A_670 : vector<16xi32>
        %gather3A_672 = arith.constant 1 : i32
        %gather3A_673 = arith.constant 0 : i32
        %gather3A_674 = arith.constant 0 : i32
        %gather3A_675 = tpu.memref_slice %arg4[%gather3A_672, %gather3A_673, %gather3A_674] : memref<2x32x128xf32, #tpu.memory_space<vmem>> -> memref<1x32x128xf32, #tpu.memory_space<vmem>>
        %gather3A_676 = tpu.memref_squeeze %gather3A_675 : memref<1x32x128xf32, #tpu.memory_space<vmem>> -> memref<32x128xf32, #tpu.memory_space<vmem>>
        %gather3A_677 = tpu.vector_load_idx %gather3A_676[%shift_right_logical3A_668, %and3A_671] : memref<32x128xf32, #tpu.memory_space<vmem>>[vector<16xi32>, vector<16xi32>], vector<16xf32>,
        %swap3A_678 = arith.constant 1 : i32
        %swap3A_679 = arith.index_cast %swap3A_678 : i32 to index
        %swap3A_680 = arith.index_cast %scan3A_590 : i32 to index
        %swap3A_681 = arith.constant 64 : index
        %swap3A_682 = tpu.vector_load %arg5[%swap3A_679, %swap3A_680, %swap3A_681] {strides = array<i32>} : memref<2x32x128xf32, #tpu.memory_space<vmem>>, vector<16xf32>,
        tpu.vector_store %arg5[%swap3A_679, %swap3A_680, %swap3A_681], %gather3A_677 {strides = array<i32>} : memref<2x32x128xf32, #tpu.memory_space<vmem>>, vector<16xf32>,
        %add3A_683 = vector.broadcast %scan3A_590 : i32 to vector<16xi32>
        %add3A_684 = arith.addi %mul3A_36, %add3A_683 : vector<16xi32>
        %shift_right_logical3A_685 = arith.constant 7 : i32
        %shift_right_logical3A_686 = vector.broadcast %shift_right_logical3A_685 : i32 to vector<16xi32>
        %shift_right_logical3A_687 = arith.shrui %add3A_684, %shift_right_logical3A_686 : vector<16xi32>
        %and3A_688 = arith.constant 127 : i32
        %and3A_689 = vector.broadcast %and3A_688 : i32 to vector<16xi32>
        %and3A_690 = arith.andi %add3A_684, %and3A_689 : vector<16xi32>
        %gather3A_691 = arith.constant 1 : i32
        %gather3A_692 = arith.constant 0 : i32
        %gather3A_693 = arith.constant 0 : i32
        %gather3A_694 = tpu.memref_slice %arg4[%gather3A_691, %gather3A_692, %gather3A_693] : memref<2x32x128xf32, #tpu.memory_space<vmem>> -> memref<1x32x128xf32, #tpu.memory_space<vmem>>
        %gather3A_695 = tpu.memref_squeeze %gather3A_694 : memref<1x32x128xf32, #tpu.memory_space<vmem>> -> memref<32x128xf32, #tpu.memory_space<vmem>>
        %gather3A_696 = tpu.vector_load_idx %gather3A_695[%shift_right_logical3A_687, %and3A_690] : memref<32x128xf32, #tpu.memory_space<vmem>>[vector<16xi32>, vector<16xi32>], vector<16xf32>,
        %swap3A_697 = arith.constant 1 : i32
        %swap3A_698 = arith.index_cast %swap3A_697 : i32 to index
        %swap3A_699 = arith.index_cast %scan3A_590 : i32 to index
        %swap3A_700 = arith.constant 80 : index
        %swap3A_701 = tpu.vector_load %arg5[%swap3A_698, %swap3A_699, %swap3A_700] {strides = array<i32>} : memref<2x32x128xf32, #tpu.memory_space<vmem>>, vector<16xf32>,
        tpu.vector_store %arg5[%swap3A_698, %swap3A_699, %swap3A_700], %gather3A_696 {strides = array<i32>} : memref<2x32x128xf32, #tpu.memory_space<vmem>>, vector<16xf32>,
        %add3A_702 = vector.broadcast %scan3A_590 : i32 to vector<16xi32>
        %add3A_703 = arith.addi %mul3A_42, %add3A_702 : vector<16xi32>
        %shift_right_logical3A_704 = arith.constant 7 : i32
        %shift_right_logical3A_705 = vector.broadcast %shift_right_logical3A_704 : i32 to vector<16xi32>
        %shift_right_logical3A_706 = arith.shrui %add3A_703, %shift_right_logical3A_705 : vector<16xi32>
        %and3A_707 = arith.constant 127 : i32
        %and3A_708 = vector.broadcast %and3A_707 : i32 to vector<16xi32>
        %and3A_709 = arith.andi %add3A_703, %and3A_708 : vector<16xi32>
        %gather3A_710 = arith.constant 1 : i32
        %gather3A_711 = arith.constant 0 : i32
        %gather3A_712 = arith.constant 0 : i32
        %gather3A_713 = tpu.memref_slice %arg4[%gather3A_710, %gather3A_711, %gather3A_712] : memref<2x32x128xf32, #tpu.memory_space<vmem>> -> memref<1x32x128xf32, #tpu.memory_space<vmem>>
        %gather3A_714 = tpu.memref_squeeze %gather3A_713 : memref<1x32x128xf32, #tpu.memory_space<vmem>> -> memref<32x128xf32, #tpu.memory_space<vmem>>
        %gather3A_715 = tpu.vector_load_idx %gather3A_714[%shift_right_logical3A_706, %and3A_709] : memref<32x128xf32, #tpu.memory_space<vmem>>[vector<16xi32>, vector<16xi32>], vector<16xf32>,
        %swap3A_716 = arith.constant 1 : i32
        %swap3A_717 = arith.index_cast %swap3A_716 : i32 to index
        %swap3A_718 = arith.index_cast %scan3A_590 : i32 to index
        %swap3A_719 = arith.constant 96 : index
        %swap3A_720 = tpu.vector_load %arg5[%swap3A_717, %swap3A_718, %swap3A_719] {strides = array<i32>} : memref<2x32x128xf32, #tpu.memory_space<vmem>>, vector<16xf32>,
        tpu.vector_store %arg5[%swap3A_717, %swap3A_718, %swap3A_719], %gather3A_715 {strides = array<i32>} : memref<2x32x128xf32, #tpu.memory_space<vmem>>, vector<16xf32>,
        %add3A_721 = vector.broadcast %scan3A_590 : i32 to vector<16xi32>
        %add3A_722 = arith.addi %mul3A_48, %add3A_721 : vector<16xi32>
        %shift_right_logical3A_723 = arith.constant 7 : i32
        %shift_right_logical3A_724 = vector.broadcast %shift_right_logical3A_723 : i32 to vector<16xi32>
        %shift_right_logical3A_725 = arith.shrui %add3A_722, %shift_right_logical3A_724 : vector<16xi32>
        %and3A_726 = arith.constant 127 : i32
        %and3A_727 = vector.broadcast %and3A_726 : i32 to vector<16xi32>
        %and3A_728 = arith.andi %add3A_722, %and3A_727 : vector<16xi32>
        %gather3A_729 = arith.constant 1 : i32
        %gather3A_730 = arith.constant 0 : i32
        %gather3A_731 = arith.constant 0 : i32
        %gather3A_732 = tpu.memref_slice %arg4[%gather3A_729, %gather3A_730, %gather3A_731] : memref<2x32x128xf32, #tpu.memory_space<vmem>> -> memref<1x32x128xf32, #tpu.memory_space<vmem>>
        %gather3A_733 = tpu.memref_squeeze %gather3A_732 : memref<1x32x128xf32, #tpu.memory_space<vmem>> -> memref<32x128xf32, #tpu.memory_space<vmem>>
        %gather3A_734 = tpu.vector_load_idx %gather3A_733[%shift_right_logical3A_725, %and3A_728] : memref<32x128xf32, #tpu.memory_space<vmem>>[vector<16xi32>, vector<16xi32>], vector<16xf32>,
        %swap3A_735 = arith.constant 1 : i32
        %swap3A_736 = arith.index_cast %swap3A_735 : i32 to index
        %swap3A_737 = arith.index_cast %scan3A_590 : i32 to index
        %swap3A_738 = arith.constant 112 : index
        %swap3A_739 = tpu.vector_load %arg5[%swap3A_736, %swap3A_737, %swap3A_738] {strides = array<i32>} : memref<2x32x128xf32, #tpu.memory_space<vmem>>, vector<16xf32>,
        tpu.vector_store %arg5[%swap3A_736, %swap3A_737, %swap3A_738], %gather3A_734 {strides = array<i32>} : memref<2x32x128xf32, #tpu.memory_space<vmem>>, vector<16xf32>,
        %scan3A_740 = arith.constant 1 : i32
        %scan3A_741 = arith.addi %scan3A_590, %scan3A_740 : i32
        %add3A_742 = vector.broadcast %scan3A_741 : i32 to vector<16xi32>
        %add3A_743 = arith.addi %mul3A_6, %add3A_742 : vector<16xi32>
        %shift_right_logical3A_744 = arith.constant 7 : i32
        %shift_right_logical3A_745 = vector.broadcast %shift_right_logical3A_744 : i32 to vector<16xi32>
        %shift_right_logical3A_746 = arith.shrui %add3A_743, %shift_right_logical3A_745 : vector<16xi32>
        %and3A_747 = arith.constant 127 : i32
        %and3A_748 = vector.broadcast %and3A_747 : i32 to vector<16xi32>
        %and3A_749 = arith.andi %add3A_743, %and3A_748 : vector<16xi32>
        %gather3A_750 = arith.constant 1 : i32
        %gather3A_751 = arith.constant 0 : i32
        %gather3A_752 = arith.constant 0 : i32
        %gather3A_753 = tpu.memref_slice %arg4[%gather3A_750, %gather3A_751, %gather3A_752] : memref<2x32x128xf32, #tpu.memory_space<vmem>> -> memref<1x32x128xf32, #tpu.memory_space<vmem>>
        %gather3A_754 = tpu.memref_squeeze %gather3A_753 : memref<1x32x128xf32, #tpu.memory_space<vmem>> -> memref<32x128xf32, #tpu.memory_space<vmem>>
        %gather3A_755 = tpu.vector_load_idx %gather3A_754[%shift_right_logical3A_746, %and3A_749] : memref<32x128xf32, #tpu.memory_space<vmem>>[vector<16xi32>, vector<16xi32>], vector<16xf32>,
        %swap3A_756 = arith.constant 1 : i32
        %swap3A_757 = arith.index_cast %swap3A_756 : i32 to index
        %swap3A_758 = arith.index_cast %scan3A_741 : i32 to index
        %swap3A_759 = arith.constant 0 : index
        %swap3A_760 = tpu.vector_load %arg5[%swap3A_757, %swap3A_758, %swap3A_759] {strides = array<i32>} : memref<2x32x128xf32, #tpu.memory_space<vmem>>, vector<16xf32>,
        tpu.vector_store %arg5[%swap3A_757, %swap3A_758, %swap3A_759], %gather3A_755 {strides = array<i32>} : memref<2x32x128xf32, #tpu.memory_space<vmem>>, vector<16xf32>,
        %add3A_761 = vector.broadcast %scan3A_741 : i32 to vector<16xi32>
        %add3A_762 = arith.addi %mul3A_12, %add3A_761 : vector<16xi32>
        %shift_right_logical3A_763 = arith.constant 7 : i32
        %shift_right_logical3A_764 = vector.broadcast %shift_right_logical3A_763 : i32 to vector<16xi32>
        %shift_right_logical3A_765 = arith.shrui %add3A_762, %shift_right_logical3A_764 : vector<16xi32>
        %and3A_766 = arith.constant 127 : i32
        %and3A_767 = vector.broadcast %and3A_766 : i32 to vector<16xi32>
        %and3A_768 = arith.andi %add3A_762, %and3A_767 : vector<16xi32>
        %gather3A_769 = arith.constant 1 : i32
        %gather3A_770 = arith.constant 0 : i32
        %gather3A_771 = arith.constant 0 : i32
        %gather3A_772 = tpu.memref_slice %arg4[%gather3A_769, %gather3A_770, %gather3A_771] : memref<2x32x128xf32, #tpu.memory_space<vmem>> -> memref<1x32x128xf32, #tpu.memory_space<vmem>>
        %gather3A_773 = tpu.memref_squeeze %gather3A_772 : memref<1x32x128xf32, #tpu.memory_space<vmem>> -> memref<32x128xf32, #tpu.memory_space<vmem>>
        %gather3A_774 = tpu.vector_load_idx %gather3A_773[%shift_right_logical3A_765, %and3A_768] : memref<32x128xf32, #tpu.memory_space<vmem>>[vector<16xi32>, vector<16xi32>], vector<16xf32>,
        %swap3A_775 = arith.constant 1 : i32
        %swap3A_776 = arith.index_cast %swap3A_775 : i32 to index
        %swap3A_777 = arith.index_cast %scan3A_741 : i32 to index
        %swap3A_778 = arith.constant 16 : index
        %swap3A_779 = tpu.vector_load %arg5[%swap3A_776, %swap3A_777, %swap3A_778] {strides = array<i32>} : memref<2x32x128xf32, #tpu.memory_space<vmem>>, vector<16xf32>,
        tpu.vector_store %arg5[%swap3A_776, %swap3A_777, %swap3A_778], %gather3A_774 {strides = array<i32>} : memref<2x32x128xf32, #tpu.memory_space<vmem>>, vector<16xf32>,
        %add3A_780 = vector.broadcast %scan3A_741 : i32 to vector<16xi32>
        %add3A_781 = arith.addi %mul3A_18, %add3A_780 : vector<16xi32>
        %shift_right_logical3A_782 = arith.constant 7 : i32
        %shift_right_logical3A_783 = vector.broadcast %shift_right_logical3A_782 : i32 to vector<16xi32>
        %shift_right_logical3A_784 = arith.shrui %add3A_781, %shift_right_logical3A_783 : vector<16xi32>
        %and3A_785 = arith.constant 127 : i32
        %and3A_786 = vector.broadcast %and3A_785 : i32 to vector<16xi32>
        %and3A_787 = arith.andi %add3A_781, %and3A_786 : vector<16xi32>
        %gather3A_788 = arith.constant 1 : i32
        %gather3A_789 = arith.constant 0 : i32
        %gather3A_790 = arith.constant 0 : i32
        %gather3A_791 = tpu.memref_slice %arg4[%gather3A_788, %gather3A_789, %gather3A_790] : memref<2x32x128xf32, #tpu.memory_space<vmem>> -> memref<1x32x128xf32, #tpu.memory_space<vmem>>
        %gather3A_792 = tpu.memref_squeeze %gather3A_791 : memref<1x32x128xf32, #tpu.memory_space<vmem>> -> memref<32x128xf32, #tpu.memory_space<vmem>>
        %gather3A_793 = tpu.vector_load_idx %gather3A_792[%shift_right_logical3A_784, %and3A_787] : memref<32x128xf32, #tpu.memory_space<vmem>>[vector<16xi32>, vector<16xi32>], vector<16xf32>,
        %swap3A_794 = arith.constant 1 : i32
        %swap3A_795 = arith.index_cast %swap3A_794 : i32 to index
        %swap3A_796 = arith.index_cast %scan3A_741 : i32 to index
        %swap3A_797 = arith.constant 32 : index
        %swap3A_798 = tpu.vector_load %arg5[%swap3A_795, %swap3A_796, %swap3A_797] {strides = array<i32>} : memref<2x32x128xf32, #tpu.memory_space<vmem>>, vector<16xf32>,
        tpu.vector_store %arg5[%swap3A_795, %swap3A_796, %swap3A_797], %gather3A_793 {strides = array<i32>} : memref<2x32x128xf32, #tpu.memory_space<vmem>>, vector<16xf32>,
        %add3A_799 = vector.broadcast %scan3A_741 : i32 to vector<16xi32>
        %add3A_800 = arith.addi %mul3A_24, %add3A_799 : vector<16xi32>
        %shift_right_logical3A_801 = arith.constant 7 : i32
        %shift_right_logical3A_802 = vector.broadcast %shift_right_logical3A_801 : i32 to vector<16xi32>
        %shift_right_logical3A_803 = arith.shrui %add3A_800, %shift_right_logical3A_802 : vector<16xi32>
        %and3A_804 = arith.constant 127 : i32
        %and3A_805 = vector.broadcast %and3A_804 : i32 to vector<16xi32>
        %and3A_806 = arith.andi %add3A_800, %and3A_805 : vector<16xi32>
        %gather3A_807 = arith.constant 1 : i32
        %gather3A_808 = arith.constant 0 : i32
        %gather3A_809 = arith.constant 0 : i32
        %gather3A_810 = tpu.memref_slice %arg4[%gather3A_807, %gather3A_808, %gather3A_809] : memref<2x32x128xf32, #tpu.memory_space<vmem>> -> memref<1x32x128xf32, #tpu.memory_space<vmem>>
        %gather3A_811 = tpu.memref_squeeze %gather3A_810 : memref<1x32x128xf32, #tpu.memory_space<vmem>> -> memref<32x128xf32, #tpu.memory_space<vmem>>
        %gather3A_812 = tpu.vector_load_idx %gather3A_811[%shift_right_logical3A_803, %and3A_806] : memref<32x128xf32, #tpu.memory_space<vmem>>[vector<16xi32>, vector<16xi32>], vector<16xf32>,
        %swap3A_813 = arith.constant 1 : i32
        %swap3A_814 = arith.index_cast %swap3A_813 : i32 to index
        %swap3A_815 = arith.index_cast %scan3A_741 : i32 to index
        %swap3A_816 = arith.constant 48 : index
        %swap3A_817 = tpu.vector_load %arg5[%swap3A_814, %swap3A_815, %swap3A_816] {strides = array<i32>} : memref<2x32x128xf32, #tpu.memory_space<vmem>>, vector<16xf32>,
        tpu.vector_store %arg5[%swap3A_814, %swap3A_815, %swap3A_816], %gather3A_812 {strides = array<i32>} : memref<2x32x128xf32, #tpu.memory_space<vmem>>, vector<16xf32>,
        %add3A_818 = vector.broadcast %scan3A_741 : i32 to vector<16xi32>
        %add3A_819 = arith.addi %mul3A_30, %add3A_818 : vector<16xi32>
        %shift_right_logical3A_820 = arith.constant 7 : i32
        %shift_right_logical3A_821 = vector.broadcast %shift_right_logical3A_820 : i32 to vector<16xi32>
        %shift_right_logical3A_822 = arith.shrui %add3A_819, %shift_right_logical3A_821 : vector<16xi32>
        %and3A_823 = arith.constant 127 : i32
        %and3A_824 = vector.broadcast %and3A_823 : i32 to vector<16xi32>
        %and3A_825 = arith.andi %add3A_819, %and3A_824 : vector<16xi32>
        %gather3A_826 = arith.constant 1 : i32
        %gather3A_827 = arith.constant 0 : i32
        %gather3A_828 = arith.constant 0 : i32
        %gather3A_829 = tpu.memref_slice %arg4[%gather3A_826, %gather3A_827, %gather3A_828] : memref<2x32x128xf32, #tpu.memory_space<vmem>> -> memref<1x32x128xf32, #tpu.memory_space<vmem>>
        %gather3A_830 = tpu.memref_squeeze %gather3A_829 : memref<1x32x128xf32, #tpu.memory_space<vmem>> -> memref<32x128xf32, #tpu.memory_space<vmem>>
        %gather3A_831 = tpu.vector_load_idx %gather3A_830[%shift_right_logical3A_822, %and3A_825] : memref<32x128xf32, #tpu.memory_space<vmem>>[vector<16xi32>, vector<16xi32>], vector<16xf32>,
        %swap3A_832 = arith.constant 1 : i32
        %swap3A_833 = arith.index_cast %swap3A_832 : i32 to index
        %swap3A_834 = arith.index_cast %scan3A_741 : i32 to index
        %swap3A_835 = arith.constant 64 : index
        %swap3A_836 = tpu.vector_load %arg5[%swap3A_833, %swap3A_834, %swap3A_835] {strides = array<i32>} : memref<2x32x128xf32, #tpu.memory_space<vmem>>, vector<16xf32>,
        tpu.vector_store %arg5[%swap3A_833, %swap3A_834, %swap3A_835], %gather3A_831 {strides = array<i32>} : memref<2x32x128xf32, #tpu.memory_space<vmem>>, vector<16xf32>,
        %add3A_837 = vector.broadcast %scan3A_741 : i32 to vector<16xi32>
        %add3A_838 = arith.addi %mul3A_36, %add3A_837 : vector<16xi32>
        %shift_right_logical3A_839 = arith.constant 7 : i32
        %shift_right_logical3A_840 = vector.broadcast %shift_right_logical3A_839 : i32 to vector<16xi32>
        %shift_right_logical3A_841 = arith.shrui %add3A_838, %shift_right_logical3A_840 : vector<16xi32>
        %and3A_842 = arith.constant 127 : i32
        %and3A_843 = vector.broadcast %and3A_842 : i32 to vector<16xi32>
        %and3A_844 = arith.andi %add3A_838, %and3A_843 : vector<16xi32>
        %gather3A_845 = arith.constant 1 : i32
        %gather3A_846 = arith.constant 0 : i32
        %gather3A_847 = arith.constant 0 : i32
        %gather3A_848 = tpu.memref_slice %arg4[%gather3A_845, %gather3A_846, %gather3A_847] : memref<2x32x128xf32, #tpu.memory_space<vmem>> -> memref<1x32x128xf32, #tpu.memory_space<vmem>>
        %gather3A_849 = tpu.memref_squeeze %gather3A_848 : memref<1x32x128xf32, #tpu.memory_space<vmem>> -> memref<32x128xf32, #tpu.memory_space<vmem>>
        %gather3A_850 = tpu.vector_load_idx %gather3A_849[%shift_right_logical3A_841, %and3A_844] : memref<32x128xf32, #tpu.memory_space<vmem>>[vector<16xi32>, vector<16xi32>], vector<16xf32>,
        %swap3A_851 = arith.constant 1 : i32
        %swap3A_852 = arith.index_cast %swap3A_851 : i32 to index
        %swap3A_853 = arith.index_cast %scan3A_741 : i32 to index
        %swap3A_854 = arith.constant 80 : index
        %swap3A_855 = tpu.vector_load %arg5[%swap3A_852, %swap3A_853, %swap3A_854] {strides = array<i32>} : memref<2x32x128xf32, #tpu.memory_space<vmem>>, vector<16xf32>,
        tpu.vector_store %arg5[%swap3A_852, %swap3A_853, %swap3A_854], %gather3A_850 {strides = array<i32>} : memref<2x32x128xf32, #tpu.memory_space<vmem>>, vector<16xf32>,
        %add3A_856 = vector.broadcast %scan3A_741 : i32 to vector<16xi32>
        %add3A_857 = arith.addi %mul3A_42, %add3A_856 : vector<16xi32>
        %shift_right_logical3A_858 = arith.constant 7 : i32
        %shift_right_logical3A_859 = vector.broadcast %shift_right_logical3A_858 : i32 to vector<16xi32>
        %shift_right_logical3A_860 = arith.shrui %add3A_857, %shift_right_logical3A_859 : vector<16xi32>
        %and3A_861 = arith.constant 127 : i32
        %and3A_862 = vector.broadcast %and3A_861 : i32 to vector<16xi32>
        %and3A_863 = arith.andi %add3A_857, %and3A_862 : vector<16xi32>
        %gather3A_864 = arith.constant 1 : i32
        %gather3A_865 = arith.constant 0 : i32
        %gather3A_866 = arith.constant 0 : i32
        %gather3A_867 = tpu.memref_slice %arg4[%gather3A_864, %gather3A_865, %gather3A_866] : memref<2x32x128xf32, #tpu.memory_space<vmem>> -> memref<1x32x128xf32, #tpu.memory_space<vmem>>
        %gather3A_868 = tpu.memref_squeeze %gather3A_867 : memref<1x32x128xf32, #tpu.memory_space<vmem>> -> memref<32x128xf32, #tpu.memory_space<vmem>>
        %gather3A_869 = tpu.vector_load_idx %gather3A_868[%shift_right_logical3A_860, %and3A_863] : memref<32x128xf32, #tpu.memory_space<vmem>>[vector<16xi32>, vector<16xi32>], vector<16xf32>,
        %swap3A_870 = arith.constant 1 : i32
        %swap3A_871 = arith.index_cast %swap3A_870 : i32 to index
        %swap3A_872 = arith.index_cast %scan3A_741 : i32 to index
        %swap3A_873 = arith.constant 96 : index
        %swap3A_874 = tpu.vector_load %arg5[%swap3A_871, %swap3A_872, %swap3A_873] {strides = array<i32>} : memref<2x32x128xf32, #tpu.memory_space<vmem>>, vector<16xf32>,
        tpu.vector_store %arg5[%swap3A_871, %swap3A_872, %swap3A_873], %gather3A_869 {strides = array<i32>} : memref<2x32x128xf32, #tpu.memory_space<vmem>>, vector<16xf32>,
        %add3A_875 = vector.broadcast %scan3A_741 : i32 to vector<16xi32>
        %add3A_876 = arith.addi %mul3A_48, %add3A_875 : vector<16xi32>
        %shift_right_logical3A_877 = arith.constant 7 : i32
        %shift_right_logical3A_878 = vector.broadcast %shift_right_logical3A_877 : i32 to vector<16xi32>
        %shift_right_logical3A_879 = arith.shrui %add3A_876, %shift_right_logical3A_878 : vector<16xi32>
        %and3A_880 = arith.constant 127 : i32
        %and3A_881 = vector.broadcast %and3A_880 : i32 to vector<16xi32>
        %and3A_882 = arith.andi %add3A_876, %and3A_881 : vector<16xi32>
        %gather3A_883 = arith.constant 1 : i32
        %gather3A_884 = arith.constant 0 : i32
        %gather3A_885 = arith.constant 0 : i32
        %gather3A_886 = tpu.memref_slice %arg4[%gather3A_883, %gather3A_884, %gather3A_885] : memref<2x32x128xf32, #tpu.memory_space<vmem>> -> memref<1x32x128xf32, #tpu.memory_space<vmem>>
        %gather3A_887 = tpu.memref_squeeze %gather3A_886 : memref<1x32x128xf32, #tpu.memory_space<vmem>> -> memref<32x128xf32, #tpu.memory_space<vmem>>
        %gather3A_888 = tpu.vector_load_idx %gather3A_887[%shift_right_logical3A_879, %and3A_882] : memref<32x128xf32, #tpu.memory_space<vmem>>[vector<16xi32>, vector<16xi32>], vector<16xf32>,
        %swap3A_889 = arith.constant 1 : i32
        %swap3A_890 = arith.index_cast %swap3A_889 : i32 to index
        %swap3A_891 = arith.index_cast %scan3A_741 : i32 to index
        %swap3A_892 = arith.constant 112 : index
        %swap3A_893 = tpu.vector_load %arg5[%swap3A_890, %swap3A_891, %swap3A_892] {strides = array<i32>} : memref<2x32x128xf32, #tpu.memory_space<vmem>>, vector<16xf32>,
        tpu.vector_store %arg5[%swap3A_890, %swap3A_891, %swap3A_892], %gather3A_888 {strides = array<i32>} : memref<2x32x128xf32, #tpu.memory_space<vmem>>, vector<16xf32>,
      }
      %scan3A_539 = arith.constant 32 : i32
      %jit3A_540 = arith.constant 128 : i32
      %div3A_541 = arith.divsi %add3A_500, %jit3A_540 : i32
      %sign3A_542 = arith.constant 0 : i32
      %sign3A_543 = arith.cmpi sgt, %add3A_500, %sign3A_542 : i32
      %sign3A_544 = arith.extui %sign3A_543 : i1 to i32
      %sign3A_545 = arith.constant 0 : i32
      %sign3A_546 = arith.cmpi slt, %add3A_500, %sign3A_545 : i32
      %sign3A_547 = arith.extui %sign3A_546 : i1 to i32
      %sign3A_548 = arith.subi %sign3A_544, %sign3A_547 : i32
      %sign3A_549 = arith.constant 0 : i32
      %sign3A_550 = arith.cmpi sgt, %jit3A_540, %sign3A_549 : i32
      %sign3A_551 = arith.extui %sign3A_550 : i1 to i32
      %sign3A_552 = arith.constant 0 : i32
      %sign3A_553 = arith.cmpi slt, %jit3A_540, %sign3A_552 : i32
      %sign3A_554 = arith.extui %sign3A_553 : i1 to i32
      %sign3A_555 = arith.subi %sign3A_551, %sign3A_554 : i32
      %ne3A_556 = arith.cmpi ne, %sign3A_548, %sign3A_555 : i32
      %rem3A_557 = arith.remsi %add3A_500, %jit3A_540 : i32
      %ne3A_558 = arith.constant 0 : i32
      %ne3A_559 = arith.cmpi ne, %rem3A_557, %ne3A_558 : i32
      %and3A_560 = arith.andi %ne3A_556, %ne3A_559 : i1
      %sub3A_561 = arith.constant 1 : i32
      %sub3A_562 = arith.subi %div3A_541, %sub3A_561 : i32
      %select_n3A_563 = arith.select %and3A_560, %sub3A_562, %div3A_541 : i32
      %rem3A_564 = arith.constant 128 : i32
      %rem3A_565 = arith.remsi %add3A_500, %rem3A_564 : i32
      %mul3A_566 = arith.constant 128 : i32
      %mul3A_567 = arith.muli %rem3A_565, %mul3A_566 : i32
      %dma_start3A_568 = arith.constant 1 : i32
      %dma_start3A_569 = arith.constant 0 : i32
      %dma_start3A_570 = arith.constant 0 : i32
      %dma_start3A_571 = tpu.memref_slice %arg5[%dma_start3A_568, %dma_start3A_569, %dma_start3A_570] : memref<2x32x128xf32, #tpu.memory_space<vmem>> -> memref<1x32x128xf32, #tpu.memory_space<vmem>>
      %dma_start3A_572 = tpu.memref_squeeze %dma_start3A_571 : memref<1x32x128xf32, #tpu.memory_space<vmem>> -> memref<32x128xf32, #tpu.memory_space<vmem>>
      %dma_start3A_573 = arith.constant 0 : i32
      %dma_start3A_574 = tpu.memref_slice %arg3[%select_n3A_563, %dma_start3A_573, %mul3A_567] : memref<200x32x16384xf32, #tpu.memory_space<hbm>> -> memref<1x32x128xf32, #tpu.memory_space<hbm>>
      %dma_start3A_575 = tpu.memref_squeeze %dma_start3A_574 : memref<1x32x128xf32, #tpu.memory_space<hbm>> -> memref<32x128xf32, #tpu.memory_space<hbm>>
      %dma_start3A_576 = arith.constant 0 : i32
      %dma_start3A_577 = tpu.memref_slice %arg3[%select_n3A_563, %dma_start3A_576, %mul3A_567] : memref<200x32x16384xf32, #tpu.memory_space<hbm>> -> memref<1x32x128xf32, #tpu.memory_space<hbm>>
      %dma_start3A_578 = tpu.memref_squeeze %dma_start3A_577 : memref<1x32x128xf32, #tpu.memory_space<hbm>> -> memref<32x128xf32, #tpu.memory_space<hbm>>
      %dma_start3A_579 = arith.constant 0 : i32
      %dma_start3A_580 = arith.constant 0 : i32
      %dma_start3A_581 = tpu.memref_slice %arg5[%dma_start3A_568, %dma_start3A_579, %dma_start3A_580] : memref<2x32x128xf32, #tpu.memory_space<vmem>> -> memref<1x32x128xf32, #tpu.memory_space<vmem>>
      %dma_start3A_582 = tpu.memref_squeeze %dma_start3A_581 : memref<1x32x128xf32, #tpu.memory_space<vmem>> -> memref<32x128xf32, #tpu.memory_space<vmem>>
      tpu.enqueue_dma source(%dma_start3A_582 : memref<32x128xf32, #tpu.memory_space<vmem>>) target(%dma_start3A_578 : memref<32x128xf32, #tpu.memory_space<hbm>>) target_semaphore(%arg9 : memref<!tpu.dma_semaphore, #tpu.memory_space<semaphore_mem>>)
      %add3A_583 = arith.constant 2 : i32
      %add3A_584 = arith.addi %add3A_499, %add3A_583 : i32
      %lt3A_585 = arith.constant 800 : i32
      %lt3A_586 = arith.cmpi slt, %add3A_584, %lt3A_585 : i32
      %convert_element_type3A_587 = arith.extui %lt3A_586 : i1 to i32
      %cond3A_588 = arith.constant 0 : i32
      %cond3A_589 = arith.cmpi ne, %convert_element_type3A_587, %cond3A_588 : i32
      scf.if %cond3A_589 {
        %add3A_590 = arith.constant 2 : i32
        %add3A_591 = arith.addi %add3A_500, %add3A_590 : i32
        %jit3A_592 = arith.constant 128 : i32
        %div3A_593 = arith.divsi %add3A_591, %jit3A_592 : i32
        %sign3A_594 = arith.constant 0 : i32
        %sign3A_595 = arith.cmpi sgt, %add3A_591, %sign3A_594 : i32
        %sign3A_596 = arith.extui %sign3A_595 : i1 to i32
        %sign3A_597 = arith.constant 0 : i32
        %sign3A_598 = arith.cmpi slt, %add3A_591, %sign3A_597 : i32
        %sign3A_599 = arith.extui %sign3A_598 : i1 to i32
        %sign3A_600 = arith.subi %sign3A_596, %sign3A_599 : i32
        %sign3A_601 = arith.constant 0 : i32
        %sign3A_602 = arith.cmpi sgt, %jit3A_592, %sign3A_601 : i32
        %sign3A_603 = arith.extui %sign3A_602 : i1 to i32
        %sign3A_604 = arith.constant 0 : i32
        %sign3A_605 = arith.cmpi slt, %jit3A_592, %sign3A_604 : i32
        %sign3A_606 = arith.extui %sign3A_605 : i1 to i32
        %sign3A_607 = arith.subi %sign3A_603, %sign3A_606 : i32
        %ne3A_608 = arith.cmpi ne, %sign3A_600, %sign3A_607 : i32
        %rem3A_609 = arith.remsi %add3A_591, %jit3A_592 : i32
        %ne3A_610 = arith.constant 0 : i32
        %ne3A_611 = arith.cmpi ne, %rem3A_609, %ne3A_610 : i32
        %and3A_612 = arith.andi %ne3A_608, %ne3A_611 : i1
        %sub3A_613 = arith.constant 1 : i32
        %sub3A_614 = arith.subi %div3A_593, %sub3A_613 : i32
        %select_n3A_615 = arith.select %and3A_612, %sub3A_614, %div3A_593 : i32
        %mul3A_616 = arith.constant 4096 : i32
        %mul3A_617 = arith.muli %select_n3A_615, %mul3A_616 : i32
        %rem3A_618 = arith.constant 128 : i32
        %rem3A_619 = arith.remsi %add3A_591, %rem3A_618 : i32
        %mul3A_620 = arith.constant 32 : i32
        %mul3A_621 = arith.muli %rem3A_619, %mul3A_620 : i32
        %add3A_622 = arith.addi %mul3A_617, %mul3A_621 : i32
        %dma_start3A_623 = arith.constant 1 : i32
        %dma_start3A_624 = arith.constant 0 : i32
        %dma_start3A_625 = arith.constant 0 : i32
        %dma_start3A_626 = tpu.memref_slice %arg4[%dma_start3A_623, %dma_start3A_624, %dma_start3A_625] : memref<2x32x128xf32, #tpu.memory_space<vmem>> -> memref<1x32x128xf32, #tpu.memory_space<vmem>>
        %dma_start3A_627 = tpu.memref_squeeze %dma_start3A_626 : memref<1x32x128xf32, #tpu.memory_space<vmem>> -> memref<32x128xf32, #tpu.memory_space<vmem>>
        %dma_start3A_628 = arith.constant 0 : i32
        %dma_start3A_629 = tpu.memref_slice %arg2[%add3A_622, %dma_start3A_628] : memref<819200x128xf32, #tpu.memory_space<hbm>> -> memref<32x128xf32, #tpu.memory_space<hbm>>
        %dma_start3A_630 = arith.constant 0 : i32
        %dma_start3A_631 = arith.constant 0 : i32
        %dma_start3A_632 = tpu.memref_slice %arg4[%dma_start3A_623, %dma_start3A_630, %dma_start3A_631] : memref<2x32x128xf32, #tpu.memory_space<vmem>> -> memref<1x32x128xf32, #tpu.memory_space<vmem>>
        %dma_start3A_633 = tpu.memref_squeeze %dma_start3A_632 : memref<1x32x128xf32, #tpu.memory_space<vmem>> -> memref<32x128xf32, #tpu.memory_space<vmem>>
        %dma_start3A_634 = arith.constant 0 : i32
        %dma_start3A_635 = tpu.memref_slice %arg2[%add3A_622, %dma_start3A_634] : memref<819200x128xf32, #tpu.memory_space<hbm>> -> memref<32x128xf32, #tpu.memory_space<hbm>>
        tpu.enqueue_dma source(%dma_start3A_635 : memref<32x128xf32, #tpu.memory_space<hbm>>) target(%dma_start3A_633 : memref<32x128xf32, #tpu.memory_space<vmem>>) target_semaphore(%arg7 : memref<!tpu.dma_semaphore, #tpu.memory_space<semaphore_mem>>)
      } else {
      }
    }
    %scan3A_363 = arith.constant 399 : i32
    %dma_wait3A_364 = arith.constant 0 : i32
    %dma_wait3A_365 = arith.constant 0 : i32
    %dma_wait3A_366 = arith.constant 0 : i32
    %dma_wait3A_367 = arith.constant 0 : i32
    %dma_wait3A_368 = tpu.memref_slice %arg5[%dma_wait3A_364, %dma_wait3A_366, %dma_wait3A_367] : memref<2x32x128xf32, #tpu.memory_space<vmem>> -> memref<1x32x128xf32, #tpu.memory_space<vmem>>
    %dma_wait3A_369 = tpu.memref_squeeze %dma_wait3A_368 : memref<1x32x128xf32, #tpu.memory_space<vmem>> -> memref<32x128xf32, #tpu.memory_space<vmem>>
    %dma_wait3A_370 = arith.constant 0 : i32
    %dma_wait3A_371 = arith.constant 0 : i32
    %dma_wait3A_372 = tpu.memref_slice %arg3[%dma_wait3A_365, %dma_wait3A_370, %dma_wait3A_371] : memref<200x32x16384xf32, #tpu.memory_space<hbm>> -> memref<1x32x128xf32, #tpu.memory_space<hbm>>
    %dma_wait3A_373 = tpu.memref_squeeze %dma_wait3A_372 : memref<1x32x128xf32, #tpu.memory_space<hbm>> -> memref<32x128xf32, #tpu.memory_space<hbm>>
    %dma_wait3A_374 = arith.constant 0 : i32
    %dma_wait3A_375 = arith.constant 0 : i32
    %dma_wait3A_376 = tpu.memref_slice %arg3[%dma_wait3A_365, %dma_wait3A_374, %dma_wait3A_375] : memref<200x32x16384xf32, #tpu.memory_space<hbm>> -> memref<1x32x128xf32, #tpu.memory_space<hbm>>
    %dma_wait3A_377 = tpu.memref_squeeze %dma_wait3A_376 : memref<1x32x128xf32, #tpu.memory_space<hbm>> -> memref<32x128xf32, #tpu.memory_space<hbm>>
    %dma_wait3A_378 = arith.constant 0 : i32
    %dma_wait3A_379 = arith.constant 0 : i32
    %dma_wait3A_380 = tpu.memref_slice %arg5[%dma_wait3A_364, %dma_wait3A_378, %dma_wait3A_379] : memref<2x32x128xf32, #tpu.memory_space<vmem>> -> memref<1x32x128xf32, #tpu.memory_space<vmem>>
    %dma_wait3A_381 = tpu.memref_squeeze %dma_wait3A_380 : memref<1x32x128xf32, #tpu.memory_space<vmem>> -> memref<32x128xf32, #tpu.memory_space<vmem>>
    tpu.wait_dma2 semaphore(%arg8 : memref<!tpu.dma_semaphore, #tpu.memory_space<semaphore_mem>>) src(%dma_wait3A_381 : memref<32x128xf32, #tpu.memory_space<vmem>>) dst(%dma_wait3A_377 : memref<32x128xf32, #tpu.memory_space<hbm>>)
    %dma_wait3A_382 = arith.constant 1 : i32
    %dma_wait3A_383 = arith.constant 0 : i32
    %dma_wait3A_384 = arith.constant 0 : i32
    %dma_wait3A_385 = arith.constant 0 : i32
    %dma_wait3A_386 = tpu.memref_slice %arg5[%dma_wait3A_382, %dma_wait3A_384, %dma_wait3A_385] : memref<2x32x128xf32, #tpu.memory_space<vmem>> -> memref<1x32x128xf32, #tpu.memory_space<vmem>>
    %dma_wait3A_387 = tpu.memref_squeeze %dma_wait3A_386 : memref<1x32x128xf32, #tpu.memory_space<vmem>> -> memref<32x128xf32, #tpu.memory_space<vmem>>
    %dma_wait3A_388 = arith.constant 0 : i32
    %dma_wait3A_389 = arith.constant 0 : i32
    %dma_wait3A_390 = tpu.memref_slice %arg3[%dma_wait3A_383, %dma_wait3A_388, %dma_wait3A_389] : memref<200x32x16384xf32, #tpu.memory_space<hbm>> -> memref<1x32x128xf32, #tpu.memory_space<hbm>>
    %dma_wait3A_391 = tpu.memref_squeeze %dma_wait3A_390 : memref<1x32x128xf32, #tpu.memory_space<hbm>> -> memref<32x128xf32, #tpu.memory_space<hbm>>
    %dma_wait3A_392 = arith.constant 0 : i32
    %dma_wait3A_393 = arith.constant 0 : i32
    %dma_wait3A_394 = tpu.memref_slice %arg3[%dma_wait3A_383, %dma_wait3A_392, %dma_wait3A_393] : memref<200x32x16384xf32, #tpu.memory_space<hbm>> -> memref<1x32x128xf32, #tpu.memory_space<hbm>>
    %dma_wait3A_395 = tpu.memref_squeeze %dma_wait3A_394 : memref<1x32x128xf32, #tpu.memory_space<hbm>> -> memref<32x128xf32, #tpu.memory_space<hbm>>
    %dma_wait3A_396 = arith.constant 0 : i32
    %dma_wait3A_397 = arith.constant 0 : i32
    %dma_wait3A_398 = tpu.memref_slice %arg5[%dma_wait3A_382, %dma_wait3A_396, %dma_wait3A_397] : memref<2x32x128xf32, #tpu.memory_space<vmem>> -> memref<1x32x128xf32, #tpu.memory_space<vmem>>
    %dma_wait3A_399 = tpu.memref_squeeze %dma_wait3A_398 : memref<1x32x128xf32, #tpu.memory_space<vmem>> -> memref<32x128xf32, #tpu.memory_space<vmem>>
    tpu.wait_dma2 semaphore(%arg9 : memref<!tpu.dma_semaphore, #tpu.memory_space<semaphore_mem>>) src(%dma_wait3A_399 : memref<32x128xf32, #tpu.memory_space<vmem>>) dst(%dma_wait3A_395 : memref<32x128xf32, #tpu.memory_space<hbm>>)
    return
  }
}

</mosaic_0001>

<sc_bundles>
// kernel: kernel.4.cloned.1.call-start
scs
__scs_entry_jumppad:
0x0: {  	(pc) =	sbr.rel $0x88, $3  }
0x1: {  	(tag) =	ssettag $0x0;
	lr =	simm.s32 $0x1  }
0x2: {  	[smem:$0x3F9F] =	sst lr;
	_ =	strace $0xD0000000  }
0x3: {  	_ = 	snop  }
0x4: {  	_ = 	snop  }
0x5: {  	_ = 	snop  }
0x6: {  	_ = 	snop  }
0x7: {  	_ = 	snop  }
__scs_overlays_trampoline_lowered:
0x8: {  	[smem:$0x3FAE] =	sst s0  }
0x9: {  	[smem:$0x3FAF] =	sst s1  }
0xa: {  	[smem:$0x3FB0] =	sst s2  }
0xb: {  	[smem:$0x3FB1] =	sst s3  }
0xc: {  	[smem:$0x3FB2] =	sst s4  }
0xd: {  	[smem:$0x3FB3] =	sst s5  }
0xe: {  	[smem:$0x3FB4] =	sst s6  }
0xf: {  	[smem:$0x3FB5] =	sst s7  }
0x10: {  	[smem:$0x3FB6] =	sst s8  }
0x11: {  	[smem:$0x3FB7] =	sst s9;
	s0 =	simm.s32 @!p0 $0x0  }
0x12: {  	s1 =	sld [smem:$0x3F9D];
	s0 =	simm.s32 @p0 $0x1  }
0x13: {  	[smem:$0x3FB8] =	sst s0;
	s0 =	simm.s32 @!p1 $0x0  }
0x14: {  	s2 =	sld [smem:$0x3F9C];
	s0 =	simm.s32 @p1 $0x1  }
0x15: {  	[smem:$0x3FB9] =	sst s0;
	s0 =	simm.s32 @!p2 $0x0  }
0x16: {  	s3 =	sld [smem:$0x3FDB];
	s0 =	simm.s32 @p2 $0x1  }
0x17: {  	s4 =	simm.s32 $0x1BF5;
	[smem:$0x3FBB] =	sst s0  }
0x18: {  	s0 =	sld [smem:$0x3F9E];
	_ =	swait.ge [sflag:s4], $0x0  }
0x19: {  	s7 =	sld [smem:$0x3F9F]  }
0x1a: {  	s8 =	sadd.s32 $0xFFFFE003, lr  }
0x1b: {  	s9 =	sadd.s32 $0xFFFFFEF7, lr;
	s5 =	simm.s32 $0xFFFFFFFF;
	p2 =	slt.u32 s8, $0xFFFFF086  }
0x1c: {  	p1 =	slt.u32 s9, $0xF7A;
	s5 =	simm.s32 @!p2 $0x0  }
0x1d: {  	s5 =	simm.s32 @p1 $0x1;
	p0 =	seq.s32 s7, s2  }
0x1e: {  	s7 =	smul.u32 @!p0 $0xF7A, s2;
	p2 =	seq.s32 @!p0 s5, $0x0  }
0x1f: {  	s9 =	smul.u32 $0xF7A, s1;
	s8 =	simm.s32 @!p0 $0x1BF5;
	p2 =	por !p2, p0  }
0x20: {  	[sflag:s8] =	ssyncset.s32 @!p0 $0xFFFFF086;
	s6 =	sadd.s32 @!p0 s3, s7;
	s7 =	simm.s32 @!p0 $0x108  }
0x21: {  	s3 =	sadd.s32 s3, s9;
	s6 =	sadd.s32 @!p0 $0x88, s6;
	s7 =	simm.s32 @p2 $0x1082  }
0x22: {  	[simem:s7], [sflag:s8] =	dma.local @!p0 [hbm:s6], $0xF7A  }
0x23: {  	s9 =	sor.u32 $0xD0000000, s2;
	s6 =	simm.s32 $0x108;
	_ =	swait.ge @!p0 [sflag:s8], $0x0  }
0x24: {  	s3 =	sadd.s32 $0x88, s3;
	s6 =	simm.s32 @!p1 $0x1082;
	[sflag:s4] =	ssyncset.s32 $0xFFFFF086  }
0x25: {  	[simem:s6], [sflag:s4] =	dma.local [hbm:s3], $0xF7A  }
0x26: {  	[smem:$0x3F9F] =	sst s1;
	(tag) =	ssettag s2;
	_ =	strace s9  }
0x27: {  	s1 =	sld [smem:$0x3FAF]  }
0x28: {  	s2 =	sld [smem:$0x3FB0]  }
0x29: {  	s4 =	sld [smem:$0x3FB2]  }
0x2a: {  	p0 =	seq.s32 s5, $0x0;
	s5 =	sld [smem:$0x3FB3]  }
0x2b: {  	s6 =	sld [smem:$0x3FB4]  }
0x2c: {  	s7 =	sld [smem:$0x3FB5]  }
0x2d: {  	s3 =	simm.s32 $0x108;
	s8 =	sld [smem:$0x3FB6]  }
0x2e: {  	s3 =	simm.s32 @!p0 $0x1082;
	s9 =	sld [smem:$0x3FB7]  }
0x2f: {  	lr =	sadd.s32 s0, s3;
	s0 =	sld [smem:$0x3FAE]  }
0x30: {  	s3 =	sld [smem:$0x3FB1]  }
0x31: {  	[smem:$0x3FBA] =	sst s10  }
0x32: {  	s10 =	sld [smem:$0x3FB8];
	_ =	sdelay $0x3  }
0x33: {  	p0 =	seq.s32 s10, $0x1;
	s10 =	sld [smem:$0x3FBA];
	_ =	sdelay $0x3  }
0x34: {  	[smem:$0x3FBA] =	sst s10  }
0x35: {  	s10 =	sld [smem:$0x3FB9];
	_ =	sdelay $0x3  }
0x36: {  	p1 =	seq.s32 s10, $0x1;
	s10 =	sld [smem:$0x3FBA];
	_ =	sdelay $0x3  }
0x37: {  	[smem:$0x3FBA] =	sst s10  }
0x38: {  	s10 =	sld [smem:$0x3FBB]  }
0x39: {  	_ = 	snop;
	(pc) =	sbr.ind lr, $3  }
0x3a: {  	_ = 	snop  }
0x3b: {  	_ = 	snop  }
0x3c: {  	p2 =	seq.s32 s10, $0x1;
	s10 =	sld [smem:$0x3FBA]  }
0x3d: {  	_ =	shalt  }
0x3e: {  	_ =	shalt  }
0x3f: {  	_ =	shalt  }
0x40: {  	_ =	shalt  }
0x41: {  	_ =	shalt  }
0x42: {  	_ =	shalt  }
0x43: {  	_ =	shalt  }
0x44: {  	_ =	shalt  }
0x45: {  	_ =	shalt  }
0x46: {  	_ =	shalt  }
0x47: {  	_ =	shalt  }
0x48: {  	_ =	shalt  }
0x49: {  	_ =	shalt  }
0x4a: {  	_ =	shalt  }
0x4b: {  	_ =	shalt  }
0x4c: {  	_ =	shalt  }
0x4d: {  	_ =	shalt  }
0x4e: {  	_ =	shalt  }
0x4f: {  	_ =	shalt  }
0x50: {  	_ =	shalt  }
0x51: {  	_ =	shalt  }
0x52: {  	_ =	shalt  }
0x53: {  	_ =	shalt  }
0x54: {  	_ =	shalt  }
0x55: {  	_ =	shalt  }
0x56: {  	_ =	shalt  }
0x57: {  	_ =	shalt  }
0x58: {  	_ =	shalt  }
0x59: {  	_ =	shalt  }
0x5a: {  	_ =	shalt  }
0x5b: {  	_ =	shalt  }
0x5c: {  	_ =	shalt  }
0x5d: {  	_ =	shalt  }
0x5e: {  	_ =	shalt  }
0x5f: {  	_ =	shalt  }
0x60: {  	_ =	shalt  }
0x61: {  	_ =	shalt  }
0x62: {  	_ =	shalt  }
0x63: {  	_ =	shalt  }
0x64: {  	_ =	shalt  }
0x65: {  	_ =	shalt  }
0x66: {  	_ =	shalt  }
0x67: {  	_ =	shalt  }
0x68: {  	_ =	shalt  }
0x69: {  	_ =	shalt  }
0x6a: {  	_ =	shalt  }
0x6b: {  	_ =	shalt  }
0x6c: {  	_ =	shalt  }
0x6d: {  	_ =	shalt  }
0x6e: {  	_ =	shalt  }
0x6f: {  	_ =	shalt  }
0x70: {  	_ =	shalt  }
0x71: {  	_ =	shalt  }
0x72: {  	_ =	shalt  }
0x73: {  	_ =	shalt  }
0x74: {  	_ =	shalt  }
0x75: {  	_ =	shalt  }
0x76: {  	_ =	shalt  }
0x77: {  	_ =	shalt  }
0x78: {  	_ =	shalt  }
0x79: {  	_ =	shalt  }
0x7a: {  	_ =	shalt  }
0x7b: {  	_ =	shalt  }
0x7c: {  	_ =	shalt  }
0x7d: {  	_ =	shalt  }
0x7e: {  	_ =	shalt  }
0x7f: {  	_ =	shalt  }
0x80: {  	_ =	shalt  }
0x81: {  	_ =	shalt  }
0x82: {  	_ =	shalt  }
0x83: {  	_ =	shalt  }
0x84: {  	_ =	shalt  }
0x85: {  	_ =	shalt  }
0x86: {  	_ =	shalt  }
0x87: {  	_ =	shalt  }
.Lfunc_end0:
.L_simem_size_0:
called_computation_lowered:
.L_overlay_start_0:
0x88: {  	s2 =	sld [smem:$0x3FD9]  }
0x89: {  	s3 =	sld [smem:$0x3FFE];
	_ =	sdelay $0x1  }
0x8a: {  	s1 =	srdreg.scid  }
0x8b: {  	s0 =	sand.u32 $0x1, s1  }
0x8c: {  	s17 =	sshll.u32 s0, $0xA;
	s2 =	sadd.s32 s3, s2  }
0x8d: {  	s2 =	sadd.s32 s2, s17  }
0x8e: {  	[smem:$0x3FC6] =	sst s2  }
0x8f: {  	_ = 	snop  }
0x90: {  	s2 =	sld [smem:$0x3FD0];
	(tm) =	ssettm $0x1  }
0x91: {  	s18 =	sld [smem:$0x3FFB];
	_ =	sdelay $0x3  }
0x92: {  	_ =	strace s18  }
0x93: {  	s3 =	sld [smem:$0x3FFC];
	_ =	sdelay $0x3  }
0x94: {  	_ =	strace s3  }
0x95: {  	s3 =	sld [smem:$0x3FFD];
	_ =	sdelay $0x3  }
0x96: {  	_ =	strace s3  }
0x97: {  	_ =	strace $0x8FFFFFFF  }
0x98: {  	s19 =	sld [smem:$0x3FDB];
	_ =	sdelay $0x1  }
0x99: {  	s4 =	simm.s32 $_scs_section_size  }
0x9a: {  	s5 =	simm.s32 $_size__tile_overlayer_lowered;
	s6 =	simm.s32 $_tile_overlayer_lowered  }
0x9b: {  	s22 =	simm.s32 $0x1BFF;
	s21 =	sshll.u32 s6, $0x1;
	s3 =	sadd.s32 s4, s19  }
0x9c: {  	s7 =	simm.s32 $0x0;
	s20 =	sshll.u32 s5, $0x1;
	s5 =	sadd.s32 s21, s3  }
0x9d: {  	[timem:s7], [sflag:s22] =	dma.local [hbm:s5], s20  }
0x9e: {  	_ =	swait.ge [sflag:s22], s20  }
0x9f: {  	s4 =	ssub.s32 $0x0, s20;
	[sflag:s22] =	ssyncset.done $0x0  }
0xa0: {  	[sflag:s22] =	ssyncadd.s32 s4;
	_ =	sdelay $0x1  }
0xa1: {  	s23 =	simm.s32 $0x1B8B  }
0xa2: {  	_ =	swait.ge [sflag:s23], $0x1  }
0xa3: {  	[sflag:s23] =	ssyncset.done $0x0  }
0xa4: {  	s25 =	simm.s32 $0x1B8E;
	s24 =	sld [smem:$0x3FFE];
	[sflag:s23] =	ssyncadd.s32 $0xFFFFFFFF  }
0xa5: {  	s26 =	simm.s32 $execute0_lowered;
	[smem:$0x3FD2] =	sst s25  }
0xa6: {  	s5 =	sshll.u32 s26, $0x1;
	_ =	strace $0x80000046;
	[dreg:$0x1] =	wrdreg $0xFFFFFFFF  }
0xa7: {  	s28 =	simm.s32 $_size_execute0_lowered;
	s3 =	sadd.s32 s3, s5;
	[dreg:$0x0] =	wrdreg $0x0  }
0xa8: {  	s5 =	sshll.u32 s28, $0x1;
	[dreg:$0x2] =	wrdreg s3  }
0xa9: {  	[dreg:$0x3] =	wrdreg s5  }
0xaa: {  	[dreg:$0x4] =	wrdreg $0xC0  }
0xab: {  	_ =	task [dreg:s7], $0x5FFFF  }
0xac: {  	[dreg:$0x1] =	wrdreg $0xFFFFFFFF  }
0xad: {  	[dreg:$0x0] =	wrdreg $0x60  }
0xae: {  	[dreg:$0x2] =	wrdreg s24  }
0xaf: {  	[dreg:$0x3] =	wrdreg s2  }
0xb0: {  	[dreg:$0x4] =	wrdreg $0x9  }
0xb1: {  	_ =	task.clear_ibuf [dreg:s7], $0x5FFFF;
	_ =	strace $0x90000046  }
0xb2: {  	s29 =	simm.s32 $0x9;
	_ =	strace $0x80000048  }
0xb3: {  	_ =	swait.ge [sflag:s29], $0x1  }
0xb4: {  	[sflag:s29] =	ssyncadd.s32 $0xFFFFFFFF  }
0xb5: {  	_ =	strace $0x90000048  }
0xb6: {  	_ =	sfence  }
0xb7: {  	s30 =	sld [smem:$0x0];
	_ =	sdelay $0x2  }
0xb8: {  	s31 =	sshll.u32 s1, $0xD;
	s1 =	sshrl.u32 s1, $0x2  }
0xb9: {  	s3 =	sand.u32 $0x4000, s31;
	s1 =	sadd.s32 s1, s30  }
0xba: {  	s0 =	sor.u32 s3, s0;
	s1 =	sshll.u32 s1, $0x11  }
0xbb: {  	s0 =	sor.u32 s1, s0  }
0xbc: {  	s0 =	sadd.s32 $0x8F2B, s0  }
0xbd: {  	[sflag:s0] =	ssyncadd.remote.s32 $0x1  }
0xbe: {  	_ =	sfence.sel $0xFFFF  }
0xbf: {  	[dreg:$0x0] =	wrdreg $0xFFFFFFFF;
	(pc) =	sbr.abs _section_cstart, $3  }
0xc0: {  	[dreg:$0x1] =	wrdreg $0xFFFFFFFF  }
0xc1: {  	_ =	task.clear_ibuf [dreg:s7], $0x2FFFF;
	_ =	strace $0x9FFFFFFF  }
0xc2: {  	(tm) =	ssettm $0x7FFFFFFF  }
0xc3: {  	_ =	shalt  }
tec
execute0_lowered:
.L_overlay_start_1:
0x0: {  	(tag) =	ssettag $0x1  }
0x1: {  	s4 =	rddreg [dreg:$0x0];
	s1 =	srdreg.scid  }
0x2: {  	s0 =	stileid.u32;
	s2 =	rddreg [dreg:$0x1];
	s3 =	simm.s32 $0x0  }
0x3: {  	s19 =	simm.s32 $0xC80;
	s20 =	simm.s32 $0x3;
	s21 =	simm.s32 $0x2  }
0x4: {  	s22 =	simm.s32 $0xD480;
	s23 =	simm.s32 $0x4;
	s24 =	simm.s32 $0x5  }
0x5: {  	s8 =	sand.u32 $0x1, s1;
	s5 =	sshll.u32 s0, $0x1;
	s14 =	smul.u32 $0x32000, s0  }
0x6: {  	[smem:$0x7FF] =	sst s3;
	s6 =	sor.u32 s8, s5;
	s16 =	smul.u32 $0x19000, s8  }
0x7: {  	s15 =	sadd.s32 $0x800, s4;
	s25 =	ssub.s32 $0x2, s8;
	s7 =	smul.u32 $0x19000, s6  }
0x8: {  	s13 =	sadd.s32 $0x64800, s4;
	s9 =	sshrl.u32 s25, $0x1;
	s30 =	smul.u32 $0x64000, s6  }
0x9: {  	_ =	strace $0x80000047;
	s10 =	smul.u32 $0x320000, s6;
	s12 =	ssub.s32 s25, s9  }
0xa: {  	s14 =	sadd.s32 s16, s14;
	s25 =	simm.s32 $0x6;
	s26 =	sor.u32 $0x640, s7  }
0xb: {  	s28 =	sshrl.u32 s7, $0x3;
	s6 =	sadd.s32 s13, s30;
	s10 =	sshrl.u32 s10, $0x3  }
0xc: {  	s12 =	smax.u32 s12, $0x1;
	s16 =	sadd.s32 $0x1F40, s14;
	s17 =	sshll.u32 s14, $0x2  }
0xd: {  	s18 =	sadd.s32 $0x1900, s14;
	s29 =	sshrl.u32 s26, $0x3;
	s4 =	sadd.s32 s15, s28  }
0xe: {  	s9 =	sshll.u32 s26, $0x2;
	s11 =	sadd.s32 s13, s10;
	s16 =	sshrl.u32 s16, $0x3  }
0xf: {  	s17 =	sadd.s32 s17, s13;
	s31 =	sshrl.u32 s18, $0x3;
	s18 =	simm.s32 $0x1  }
0x10: {  	s26 =	simm.s32 $0x0;
	s5 =	sadd.s32 s15, s29;
	s7 =	sadd.s32 $0x190, s4  }
0x11: {  	s8 =	sadd.s32 s13, s9;
	s9 =	sadd.s32 $0x258, s4;
	s10 =	sadd.s32 $0x60E00, s11  }
0x12: {  	s11 =	sadd.s32 $0x62700, s11;
	s13 =	sadd.s32 s16, s15;
	s14 =	sadd.s32 $0x4B00, s17  }
0x13: {  	s15 =	sadd.s32 s31, s15;
	s16 =	sadd.s32 $0x3200, s17;
	s17 =	simm.s32 $0x640  }
.LBB2_1:
0x14: {  	[tilespmem:s3], [sflag:$0x1] =	stream.linear.gather [hbm4b:s4+s3], $0x640, $0x38;
	[tilespmem:$0x19C80] =	vst v63  }
0x15: {  	_ = 	snop  }
0x16: {  	[tilespmem:s17], [sflag:$0x2] =	stream.linear.gather [hbm4b:s5+s3], $0x640, $0x38;
	[tilespmem:$0x19C80] =	vst v63  }
0x17: {  	_ =	swait.ge [sflag:s18], $0x640  }
0x18: {  	[sflag:s18] =	ssyncset.done $0x0  }
0x19: {  	[sflag:s18] =	ssyncadd.s32 $0xFFFFF9C0  }
0x1a: {  	[tilespmem:s19], [sflag:$0x3] =	stream.indirect.gather [hbm4b:s2+s17], $0x20, s3, s17, $0xb8;
	[tilespmem:$0x19C80] =	vst v63  }
0x1b: {  	_ =	swait.ge [sflag:s20], $0xC800  }
0x1c: {  	[sflag:s20] =	ssyncset.done $0x0  }
0x1d: {  	[sflag:s20] =	ssyncadd.s32 $0xFFFF3800  }
0x1e: {  	[hbm4b:s6+s3] =	stream.linear.scatter [tilespmem:s19], [sflag:$0x5], $0xC800, $0x38;
	[tilespmem:$0x19C80] =	vst v63  }
0x1f: {  	_ = 	snop  }
0x20: {  	[tilespmem:s3], [sflag:$0x1] =	stream.linear.gather [hbm4b:s7+s3], $0x640, $0x38;
	[tilespmem:$0x19C80] =	vst v63  }
0x21: {  	_ =	swait.ge [sflag:s21], $0x640  }
0x22: {  	[sflag:s21] =	ssyncset.done $0x0  }
0x23: {  	[sflag:s21] =	ssyncadd.s32 $0xFFFFF9C0  }
0x24: {  	[tilespmem:s22], [sflag:$0x4] =	stream.indirect.gather [hbm4b:s2+s17], $0x20, s17, s17, $0xb8;
	[tilespmem:$0x19C80] =	vst v63  }
0x25: {  	_ =	swait.ge [sflag:s23], $0xC800  }
0x26: {  	[sflag:s23] =	ssyncset.done $0x0  }
0x27: {  	[sflag:s23] =	ssyncadd.s32 $0xFFFF3800  }
0x28: {  	[hbm4b:s8+s3] =	stream.linear.scatter [tilespmem:s22], [sflag:$0x6], $0xC800, $0x38;
	[tilespmem:$0x19C80] =	vst v63  }
0x29: {  	_ = 	snop  }
0x2a: {  	[tilespmem:s17], [sflag:$0x2] =	stream.linear.gather [hbm4b:s9+s3], $0x640, $0x38;
	[tilespmem:$0x19C80] =	vst v63  }
0x2b: {  	_ =	swait.ge [sflag:s18], $0x640  }
0x2c: {  	[sflag:s18] =	ssyncset.done $0x0  }
0x2d: {  	[sflag:s18] =	ssyncadd.s32 $0xFFFFF9C0  }
0x2e: {  	_ =	swait.ge [sflag:s24], $0xC800  }
0x2f: {  	[sflag:s24] =	ssyncset.done $0x0  }
0x30: {  	[sflag:s24] =	ssyncadd.s32 $0xFFFF3800  }
0x31: {  	[tilespmem:s19], [sflag:$0x3] =	stream.indirect.gather [hbm4b:s2+s17], $0x20, s3, s17, $0xb8;
	[tilespmem:$0x19C80] =	vst v63  }
0x32: {  	_ =	swait.ge [sflag:s20], $0xC800  }
0x33: {  	[sflag:s20] =	ssyncset.done $0x0  }
0x34: {  	[sflag:s20] =	ssyncadd.s32 $0xFFFF3800  }
0x35: {  	[hbm4b:s16+s3] =	stream.linear.scatter [tilespmem:s19], [sflag:$0x5], $0xC800, $0x38;
	[tilespmem:$0x19C80] =	vst v63  }
0x36: {  	s28 =	sadd.s32 $0x0, s15  }
0x37: {  	[tilespmem:s3], [sflag:$0x1] =	stream.linear.gather [hbm4b:s28+s3], $0x640, $0x38;
	[tilespmem:$0x19C80] =	vst v63  }
0x38: {  	_ =	swait.ge [sflag:s21], $0x640  }
0x39: {  	[sflag:s21] =	ssyncset.done $0x0  }
0x3a: {  	[sflag:s21] =	ssyncadd.s32 $0xFFFFF9C0  }
0x3b: {  	_ =	swait.ge [sflag:s25], $0xC800  }
0x3c: {  	[sflag:s25] =	ssyncset.done $0x0  }
0x3d: {  	[sflag:s25] =	ssyncadd.s32 $0xFFFF3800  }
0x3e: {  	[tilespmem:s22], [sflag:$0x4] =	stream.indirect.gather [hbm4b:s2+s17], $0x20, s17, s17, $0xb8;
	[tilespmem:$0x19C80] =	vst v63  }
0x3f: {  	_ =	swait.ge [sflag:s23], $0xC800  }
0x40: {  	s31 =	sadd.s32 $0x0, s13;
	s29 =	sadd.s32 $0x3200, s14;
	[sflag:s23] =	ssyncset.done $0x0  }
0x41: {  	s30 =	sadd.s32 $0x3200, s16;
	s28 =	simm.s32 $0x190;
	[sflag:s23] =	ssyncadd.s32 $0xFFFF3800  }
0x42: {  	[hbm4b:s14+s3] =	stream.linear.scatter [tilespmem:s22], [sflag:$0x6], $0xC800, $0x38;
	[tilespmem:$0x19C80] =	vst v63  }
.LBB2_2:
0x43: {  	[tilespmem:s17], [sflag:$0x2] =	stream.linear.gather [hbm4b:s31+s3], $0x640, $0x38;
	[tilespmem:$0x19C80] =	vst v63  }
0x44: {  	s31 =	smov.u32 s28  }
0x45: {  	p0 =	sne.s32 s28, $0x2D50;
	s28 =	sadd.s32 $0x190, s28;
	_ =	swait.ge [sflag:s18], $0x640  }
0x46: {  	[sflag:s18] =	ssyncset.done $0x0  }
0x47: {  	[sflag:s18] =	ssyncadd.s32 $0xFFFFF9C0  }
0x48: {  	_ =	swait.ge [sflag:s24], $0xC800  }
0x49: {  	[sflag:s24] =	ssyncset.done $0x0  }
0x4a: {  	[sflag:s24] =	ssyncadd.s32 $0xFFFF3800  }
0x4b: {  	[tilespmem:s19], [sflag:$0x3] =	stream.indirect.gather [hbm4b:s2+s17], $0x20, s3, s17, $0xb8;
	[tilespmem:$0x19C80] =	vst v63  }
0x4c: {  	_ =	swait.ge [sflag:s20], $0xC800  }
0x4d: {  	[sflag:s20] =	ssyncset.done $0x0  }
0x4e: {  	[sflag:s20] =	ssyncadd.s32 $0xFFFF3800  }
0x4f: {  	[hbm4b:s30+s3] =	stream.linear.scatter [tilespmem:s19], [sflag:$0x5], $0xC800, $0x38;
	[tilespmem:$0x19C80] =	vst v63  }
0x50: {  	s1 =	sadd.s32 s31, s15  }
0x51: {  	[tilespmem:s3], [sflag:$0x1] =	stream.linear.gather [hbm4b:s1+s3], $0x640, $0x38;
	[tilespmem:$0x19C80] =	vst v63  }
0x52: {  	_ =	swait.ge [sflag:s21], $0x640  }
0x53: {  	[sflag:s21] =	ssyncset.done $0x0  }
0x54: {  	[sflag:s21] =	ssyncadd.s32 $0xFFFFF9C0  }
0x55: {  	_ =	swait.ge [sflag:s25], $0xC800  }
0x56: {  	[sflag:s25] =	ssyncset.done $0x0  }
0x57: {  	[sflag:s25] =	ssyncadd.s32 $0xFFFF3800  }
0x58: {  	[tilespmem:s22], [sflag:$0x4] =	stream.indirect.gather [hbm4b:s2+s17], $0x20, s17, s17, $0xb8;
	[tilespmem:$0x19C80] =	vst v63  }
.Ltmp0:
0x59: {  	_ =	swait.ge [sflag:s23], $0xC800;
	(pc) =	sbr.rel @p0 .LBB2_2-.Ltmp0, $4  }
0x5a: {  	[sflag:s23] =	ssyncset.done $0x0  }
0x5b: {  	[sflag:s23] =	ssyncadd.s32 $0xFFFF3800  }
0x5c: {  	[hbm4b:s29+s3] =	stream.linear.scatter [tilespmem:s22], [sflag:$0x6], $0xC800, $0x38;
	[tilespmem:$0x19C80] =	vst v63  }
0x5d: {  	s31 =	sadd.s32 s31, s13;
	s30 =	sadd.s32 $0x3200, s30;
	s29 =	sadd.s32 $0x3200, s29  }
0x5e: {  	[tilespmem:s17], [sflag:$0x2] =	stream.linear.gather [hbm4b:s31+s3], $0x640, $0x38;
	[tilespmem:$0x19C80] =	vst v63  }
0x5f: {  	_ =	swait.ge [sflag:s18], $0x640  }
0x60: {  	[sflag:s18] =	ssyncset.done $0x0  }
0x61: {  	[sflag:s18] =	ssyncadd.s32 $0xFFFFF9C0  }
0x62: {  	_ =	swait.ge [sflag:s24], $0xC800  }
0x63: {  	[sflag:s24] =	ssyncset.done $0x0  }
0x64: {  	[sflag:s24] =	ssyncadd.s32 $0xFFFF3800  }
0x65: {  	[tilespmem:s19], [sflag:$0x3] =	stream.indirect.gather [hbm4b:s2+s17], $0x20, s3, s17, $0xb8;
	[tilespmem:$0x19C80] =	vst v63  }
0x66: {  	_ =	swait.ge [sflag:s20], $0xC800  }
0x67: {  	[sflag:s20] =	ssyncset.done $0x0  }
0x68: {  	[sflag:s20] =	ssyncadd.s32 $0xFFFF3800  }
0x69: {  	[hbm4b:s10+s3] =	stream.linear.scatter [tilespmem:s19], [sflag:$0x5], $0xC800, $0x38;
	[tilespmem:$0x19C80] =	vst v63  }
0x6a: {  	_ =	swait.ge [sflag:s21], $0x640  }
0x6b: {  	[sflag:s21] =	ssyncset.done $0x0  }
0x6c: {  	[sflag:s21] =	ssyncadd.s32 $0xFFFFF9C0  }
0x6d: {  	_ =	swait.ge [sflag:s25], $0xC800  }
0x6e: {  	[sflag:s25] =	ssyncset.done $0x0  }
0x6f: {  	[sflag:s25] =	ssyncadd.s32 $0xFFFF3800  }
0x70: {  	[tilespmem:s22], [sflag:$0x4] =	stream.indirect.gather [hbm4b:s2+s17], $0x20, s17, s17, $0xb8;
	[tilespmem:$0x19C80] =	vst v63  }
0x71: {  	_ =	swait.ge [sflag:s23], $0xC800  }
0x72: {  	[sflag:s23] =	ssyncset.done $0x0  }
0x73: {  	s26 =	sadd.s32 $0x1, s26;
	[sflag:s23] =	ssyncadd.s32 $0xFFFF3800  }
0x74: {  	[hbm4b:s11+s3] =	stream.linear.scatter [tilespmem:s22], [sflag:$0x6], $0xC800, $0x38;
	[tilespmem:$0x19C80] =	vst v63  }
0x75: {  	p0 =	sne.s32 s26, s12;
	_ =	swait.ge [sflag:s24], $0xC800  }
.Ltmp1:
0x76: {  	[sflag:s24] =	ssyncset.done $0x0;
	(pc) =	sbr.rel @p0 .LBB2_1-.Ltmp1, $4  }
0x77: {  	[sflag:s24] =	ssyncadd.s32 $0xFFFF3800  }
0x78: {  	_ =	swait.ge [sflag:s25], $0xC800  }
0x79: {  	[sflag:s25] =	ssyncset.done $0x0  }
0x7a: {  	[sflag:s25] =	ssyncadd.s32 $0xFFFF3800  }
0x7b: {  	_ =	sfence.sel $0x180000  }
0x7c: {  	[bflag:$0x0] =	sbarrier.arrive $0xFFFF  }
0x7d: {  	_ =	strace $0x90000047  }
0x7e: {  	[bflag:$0x2] =	sbarrier.arrive $0xFFFF  }
0x7f: {  	p0 =	sne.s32 s0, $0x0;
	s0 =	rddreg [dreg:$0x2]  }
0x80: {  	s0 =	sadd.s32 @!p0 $0x100000, s0  }
0x81: {  	[sflag:s0] =	ssyncadd.tile.s32 @!p0 $0x1;
	_ =	shalt  }
.Lfunc_end2:
_tile_overlayer_lowered:
.L_overlay_start_2:
0x82: {  	(tag) =	ssettag $0x2  }
0x83: {  	s0 =	rddreg [dreg:$0x0];
	s2 =	stileid.u32  }
0x84: {  	s1 =	rddreg [dreg:$0x1];
	p0 =	sne.s32 s2, $0x0  }
0x85: {  	s3 =	rddreg [dreg:$0x2];
	[bflag:$0x3] =	sbarrier.arrive $0xFFFF;
	s2 =	simm.s32 @!p0 $0x1C07  }
0x86: {  	[timem:s3], [sflag:s2] =	dma.local @!p0 [hbm:s0], s1  }
0x87: {  	s0 =	simm.s32 @!p0 $0x7  }
0x88: {  	_ =	swait.ge @!p0 [sflag:s0], s1  }
0x89: {  	s1 =	ssub.s32 @!p0 $0x0, s1;
	[sflag:s0] =	ssyncset.done @!p0 $0x0  }
0x8a: {  	[sflag:s0] =	ssyncadd.s32 @!p0 s1  }
0x8b: {  	[bflag:$0x3] =	sbarrier.arrive $0xFFFF  }
0x8c: {  	_ =	shalt  }

// kernel: kernel.7.cloned.1.call-start
scs
__scs_entry_jumppad:
0x0: {  	(pc) =	sbr.rel $0x88, $3  }
0x1: {  	(tag) =	ssettag $0x0;
	lr =	simm.s32 $0x1  }
0x2: {  	[smem:$0x3F9F] =	sst lr;
	_ =	strace $0xD0000000  }
0x3: {  	_ = 	snop  }
0x4: {  	_ = 	snop  }
0x5: {  	_ = 	snop  }
0x6: {  	_ = 	snop  }
0x7: {  	_ = 	snop  }
__scs_overlays_trampoline_lowered:
0x8: {  	[smem:$0x3FAE] =	sst s0  }
0x9: {  	[smem:$0x3FAF] =	sst s1  }
0xa: {  	[smem:$0x3FB0] =	sst s2  }
0xb: {  	[smem:$0x3FB1] =	sst s3  }
0xc: {  	[smem:$0x3FB2] =	sst s4  }
0xd: {  	[smem:$0x3FB3] =	sst s5  }
0xe: {  	[smem:$0x3FB4] =	sst s6  }
0xf: {  	[smem:$0x3FB5] =	sst s7  }
0x10: {  	[smem:$0x3FB6] =	sst s8  }
0x11: {  	[smem:$0x3FB7] =	sst s9;
	s0 =	simm.s32 @!p0 $0x0  }
0x12: {  	s1 =	sld [smem:$0x3F9D];
	s0 =	simm.s32 @p0 $0x1  }
0x13: {  	[smem:$0x3FB8] =	sst s0;
	s0 =	simm.s32 @!p1 $0x0  }
0x14: {  	s2 =	sld [smem:$0x3F9C];
	s0 =	simm.s32 @p1 $0x1  }
0x15: {  	[smem:$0x3FB9] =	sst s0;
	s0 =	simm.s32 @!p2 $0x0  }
0x16: {  	s3 =	sld [smem:$0x3FDB];
	s0 =	simm.s32 @p2 $0x1  }
0x17: {  	s4 =	simm.s32 $0x1BF5;
	[smem:$0x3FBB] =	sst s0  }
0x18: {  	s0 =	sld [smem:$0x3F9E];
	_ =	swait.ge [sflag:s4], $0x0  }
0x19: {  	s7 =	sld [smem:$0x3F9F]  }
0x1a: {  	s8 =	sadd.s32 $0xFFFFE003, lr  }
0x1b: {  	s9 =	sadd.s32 $0xFFFFFEF7, lr;
	s5 =	simm.s32 $0xFFFFFFFF;
	p2 =	slt.u32 s8, $0xFFFFF086  }
0x1c: {  	p1 =	slt.u32 s9, $0xF7A;
	s5 =	simm.s32 @!p2 $0x0  }
0x1d: {  	s5 =	simm.s32 @p1 $0x1;
	p0 =	seq.s32 s7, s2  }
0x1e: {  	s7 =	smul.u32 @!p0 $0xF7A, s2;
	p2 =	seq.s32 @!p0 s5, $0x0  }
0x1f: {  	s9 =	smul.u32 $0xF7A, s1;
	s8 =	simm.s32 @!p0 $0x1BF5;
	p2 =	por !p2, p0  }
0x20: {  	[sflag:s8] =	ssyncset.s32 @!p0 $0xFFFFF086;
	s6 =	sadd.s32 @!p0 s3, s7;
	s7 =	simm.s32 @!p0 $0x108  }
0x21: {  	s3 =	sadd.s32 s3, s9;
	s6 =	sadd.s32 @!p0 $0x88, s6;
	s7 =	simm.s32 @p2 $0x1082  }
0x22: {  	[simem:s7], [sflag:s8] =	dma.local @!p0 [hbm:s6], $0xF7A  }
0x23: {  	s9 =	sor.u32 $0xD0000000, s2;
	s6 =	simm.s32 $0x108;
	_ =	swait.ge @!p0 [sflag:s8], $0x0  }
0x24: {  	s3 =	sadd.s32 $0x88, s3;
	s6 =	simm.s32 @!p1 $0x1082;
	[sflag:s4] =	ssyncset.s32 $0xFFFFF086  }
0x25: {  	[simem:s6], [sflag:s4] =	dma.local [hbm:s3], $0xF7A  }
0x26: {  	[smem:$0x3F9F] =	sst s1;
	(tag) =	ssettag s2;
	_ =	strace s9  }
0x27: {  	s1 =	sld [smem:$0x3FAF]  }
0x28: {  	s2 =	sld [smem:$0x3FB0]  }
0x29: {  	s4 =	sld [smem:$0x3FB2]  }
0x2a: {  	p0 =	seq.s32 s5, $0x0;
	s5 =	sld [smem:$0x3FB3]  }
0x2b: {  	s6 =	sld [smem:$0x3FB4]  }
0x2c: {  	s7 =	sld [smem:$0x3FB5]  }
0x2d: {  	s3 =	simm.s32 $0x108;
	s8 =	sld [smem:$0x3FB6]  }
0x2e: {  	s3 =	simm.s32 @!p0 $0x1082;
	s9 =	sld [smem:$0x3FB7]  }
0x2f: {  	lr =	sadd.s32 s0, s3;
	s0 =	sld [smem:$0x3FAE]  }
0x30: {  	s3 =	sld [smem:$0x3FB1]  }
0x31: {  	[smem:$0x3FBA] =	sst s10  }
0x32: {  	s10 =	sld [smem:$0x3FB8];
	_ =	sdelay $0x3  }
0x33: {  	p0 =	seq.s32 s10, $0x1;
	s10 =	sld [smem:$0x3FBA];
	_ =	sdelay $0x3  }
0x34: {  	[smem:$0x3FBA] =	sst s10  }
0x35: {  	s10 =	sld [smem:$0x3FB9];
	_ =	sdelay $0x3  }
0x36: {  	p1 =	seq.s32 s10, $0x1;
	s10 =	sld [smem:$0x3FBA];
	_ =	sdelay $0x3  }
0x37: {  	[smem:$0x3FBA] =	sst s10  }
0x38: {  	s10 =	sld [smem:$0x3FBB]  }
0x39: {  	_ = 	snop;
	(pc) =	sbr.ind lr, $3  }
0x3a: {  	_ = 	snop  }
0x3b: {  	_ = 	snop  }
0x3c: {  	p2 =	seq.s32 s10, $0x1;
	s10 =	sld [smem:$0x3FBA]  }
0x3d: {  	_ =	shalt  }
0x3e: {  	_ =	shalt  }
0x3f: {  	_ =	shalt  }
0x40: {  	_ =	shalt  }
0x41: {  	_ =	shalt  }
0x42: {  	_ =	shalt  }
0x43: {  	_ =	shalt  }
0x44: {  	_ =	shalt  }
0x45: {  	_ =	shalt  }
0x46: {  	_ =	shalt  }
0x47: {  	_ =	shalt  }
0x48: {  	_ =	shalt  }
0x49: {  	_ =	shalt  }
0x4a: {  	_ =	shalt  }
0x4b: {  	_ =	shalt  }
0x4c: {  	_ =	shalt  }
0x4d: {  	_ =	shalt  }
0x4e: {  	_ =	shalt  }
0x4f: {  	_ =	shalt  }
0x50: {  	_ =	shalt  }
0x51: {  	_ =	shalt  }
0x52: {  	_ =	shalt  }
0x53: {  	_ =	shalt  }
0x54: {  	_ =	shalt  }
0x55: {  	_ =	shalt  }
0x56: {  	_ =	shalt  }
0x57: {  	_ =	shalt  }
0x58: {  	_ =	shalt  }
0x59: {  	_ =	shalt  }
0x5a: {  	_ =	shalt  }
0x5b: {  	_ =	shalt  }
0x5c: {  	_ =	shalt  }
0x5d: {  	_ =	shalt  }
0x5e: {  	_ =	shalt  }
0x5f: {  	_ =	shalt  }
0x60: {  	_ =	shalt  }
0x61: {  	_ =	shalt  }
0x62: {  	_ =	shalt  }
0x63: {  	_ =	shalt  }
0x64: {  	_ =	shalt  }
0x65: {  	_ =	shalt  }
0x66: {  	_ =	shalt  }
0x67: {  	_ =	shalt  }
0x68: {  	_ =	shalt  }
0x69: {  	_ =	shalt  }
0x6a: {  	_ =	shalt  }
0x6b: {  	_ =	shalt  }
0x6c: {  	_ =	shalt  }
0x6d: {  	_ =	shalt  }
0x6e: {  	_ =	shalt  }
0x6f: {  	_ =	shalt  }
0x70: {  	_ =	shalt  }
0x71: {  	_ =	shalt  }
0x72: {  	_ =	shalt  }
0x73: {  	_ =	shalt  }
0x74: {  	_ =	shalt  }
0x75: {  	_ =	shalt  }
0x76: {  	_ =	shalt  }
0x77: {  	_ =	shalt  }
0x78: {  	_ =	shalt  }
0x79: {  	_ =	shalt  }
0x7a: {  	_ =	shalt  }
0x7b: {  	_ =	shalt  }
0x7c: {  	_ =	shalt  }
0x7d: {  	_ =	shalt  }
0x7e: {  	_ =	shalt  }
0x7f: {  	_ =	shalt  }
0x80: {  	_ =	shalt  }
0x81: {  	_ =	shalt  }
0x82: {  	_ =	shalt  }
0x83: {  	_ =	shalt  }
0x84: {  	_ =	shalt  }
0x85: {  	_ =	shalt  }
0x86: {  	_ =	shalt  }
0x87: {  	_ =	shalt  }
.Lfunc_end0:
.L_simem_size_0:
called_computation.1_lowered:
.L_overlay_start_0:
0x88: {  	s2 =	sld [smem:$0x3FD9]  }
0x89: {  	s3 =	sld [smem:$0x3FFE];
	_ =	sdelay $0x1  }
0x8a: {  	s1 =	srdreg.scid  }
0x8b: {  	s0 =	sand.u32 $0x1, s1  }
0x8c: {  	s17 =	sshll.u32 s0, $0xA;
	s2 =	sadd.s32 s3, s2  }
0x8d: {  	s2 =	sadd.s32 s2, s17  }
0x8e: {  	[smem:$0x3FC6] =	sst s2  }
0x8f: {  	_ = 	snop  }
0x90: {  	s2 =	sld [smem:$0x3FD0];
	(tm) =	ssettm $0x1  }
0x91: {  	s18 =	sld [smem:$0x3FFB];
	_ =	sdelay $0x3  }
0x92: {  	_ =	strace s18  }
0x93: {  	s3 =	sld [smem:$0x3FFC];
	_ =	sdelay $0x3  }
0x94: {  	_ =	strace s3  }
0x95: {  	s3 =	sld [smem:$0x3FFD];
	_ =	sdelay $0x3  }
0x96: {  	_ =	strace s3  }
0x97: {  	_ =	strace $0x8FFFFFFF  }
0x98: {  	s19 =	sld [smem:$0x3FDB];
	_ =	sdelay $0x1  }
0x99: {  	s4 =	simm.s32 $_scs_section_size  }
0x9a: {  	s5 =	simm.s32 $_size__tile_overlayer_lowered;
	s6 =	simm.s32 $_tile_overlayer_lowered  }
0x9b: {  	s22 =	simm.s32 $0x1BFF;
	s21 =	sshll.u32 s6, $0x1;
	s3 =	sadd.s32 s4, s19  }
0x9c: {  	s7 =	simm.s32 $0x0;
	s20 =	sshll.u32 s5, $0x1;
	s5 =	sadd.s32 s21, s3  }
0x9d: {  	[timem:s7], [sflag:s22] =	dma.local [hbm:s5], s20  }
0x9e: {  	_ =	swait.ge [sflag:s22], s20  }
0x9f: {  	s4 =	ssub.s32 $0x0, s20;
	[sflag:s22] =	ssyncset.done $0x0  }
0xa0: {  	[sflag:s22] =	ssyncadd.s32 s4;
	_ =	sdelay $0x1  }
0xa1: {  	s23 =	simm.s32 $0x1B8B  }
0xa2: {  	_ =	swait.ge [sflag:s23], $0x1  }
0xa3: {  	[sflag:s23] =	ssyncset.done $0x0  }
0xa4: {  	s25 =	simm.s32 $0x1B8E;
	s24 =	sld [smem:$0x3FFE];
	[sflag:s23] =	ssyncadd.s32 $0xFFFFFFFF  }
0xa5: {  	s26 =	simm.s32 $execute0_lowered;
	[smem:$0x3FD2] =	sst s25  }
0xa6: {  	s5 =	sshll.u32 s26, $0x1;
	_ =	strace $0x80000049;
	[dreg:$0x1] =	wrdreg $0xFFFFFFFF  }
0xa7: {  	s28 =	simm.s32 $_size_execute0_lowered;
	s3 =	sadd.s32 s3, s5;
	[dreg:$0x0] =	wrdreg $0x0  }
0xa8: {  	s5 =	sshll.u32 s28, $0x1;
	[dreg:$0x2] =	wrdreg s3  }
0xa9: {  	[dreg:$0x3] =	wrdreg s5  }
0xaa: {  	[dreg:$0x4] =	wrdreg $0xC0  }
0xab: {  	_ =	task [dreg:s7], $0x5FFFF  }
0xac: {  	[dreg:$0x1] =	wrdreg $0xFFFFFFFF  }
0xad: {  	[dreg:$0x0] =	wrdreg $0x60  }
0xae: {  	[dreg:$0x2] =	wrdreg s24  }
0xaf: {  	[dreg:$0x3] =	wrdreg s2  }
0xb0: {  	[dreg:$0x4] =	wrdreg $0x9  }
0xb1: {  	_ =	task.clear_ibuf [dreg:s7], $0x5FFFF;
	_ =	strace $0x90000049  }
0xb2: {  	s29 =	simm.s32 $0x9;
	_ =	strace $0x8000004B  }
0xb3: {  	_ =	swait.ge [sflag:s29], $0x1  }
0xb4: {  	[sflag:s29] =	ssyncadd.s32 $0xFFFFFFFF  }
0xb5: {  	_ =	strace $0x9000004B  }
0xb6: {  	_ =	sfence  }
0xb7: {  	s30 =	sld [smem:$0x0];
	_ =	sdelay $0x2  }
0xb8: {  	s31 =	sshll.u32 s1, $0xD;
	s1 =	sshrl.u32 s1, $0x2  }
0xb9: {  	s3 =	sand.u32 $0x4000, s31;
	s1 =	sadd.s32 s1, s30  }
0xba: {  	s0 =	sor.u32 s3, s0;
	s1 =	sshll.u32 s1, $0x11  }
0xbb: {  	s0 =	sor.u32 s1, s0  }
0xbc: {  	s0 =	sadd.s32 $0x8F2B, s0  }
0xbd: {  	[sflag:s0] =	ssyncadd.remote.s32 $0x1  }
0xbe: {  	_ =	sfence.sel $0xFFFF  }
0xbf: {  	[dreg:$0x0] =	wrdreg $0xFFFFFFFF;
	(pc) =	sbr.abs _section_cstart, $3  }
0xc0: {  	[dreg:$0x1] =	wrdreg $0xFFFFFFFF  }
0xc1: {  	_ =	task.clear_ibuf [dreg:s7], $0x2FFFF;
	_ =	strace $0x9FFFFFFF  }
0xc2: {  	(tm) =	ssettm $0x7FFFFFFF  }
0xc3: {  	_ =	shalt  }
tec
execute0_lowered:
.L_overlay_start_1:
0x0: {  	(tag) =	ssettag $0x1  }
0x1: {  	s13 =	rddreg [dreg:$0x0];
	s1 =	srdreg.scid  }
0x2: {  	s0 =	stileid.u32;
	s2 =	rddreg [dreg:$0x1]  }
0x3: {  	s3 =	simm.s32 $0x0;
	s16 =	simm.s32 $0x400;
	s17 =	simm.s32 $0x20000  }
0x4: {  	s18 =	simm.s32 $0x2000;
	s19 =	simm.s32 $0x2;
	s20 =	simm.s32 $0x3000  }
0x5: {  	s21 =	simm.s32 $0x3;
	s22 =	simm.s32 $0x4;
	s23 =	simm.s32 $0x0  }
0x6: {  	s4 =	sand.u32 $0x1, s1;
	s5 =	sshll.u32 s0, $0x1;
	s1 =	rddreg [dreg:$0x2]  }
0x7: {  	[smem:$0x7FF] =	sst s3;
	s8 =	sadd.s32 $0x64800, s13;
	s5 =	sor.u32 s4, s5  }
0x8: {  	s13 =	sadd.s32 $0x64C00, s13;
	s4 =	ssub.s32 $0x2, s4;
	s11 =	smul.u32 $0x320, s5  }
0x9: {  	_ =	strace $0x8000004A;
	s7 =	smul.u32 $0x320000, s5;
	s9 =	sshrl.u32 s4, $0x1  }
0xa: {  	s29 =	sshll.u32 s5, $0x11;
	s15 =	ssub.s32 s4, s9;
	s6 =	sand.u32 $0x60, s11  }
0xb: {  	s30 =	sand.u32 $0x60000, s29;
	s7 =	sand.u32 $0x7F80000, s7;
	s10 =	sor.u32 $0x1, s6  }
0xc: {  	s12 =	sshll.u32 s6, $0xC;
	s6 =	sshll.u32 s6, $0xA;
	s14 =	sshll.u32 s10, $0xC  }
0xd: {  	s26 =	sor.u32 s7, s12;
	s10 =	sshll.u32 s10, $0xA;
	s6 =	sor.u32 s7, s6  }
0xe: {  	s12 =	smax.u32 s15, $0x1;
	s15 =	simm.s32 $0x1;
	s28 =	sor.u32 s7, s14  }
0xf: {  	v0 =	vlaneseq.u32;
	s4 =	sshrl.u32 s26, $0x3;
	s6 =	sshrl.u32 s6, $0x3;
	s14 =	simm.s32 $0x1000  }
.Ltmp0:
0x10: {  	v0 =	vmul.u32 $0x20, v0;
	s9 =	sshrl.u32 s28, $0x3;
	s4 =	sadd.s32 s8, s4;
	(pc) =	sbr.rel .LBB2_1-.Ltmp0, $4  }
0x11: {  	s6 =	sadd.s32 s2, s6;
	s5 =	sadd.s32 s8, s9;
	s9 =	sor.u32 s30, s7  }
0x12: {  	v1 =	vor.u32 $0x200, v0;
	s7 =	sor.u32 s7, s10;
	s10 =	sor.u32 $0x2, s11;
	s9 =	sshrl.u32 s9, $0x3  }
0x13: {  	v2 =	vor.u32 $0x400, v0;
	v3 =	vor.u32 $0x600, v0;
	v4 =	vor.u32 $0x800, v0;
	s11 =	sor.u32 $0x3, s11;
	s31 =	sshrl.u32 s7, $0x3;
	s9 =	sadd.s32 s9, s8  }
0x14: {  	v5 =	vor.u32 $0xA00, v0;
	v6 =	vor.u32 $0xC00, v0;
	v7 =	vor.u32 $0xE00, v0;
	s8 =	sadd.s32 s2, s31;
	s7 =	sadd.s32 $0x400, s9;
	s9 =	sadd.s32 $0x600, s9  }
.LBB2_12:
0x15: {  	s23 =	sadd.s32 $0x1, s23  }
0x16: {  	_ =	swait.ge [sflag:s21], $0x1000;
	p0 =	sne.s32 s23, s12  }
.Ltmp1:
0x17: {  	[sflag:s21] =	ssyncset.done $0x0;
	(pc) =	sbr.rel @!p0 .LBB2_13-.Ltmp1, $4  }
0x18: {  	[sflag:s21] =	ssyncadd.s32 $0xFFFFF000  }
0x19: {  	_ =	swait.ge [sflag:s22], $0x1000  }
0x1a: {  	[sflag:s22] =	ssyncset.done $0x0  }
0x1b: {  	[sflag:s22] =	ssyncadd.s32 $0xFFFFF000  }
.LBB2_1:
0x1c: {  	[tilespmem:s3], [sflag:$0x1] =	stream.linear.gather [hbm4b:s4+s3], $0x1000, $0x38;
	[tilespmem:$0x4000] =	vst v63  }
0x1d: {  	v8 =	vor.u32 s3, v0  }
0x1e: {  	[tilespmem:s14], [sflag:$0x2] =	stream.linear.gather [hbm4b:s5+s3], $0x1000, $0x38;
	[tilespmem:$0x4000] =	vst v63  }
0x1f: {  	_ =	swait.ge [sflag:s15], $0x1000  }
0x20: {  	[sflag:s15] =	ssyncset.done $0x0  }
0x21: {  	[sflag:s15] =	ssyncadd.s32 $0xFFFFF000  }
0x22: {  	v8 =	vld.idx.msk [tilespmem:v8+s3+$0x0], $0xffff  }
0x23: {  	v9 =	vor.u32 s3, v1;
	_ =	sdelay $0x2  }
0x24: {  	s24 =	simm.s32 $0x2080  }
0x25: {  	[tilespmem:s24+$0xFFFFFF80] =	vst v8  }
0x26: {  	v8 =	vld.idx.msk [tilespmem:v9+s3+$0x0], $0xffff  }
0x27: {  	v9 =	vor.u32 s3, v2;
	_ =	sdelay $0x3  }
0x28: {  	[tilespmem:s24+$0xFFFFFF90] =	vst v8  }
0x29: {  	v8 =	vld.idx.msk [tilespmem:v9+s3+$0x0], $0xffff  }
0x2a: {  	v9 =	vor.u32 s3, v3;
	_ =	sdelay $0x3  }
0x2b: {  	[tilespmem:s24+$0xFFFFFFA0] =	vst v8  }
0x2c: {  	v8 =	vld.idx.msk [tilespmem:v9+s3+$0x0], $0xffff  }
0x2d: {  	v9 =	vor.u32 s3, v4;
	_ =	sdelay $0x3  }
0x2e: {  	[tilespmem:s24+$0xFFFFFFB0] =	vst v8  }
0x2f: {  	v8 =	vld.idx.msk [tilespmem:v9+s3+$0x0], $0xffff  }
0x30: {  	v9 =	vor.u32 s3, v5;
	_ =	sdelay $0x3  }
0x31: {  	[tilespmem:s24+$0xFFFFFFC0] =	vst v8  }
0x32: {  	v8 =	vld.idx.msk [tilespmem:v9+s3+$0x0], $0xffff  }
0x33: {  	v9 =	vor.u32 s3, v6;
	_ =	sdelay $0x3  }
0x34: {  	[tilespmem:s24+$0xFFFFFFD0] =	vst v8  }
0x35: {  	v8 =	vld.idx.msk [tilespmem:v9+s3+$0x0], $0xffff  }
0x36: {  	v9 =	vor.u32 s3, v7;
	_ =	sdelay $0x3  }
0x37: {  	[tilespmem:s24+$0xFFFFFFE0] =	vst v8  }
0x38: {  	s25 =	simm.s32 $0x1;
	v8 =	vld.idx.msk [tilespmem:v9+s3+$0x0], $0xffff  }
0x39: {  	v9 =	vor.u32 s25, v0;
	_ =	sdelay $0x3  }
0x3a: {  	[tilespmem:s24+$0xFFFFFFF0] =	vst v8  }
0x3b: {  	v8 =	vld.idx.msk [tilespmem:v9+s3+$0x0], $0xffff  }
0x3c: {  	v9 =	vor.u32 s25, v1;
	_ =	sdelay $0x3  }
0x3d: {  	[tilespmem:s24+$0x0] =	vst v8  }
0x3e: {  	v8 =	vld.idx.msk [tilespmem:v9+s3+$0x0], $0xffff  }
0x3f: {  	v9 =	vor.u32 s25, v2;
	_ =	sdelay $0x3  }
0x40: {  	[tilespmem:s24+$0x10] =	vst v8  }
0x41: {  	v8 =	vld.idx.msk [tilespmem:v9+s3+$0x0], $0xffff  }
0x42: {  	v9 =	vor.u32 s25, v3;
	_ =	sdelay $0x3  }
0x43: {  	[tilespmem:s24+$0x20] =	vst v8  }
0x44: {  	v8 =	vld.idx.msk [tilespmem:v9+s3+$0x0], $0xffff  }
0x45: {  	v9 =	vor.u32 s25, v4;
	_ =	sdelay $0x3  }
0x46: {  	[tilespmem:s24+$0x30] =	vst v8  }
0x47: {  	v8 =	vld.idx.msk [tilespmem:v9+s3+$0x0], $0xffff  }
0x48: {  	v9 =	vor.u32 s25, v5;
	_ =	sdelay $0x3  }
0x49: {  	[tilespmem:s24+$0x40] =	vst v8  }
0x4a: {  	v8 =	vld.idx.msk [tilespmem:v9+s3+$0x0], $0xffff  }
0x4b: {  	v9 =	vor.u32 s25, v6;
	_ =	sdelay $0x3  }
0x4c: {  	[tilespmem:s24+$0x50] =	vst v8  }
0x4d: {  	v8 =	vld.idx.msk [tilespmem:v9+s3+$0x0], $0xffff  }
0x4e: {  	v9 =	vor.u32 s25, v7;
	_ =	sdelay $0x3  }
0x4f: {  	[tilespmem:s24+$0x60] =	vst v8  }
0x50: {  	s25 =	simm.s32 $0x2;
	v8 =	vld.idx.msk [tilespmem:v9+s3+$0x0], $0xffff  }
0x51: {  	s26 =	simm.s32 $0x4;
	v9 =	vor.u32 s25, v0  }
.LBB2_2:
0x52: {  	p0 =	slt.u32 s26, $0x1E;
	_ =	sdelay $0x2  }
0x53: {  	[tilespmem:s24+$0x70] =	vst v8  }
0x54: {  	v8 =	vld.idx.msk [tilespmem:v9+s3+$0x0], $0xffff;
	_ =	sdelay $0x1  }
0x55: {  	v9 =	vor.u32 s25, v1;
	_ =	sdelay $0x2  }
0x56: {  	s24 =	sadd.s32 $0x100, s24  }
0x57: {  	[tilespmem:s24+$0xFFFFFF80] =	vst v8  }
0x58: {  	v8 =	vld.idx.msk [tilespmem:v9+s3+$0x0], $0xffff;
	_ =	sdelay $0x1  }
0x59: {  	v9 =	vor.u32 s25, v2;
	_ =	sdelay $0x3  }
0x5a: {  	[tilespmem:s24+$0xFFFFFF90] =	vst v8  }
0x5b: {  	v8 =	vld.idx.msk [tilespmem:v9+s3+$0x0], $0xffff;
	_ =	sdelay $0x1  }
0x5c: {  	v9 =	vor.u32 s25, v3;
	_ =	sdelay $0x3  }
0x5d: {  	[tilespmem:s24+$0xFFFFFFA0] =	vst v8  }
0x5e: {  	v8 =	vld.idx.msk [tilespmem:v9+s3+$0x0], $0xffff;
	_ =	sdelay $0x1  }
0x5f: {  	v9 =	vor.u32 s25, v4;
	_ =	sdelay $0x3  }
0x60: {  	[tilespmem:s24+$0xFFFFFFB0] =	vst v8  }
0x61: {  	v8 =	vld.idx.msk [tilespmem:v9+s3+$0x0], $0xffff;
	_ =	sdelay $0x1  }
0x62: {  	v9 =	vor.u32 s25, v5;
	_ =	sdelay $0x3  }
0x63: {  	[tilespmem:s24+$0xFFFFFFC0] =	vst v8  }
0x64: {  	v8 =	vld.idx.msk [tilespmem:v9+s3+$0x0], $0xffff;
	_ =	sdelay $0x1  }
0x65: {  	v9 =	vor.u32 s25, v6;
	_ =	sdelay $0x3  }
0x66: {  	[tilespmem:s24+$0xFFFFFFD0] =	vst v8  }
0x67: {  	v8 =	vld.idx.msk [tilespmem:v9+s3+$0x0], $0xffff;
	_ =	sdelay $0x1  }
0x68: {  	v9 =	vor.u32 s25, v7;
	_ =	sdelay $0x3  }
0x69: {  	[tilespmem:s24+$0xFFFFFFE0] =	vst v8  }
0x6a: {  	v8 =	vld.idx.msk [tilespmem:v9+s3+$0x0], $0xffff  }
0x6b: {  	s28 =	sadd.s32 $0x1, s25;
	s25 =	smov.u32 s26  }
0x6c: {  	v9 =	vor.u32 s28, v0;
	_ =	sdelay $0x3  }
0x6d: {  	[tilespmem:s24+$0xFFFFFFF0] =	vst v8  }
0x6e: {  	v8 =	vld.idx.msk [tilespmem:v9+s3+$0x0], $0xffff;
	_ =	sdelay $0x1  }
0x6f: {  	v9 =	vor.u32 s28, v1;
	_ =	sdelay $0x3  }
0x70: {  	[tilespmem:s24+$0x0] =	vst v8  }
0x71: {  	v8 =	vld.idx.msk [tilespmem:v9+s3+$0x0], $0xffff;
	_ =	sdelay $0x1  }
0x72: {  	v9 =	vor.u32 s28, v2;
	_ =	sdelay $0x3  }
0x73: {  	[tilespmem:s24+$0x10] =	vst v8  }
0x74: {  	v8 =	vld.idx.msk [tilespmem:v9+s3+$0x0], $0xffff;
	_ =	sdelay $0x1  }
0x75: {  	v9 =	vor.u32 s28, v3;
	_ =	sdelay $0x3  }
0x76: {  	[tilespmem:s24+$0x20] =	vst v8  }
0x77: {  	v8 =	vld.idx.msk [tilespmem:v9+s3+$0x0], $0xffff;
	_ =	sdelay $0x1  }
0x78: {  	v9 =	vor.u32 s28, v4;
	_ =	sdelay $0x3  }
0x79: {  	[tilespmem:s24+$0x30] =	vst v8  }
0x7a: {  	v8 =	vld.idx.msk [tilespmem:v9+s3+$0x0], $0xffff;
	_ =	sdelay $0x1  }
0x7b: {  	v9 =	vor.u32 s28, v5;
	_ =	sdelay $0x3  }
0x7c: {  	[tilespmem:s24+$0x40] =	vst v8  }
0x7d: {  	v8 =	vld.idx.msk [tilespmem:v9+s3+$0x0], $0xffff;
	_ =	sdelay $0x1  }
0x7e: {  	v9 =	vor.u32 s28, v6;
	_ =	sdelay $0x3  }
0x7f: {  	[tilespmem:s24+$0x50] =	vst v8  }
0x80: {  	v8 =	vld.idx.msk [tilespmem:v9+s3+$0x0], $0xffff;
	_ =	sdelay $0x1  }
0x81: {  	v9 =	vor.u32 s28, v7;
	_ =	sdelay $0x2  }
.Ltmp2:
0x82: {  	(pc) =	sbr.rel @p0 .LBB2_2-.Ltmp2, $3  }
0x83: {  	[tilespmem:s24+$0x60] =	vst v8  }
0x84: {  	v8 =	vld.idx.msk [tilespmem:v9+s3+$0x0], $0xffff;
	_ =	sdelay $0x1  }
0x85: {  	s26 =	sadd.s32 $0x2, s26;
	v9 =	vor.u32 s25, v0  }
0x86: {  	_ =	sdelay $0x2  }
0x87: {  	[tilespmem:s24+$0x70] =	vst v8  }
0x88: {  	v8 =	vld.idx.msk [tilespmem:v9+s3+$0x0], $0xffff  }
0x89: {  	v9 =	vor.u32 s25, v1;
	_ =	sdelay $0x2  }
0x8a: {  	s28 =	sadd.s32 $0x100, s24  }
0x8b: {  	[tilespmem:s28+$0xFFFFFF80] =	vst v8  }
0x8c: {  	v8 =	vld.idx.msk [tilespmem:v9+s3+$0x0], $0xffff  }
0x8d: {  	v9 =	vor.u32 s25, v2;
	_ =	sdelay $0x3  }
0x8e: {  	[tilespmem:s28+$0xFFFFFF90] =	vst v8  }
0x8f: {  	v8 =	vld.idx.msk [tilespmem:v9+s3+$0x0], $0xffff  }
0x90: {  	v9 =	vor.u32 s25, v3;
	_ =	sdelay $0x3  }
0x91: {  	[tilespmem:s28+$0xFFFFFFA0] =	vst v8  }
0x92: {  	v8 =	vld.idx.msk [tilespmem:v9+s3+$0x0], $0xffff  }
0x93: {  	v9 =	vor.u32 s25, v4;
	_ =	sdelay $0x3  }
0x94: {  	[tilespmem:s28+$0xFFFFFFB0] =	vst v8  }
0x95: {  	v8 =	vld.idx.msk [tilespmem:v9+s3+$0x0], $0xffff  }
0x96: {  	v9 =	vor.u32 s25, v5;
	_ =	sdelay $0x3  }
0x97: {  	[tilespmem:s28+$0xFFFFFFC0] =	vst v8  }
0x98: {  	v8 =	vld.idx.msk [tilespmem:v9+s3+$0x0], $0xffff  }
0x99: {  	v9 =	vor.u32 s25, v6;
	_ =	sdelay $0x3  }
0x9a: {  	[tilespmem:s28+$0xFFFFFFD0] =	vst v8  }
0x9b: {  	v8 =	vld.idx.msk [tilespmem:v9+s3+$0x0], $0xffff  }
0x9c: {  	v9 =	vor.u32 s25, v7;
	_ =	sdelay $0x3  }
0x9d: {  	[tilespmem:s28+$0xFFFFFFE0] =	vst v8  }
0x9e: {  	s29 =	sadd.s32 $0x1, s25;
	v8 =	vld.idx.msk [tilespmem:v9+s3+$0x0], $0xffff  }
0x9f: {  	v9 =	vor.u32 s29, v0;
	_ =	sdelay $0x3  }
0xa0: {  	[tilespmem:s28+$0xFFFFFFF0] =	vst v8  }
0xa1: {  	v8 =	vld.idx.msk [tilespmem:v9+s3+$0x0], $0xffff  }
0xa2: {  	v9 =	vor.u32 s29, v1;
	_ =	sdelay $0x3  }
0xa3: {  	[tilespmem:s28+$0x0] =	vst v8  }
0xa4: {  	v8 =	vld.idx.msk [tilespmem:v9+s3+$0x0], $0xffff  }
0xa5: {  	v9 =	vor.u32 s29, v2;
	_ =	sdelay $0x3  }
0xa6: {  	[tilespmem:s28+$0x10] =	vst v8  }
0xa7: {  	v8 =	vld.idx.msk [tilespmem:v9+s3+$0x0], $0xffff  }
0xa8: {  	v9 =	vor.u32 s29, v3;
	_ =	sdelay $0x3  }
0xa9: {  	[tilespmem:s28+$0x20] =	vst v8  }
0xaa: {  	v8 =	vld.idx.msk [tilespmem:v9+s3+$0x0], $0xffff  }
0xab: {  	v9 =	vor.u32 s29, v4;
	_ =	sdelay $0x3  }
0xac: {  	[tilespmem:s28+$0x30] =	vst v8  }
0xad: {  	v8 =	vld.idx.msk [tilespmem:v9+s3+$0x0], $0xffff  }
0xae: {  	v9 =	vor.u32 s29, v5;
	_ =	sdelay $0x3  }
0xaf: {  	[tilespmem:s28+$0x40] =	vst v8  }
0xb0: {  	v8 =	vld.idx.msk [tilespmem:v9+s3+$0x0], $0xffff  }
0xb1: {  	v9 =	vor.u32 s29, v6;
	_ =	sdelay $0x3  }
0xb2: {  	[tilespmem:s28+$0x50] =	vst v8  }
0xb3: {  	v8 =	vld.idx.msk [tilespmem:v9+s3+$0x0], $0xffff  }
0xb4: {  	v9 =	vor.u32 s29, v7;
	_ =	sdelay $0x3  }
0xb5: {  	[tilespmem:s28+$0x60] =	vst v8  }
0xb6: {  	v8 =	vld.idx.msk [tilespmem:v9+s3+$0x0], $0xffff;
	_ =	sdelay $0x4  }
0xb7: {  	s30 =	simm.s32 $0x0;
	[tilespmem:s28+$0x70] =	vst v8  }
0xb8: {  	[hbm4b:s6+s16] =	stream.strided.scatter [tilespmem:s18], [sflag:$0x3], $0x1000, s17, s16, $0x38;
	[tilespmem:$0x4000] =	vst v63  }
0xb9: {  	v8 =	vor.u32 s30, v0  }
0xba: {  	[tilespmem:s30], [sflag:$0x1] =	stream.linear.gather [hbm4b:s7+s30], $0x1000, $0x38;
	[tilespmem:$0x4000] =	vst v63  }
0xbb: {  	_ =	swait.ge [sflag:s19], $0x1000  }
0xbc: {  	[sflag:s19] =	ssyncset.done $0x0  }
0xbd: {  	[sflag:s19] =	ssyncadd.s32 $0xFFFFF000  }
0xbe: {  	v8 =	vld.idx.msk [tilespmem:v8+s14+$0x0], $0xffff  }
0xbf: {  	v9 =	vor.u32 s30, v1;
	_ =	sdelay $0x2  }
0xc0: {  	s24 =	simm.s32 $0x30F0  }
0xc1: {  	[tilespmem:s24+$0xFFFFFF10] =	vst v8  }
0xc2: {  	v8 =	vld.idx.msk [tilespmem:v9+s14+$0x0], $0xffff  }
0xc3: {  	v9 =	vor.u32 s30, v2;
	_ =	sdelay $0x3  }
0xc4: {  	[tilespmem:s24+$0xFFFFFF20] =	vst v8  }
0xc5: {  	v8 =	vld.idx.msk [tilespmem:v9+s14+$0x0], $0xffff  }
0xc6: {  	v9 =	vor.u32 s30, v3;
	_ =	sdelay $0x3  }
0xc7: {  	[tilespmem:s24+$0xFFFFFF30] =	vst v8  }
0xc8: {  	v8 =	vld.idx.msk [tilespmem:v9+s14+$0x0], $0xffff  }
0xc9: {  	v9 =	vor.u32 s30, v4;
	_ =	sdelay $0x3  }
0xca: {  	[tilespmem:s24+$0xFFFFFF40] =	vst v8  }
0xcb: {  	v8 =	vld.idx.msk [tilespmem:v9+s14+$0x0], $0xffff  }
0xcc: {  	v9 =	vor.u32 s30, v5;
	_ =	sdelay $0x3  }
0xcd: {  	[tilespmem:s24+$0xFFFFFF50] =	vst v8  }
0xce: {  	v8 =	vld.idx.msk [tilespmem:v9+s14+$0x0], $0xffff  }
0xcf: {  	v9 =	vor.u32 s30, v6;
	_ =	sdelay $0x3  }
0xd0: {  	[tilespmem:s24+$0xFFFFFF60] =	vst v8  }
0xd1: {  	v8 =	vld.idx.msk [tilespmem:v9+s14+$0x0], $0xffff  }
0xd2: {  	v9 =	vor.u32 s30, v7;
	_ =	sdelay $0x3  }
0xd3: {  	[tilespmem:s24+$0xFFFFFF70] =	vst v8  }
0xd4: {  	s31 =	simm.s32 $0x1;
	v8 =	vld.idx.msk [tilespmem:v9+s14+$0x0], $0xffff  }
0xd5: {  	v9 =	vor.u32 s31, v0;
	_ =	sdelay $0x3  }
0xd6: {  	[tilespmem:s24+$0xFFFFFF80] =	vst v8  }
0xd7: {  	v8 =	vld.idx.msk [tilespmem:v9+s14+$0x0], $0xffff  }
0xd8: {  	v9 =	vor.u32 s31, v1;
	_ =	sdelay $0x3  }
0xd9: {  	[tilespmem:s24+$0xFFFFFF90] =	vst v8  }
0xda: {  	v8 =	vld.idx.msk [tilespmem:v9+s14+$0x0], $0xffff  }
0xdb: {  	v9 =	vor.u32 s31, v2;
	_ =	sdelay $0x3  }
0xdc: {  	[tilespmem:s24+$0xFFFFFFA0] =	vst v8  }
0xdd: {  	v8 =	vld.idx.msk [tilespmem:v9+s14+$0x0], $0xffff  }
0xde: {  	v9 =	vor.u32 s31, v3;
	_ =	sdelay $0x3  }
0xdf: {  	[tilespmem:s24+$0xFFFFFFB0] =	vst v8  }
0xe0: {  	v8 =	vld.idx.msk [tilespmem:v9+s14+$0x0], $0xffff  }
0xe1: {  	v9 =	vor.u32 s31, v4;
	_ =	sdelay $0x3  }
0xe2: {  	[tilespmem:s24+$0xFFFFFFC0] =	vst v8  }
0xe3: {  	v8 =	vld.idx.msk [tilespmem:v9+s14+$0x0], $0xffff  }
0xe4: {  	v9 =	vor.u32 s31, v5;
	_ =	sdelay $0x3  }
0xe5: {  	[tilespmem:s24+$0xFFFFFFD0] =	vst v8  }
0xe6: {  	v8 =	vld.idx.msk [tilespmem:v9+s14+$0x0], $0xffff  }
0xe7: {  	v9 =	vor.u32 s31, v6;
	_ =	sdelay $0x3  }
0xe8: {  	[tilespmem:s24+$0xFFFFFFE0] =	vst v8  }
0xe9: {  	v8 =	vld.idx.msk [tilespmem:v9+s14+$0x0], $0xffff  }
0xea: {  	v9 =	vor.u32 s31, v7;
	_ =	sdelay $0x3  }
0xeb: {  	[tilespmem:s24+$0xFFFFFFF0] =	vst v8  }
0xec: {  	s25 =	simm.s32 $0x2;
	v8 =	vld.idx.msk [tilespmem:v9+s14+$0x0], $0xffff  }
0xed: {  	s26 =	simm.s32 $0x4;
	v9 =	vor.u32 s25, v0  }
.LBB2_4:
0xee: {  	p0 =	slt.u32 s26, $0x1E;
	_ =	sdelay $0x2  }
0xef: {  	[tilespmem:s24+$0x0] =	vst v8  }
0xf0: {  	v8 =	vld.idx.msk [tilespmem:v9+s14+$0x0], $0xffff;
	_ =	sdelay $0x1  }
0xf1: {  	v9 =	vor.u32 s25, v1;
	_ =	sdelay $0x2  }
0xf2: {  	s24 =	sadd.s32 $0x100, s24  }
0xf3: {  	[tilespmem:s24+$0xFFFFFF10] =	vst v8  }
0xf4: {  	v8 =	vld.idx.msk [tilespmem:v9+s14+$0x0], $0xffff;
	_ =	sdelay $0x1  }
0xf5: {  	v9 =	vor.u32 s25, v2;
	_ =	sdelay $0x3  }
0xf6: {  	[tilespmem:s24+$0xFFFFFF20] =	vst v8  }
0xf7: {  	v8 =	vld.idx.msk [tilespmem:v9+s14+$0x0], $0xffff;
	_ =	sdelay $0x1  }
0xf8: {  	v9 =	vor.u32 s25, v3;
	_ =	sdelay $0x3  }
0xf9: {  	[tilespmem:s24+$0xFFFFFF30] =	vst v8  }
0xfa: {  	v8 =	vld.idx.msk [tilespmem:v9+s14+$0x0], $0xffff;
	_ =	sdelay $0x1  }
0xfb: {  	v9 =	vor.u32 s25, v4;
	_ =	sdelay $0x3  }
0xfc: {  	[tilespmem:s24+$0xFFFFFF40] =	vst v8  }
0xfd: {  	v8 =	vld.idx.msk [tilespmem:v9+s14+$0x0], $0xffff;
	_ =	sdelay $0x1  }
0xfe: {  	v9 =	vor.u32 s25, v5;
	_ =	sdelay $0x3  }
0xff: {  	[tilespmem:s24+$0xFFFFFF50] =	vst v8  }
0x100: {  	v8 =	vld.idx.msk [tilespmem:v9+s14+$0x0], $0xffff;
	_ =	sdelay $0x1  }
0x101: {  	v9 =	vor.u32 s25, v6;
	_ =	sdelay $0x3  }
0x102: {  	[tilespmem:s24+$0xFFFFFF60] =	vst v8  }
0x103: {  	v8 =	vld.idx.msk [tilespmem:v9+s14+$0x0], $0xffff;
	_ =	sdelay $0x1  }
0x104: {  	v9 =	vor.u32 s25, v7;
	_ =	sdelay $0x3  }
0x105: {  	[tilespmem:s24+$0xFFFFFF70] =	vst v8  }
0x106: {  	v8 =	vld.idx.msk [tilespmem:v9+s14+$0x0], $0xffff  }
0x107: {  	s28 =	sadd.s32 $0x1, s25;
	s25 =	smov.u32 s26  }
0x108: {  	v9 =	vor.u32 s28, v0;
	_ =	sdelay $0x3  }
0x109: {  	[tilespmem:s24+$0xFFFFFF80] =	vst v8  }
0x10a: {  	v8 =	vld.idx.msk [tilespmem:v9+s14+$0x0], $0xffff;
	_ =	sdelay $0x1  }
0x10b: {  	v9 =	vor.u32 s28, v1;
	_ =	sdelay $0x3  }
0x10c: {  	[tilespmem:s24+$0xFFFFFF90] =	vst v8  }
0x10d: {  	v8 =	vld.idx.msk [tilespmem:v9+s14+$0x0], $0xffff;
	_ =	sdelay $0x1  }
0x10e: {  	v9 =	vor.u32 s28, v2;
	_ =	sdelay $0x3  }
0x10f: {  	[tilespmem:s24+$0xFFFFFFA0] =	vst v8  }
0x110: {  	v8 =	vld.idx.msk [tilespmem:v9+s14+$0x0], $0xffff;
	_ =	sdelay $0x1  }
0x111: {  	v9 =	vor.u32 s28, v3;
	_ =	sdelay $0x3  }
0x112: {  	[tilespmem:s24+$0xFFFFFFB0] =	vst v8  }
0x113: {  	v8 =	vld.idx.msk [tilespmem:v9+s14+$0x0], $0xffff;
	_ =	sdelay $0x1  }
0x114: {  	v9 =	vor.u32 s28, v4;
	_ =	sdelay $0x3  }
0x115: {  	[tilespmem:s24+$0xFFFFFFC0] =	vst v8  }
0x116: {  	v8 =	vld.idx.msk [tilespmem:v9+s14+$0x0], $0xffff;
	_ =	sdelay $0x1  }
0x117: {  	v9 =	vor.u32 s28, v5;
	_ =	sdelay $0x3  }
0x118: {  	[tilespmem:s24+$0xFFFFFFD0] =	vst v8  }
0x119: {  	v8 =	vld.idx.msk [tilespmem:v9+s14+$0x0], $0xffff;
	_ =	sdelay $0x1  }
0x11a: {  	v9 =	vor.u32 s28, v6;
	_ =	sdelay $0x3  }
0x11b: {  	[tilespmem:s24+$0xFFFFFFE0] =	vst v8  }
0x11c: {  	v8 =	vld.idx.msk [tilespmem:v9+s14+$0x0], $0xffff;
	_ =	sdelay $0x1  }
0x11d: {  	v9 =	vor.u32 s28, v7;
	_ =	sdelay $0x2  }
.Ltmp3:
0x11e: {  	(pc) =	sbr.rel @p0 .LBB2_4-.Ltmp3, $3  }
0x11f: {  	[tilespmem:s24+$0xFFFFFFF0] =	vst v8  }
0x120: {  	v8 =	vld.idx.msk [tilespmem:v9+s14+$0x0], $0xffff;
	_ =	sdelay $0x1  }
0x121: {  	s26 =	sadd.s32 $0x2, s26;
	v9 =	vor.u32 s25, v0  }
0x122: {  	_ =	sdelay $0x2  }
0x123: {  	[tilespmem:s24+$0x0] =	vst v8  }
0x124: {  	v8 =	vld.idx.msk [tilespmem:v9+s14+$0x0], $0xffff  }
0x125: {  	v49 =	vor.u32 s25, v1;
	_ =	sdelay $0x2  }
0x126: {  	s30 =	sadd.s32 $0x100, s24  }
0x127: {  	[tilespmem:s30+$0xFFFFFF10] =	vst v8  }
0x128: {  	v8 =	vld.idx.msk [tilespmem:v49+s14+$0x0], $0xffff  }
0x129: {  	v50 =	vor.u32 s25, v2;
	_ =	sdelay $0x3  }
0x12a: {  	[tilespmem:s30+$0xFFFFFF20] =	vst v8  }
0x12b: {  	v8 =	vld.idx.msk [tilespmem:v50+s14+$0x0], $0xffff  }
0x12c: {  	v51 =	vor.u32 s25, v3;
	_ =	sdelay $0x3  }
0x12d: {  	[tilespmem:s30+$0xFFFFFF30] =	vst v8  }
0x12e: {  	v8 =	vld.idx.msk [tilespmem:v51+s14+$0x0], $0xffff  }
0x12f: {  	v52 =	vor.u32 s25, v4;
	_ =	sdelay $0x3  }
0x130: {  	[tilespmem:s30+$0xFFFFFF40] =	vst v8  }
0x131: {  	v8 =	vld.idx.msk [tilespmem:v52+s14+$0x0], $0xffff  }
0x132: {  	v53 =	vor.u32 s25, v5;
	_ =	sdelay $0x3  }
0x133: {  	[tilespmem:s30+$0xFFFFFF50] =	vst v8  }
0x134: {  	v8 =	vld.idx.msk [tilespmem:v53+s14+$0x0], $0xffff  }
0x135: {  	v54 =	vor.u32 s25, v6;
	_ =	sdelay $0x3  }
0x136: {  	[tilespmem:s30+$0xFFFFFF60] =	vst v8  }
0x137: {  	v8 =	vld.idx.msk [tilespmem:v54+s14+$0x0], $0xffff  }
0x138: {  	v55 =	vor.u32 s25, v7;
	_ =	sdelay $0x3  }
0x139: {  	[tilespmem:s30+$0xFFFFFF70] =	vst v8  }
0x13a: {  	s31 =	sadd.s32 $0x1, s25;
	v8 =	vld.idx.msk [tilespmem:v55+s14+$0x0], $0xffff  }
0x13b: {  	v56 =	vor.u32 s31, v0;
	_ =	sdelay $0x3  }
0x13c: {  	[tilespmem:s30+$0xFFFFFF80] =	vst v8  }
0x13d: {  	v8 =	vld.idx.msk [tilespmem:v56+s14+$0x0], $0xffff  }
0x13e: {  	v57 =	vor.u32 s31, v1;
	_ =	sdelay $0x3  }
0x13f: {  	[tilespmem:s30+$0xFFFFFF90] =	vst v8  }
0x140: {  	v8 =	vld.idx.msk [tilespmem:v57+s14+$0x0], $0xffff  }
0x141: {  	v58 =	vor.u32 s31, v2;
	_ =	sdelay $0x3  }
0x142: {  	[tilespmem:s30+$0xFFFFFFA0] =	vst v8  }
0x143: {  	v8 =	vld.idx.msk [tilespmem:v58+s14+$0x0], $0xffff  }
0x144: {  	v59 =	vor.u32 s31, v3;
	_ =	sdelay $0x3  }
0x145: {  	[tilespmem:s30+$0xFFFFFFB0] =	vst v8  }
0x146: {  	v8 =	vld.idx.msk [tilespmem:v59+s14+$0x0], $0xffff  }
0x147: {  	v60 =	vor.u32 s31, v4;
	_ =	sdelay $0x3  }
0x148: {  	[tilespmem:s30+$0xFFFFFFC0] =	vst v8  }
0x149: {  	v8 =	vld.idx.msk [tilespmem:v60+s14+$0x0], $0xffff  }
0x14a: {  	v61 =	vor.u32 s31, v5;
	_ =	sdelay $0x3  }
0x14b: {  	[tilespmem:s30+$0xFFFFFFD0] =	vst v8  }
0x14c: {  	v8 =	vld.idx.msk [tilespmem:v61+s14+$0x0], $0xffff  }
0x14d: {  	v62 =	vor.u32 s31, v6;
	_ =	sdelay $0x3  }
0x14e: {  	[tilespmem:s30+$0xFFFFFFE0] =	vst v8  }
0x14f: {  	v8 =	vld.idx.msk [tilespmem:v62+s14+$0x0], $0xffff  }
0x150: {  	v63 =	vor.u32 s31, v7;
	_ =	sdelay $0x3  }
0x151: {  	[tilespmem:s30+$0xFFFFFFF0] =	vst v8  }
0x152: {  	v8 =	vld.idx.msk [tilespmem:v63+s14+$0x0], $0xffff;
	_ =	sdelay $0x4  }
0x153: {  	[tilespmem:s30+$0x0] =	vst v8  }
0x154: {  	[hbm4b:s8+s16] =	stream.strided.scatter [tilespmem:s20], [sflag:$0x4], $0x1000, s17, s16, $0x38;
	[tilespmem:$0x4000] =	vst v63  }
0x155: {  	s25 =	simm.s32 $0x0;
	s24 =	simm.s32 $0x0  }
0x156: {  	[tilespmem:s14], [sflag:$0x2] =	stream.linear.gather [hbm4b:s9+s24], $0x1000, $0x38;
	[tilespmem:$0x4000] =	vst v63  }
.LBB2_6:
0x157: {  	_ =	swait.ge [sflag:s15], $0x1000  }
0x158: {  	v8 =	vor.u32 s24, v0;
	[sflag:s15] =	ssyncset.done $0x0  }
0x159: {  	[sflag:s15] =	ssyncadd.s32 $0xFFFFF000  }
0x15a: {  	_ =	swait.ge [sflag:s21], $0x1000  }
0x15b: {  	[sflag:s21] =	ssyncset.done $0x0  }
0x15c: {  	[sflag:s21] =	ssyncadd.s32 $0xFFFFF000  }
0x15d: {  	v8 =	vld.idx.msk [tilespmem:v8+s3+$0x0], $0xffff  }
0x15e: {  	v9 =	vor.u32 s24, v1;
	_ =	sdelay $0x2  }
0x15f: {  	s26 =	simm.s32 $0x2080  }
0x160: {  	[tilespmem:s26+$0xFFFFFF80] =	vst v8  }
0x161: {  	v8 =	vld.idx.msk [tilespmem:v9+s3+$0x0], $0xffff  }
0x162: {  	v9 =	vor.u32 s24, v2;
	_ =	sdelay $0x3  }
0x163: {  	[tilespmem:s26+$0xFFFFFF90] =	vst v8  }
0x164: {  	v8 =	vld.idx.msk [tilespmem:v9+s3+$0x0], $0xffff  }
0x165: {  	v9 =	vor.u32 s24, v3;
	_ =	sdelay $0x3  }
0x166: {  	[tilespmem:s26+$0xFFFFFFA0] =	vst v8  }
0x167: {  	v8 =	vld.idx.msk [tilespmem:v9+s3+$0x0], $0xffff  }
0x168: {  	v9 =	vor.u32 s24, v4;
	_ =	sdelay $0x3  }
0x169: {  	[tilespmem:s26+$0xFFFFFFB0] =	vst v8  }
0x16a: {  	v8 =	vld.idx.msk [tilespmem:v9+s3+$0x0], $0xffff  }
0x16b: {  	v9 =	vor.u32 s24, v5;
	_ =	sdelay $0x3  }
0x16c: {  	[tilespmem:s26+$0xFFFFFFC0] =	vst v8  }
0x16d: {  	v8 =	vld.idx.msk [tilespmem:v9+s3+$0x0], $0xffff  }
0x16e: {  	v9 =	vor.u32 s24, v6;
	_ =	sdelay $0x3  }
0x16f: {  	[tilespmem:s26+$0xFFFFFFD0] =	vst v8  }
0x170: {  	v8 =	vld.idx.msk [tilespmem:v9+s3+$0x0], $0xffff  }
0x171: {  	v9 =	vor.u32 s24, v7;
	_ =	sdelay $0x3  }
0x172: {  	[tilespmem:s26+$0xFFFFFFE0] =	vst v8  }
0x173: {  	s28 =	simm.s32 $0x1;
	v8 =	vld.idx.msk [tilespmem:v9+s3+$0x0], $0xffff  }
0x174: {  	v9 =	vor.u32 s28, v0;
	_ =	sdelay $0x3  }
0x175: {  	[tilespmem:s26+$0xFFFFFFF0] =	vst v8  }
0x176: {  	v8 =	vld.idx.msk [tilespmem:v9+s3+$0x0], $0xffff  }
0x177: {  	v9 =	vor.u32 s28, v1;
	_ =	sdelay $0x3  }
0x178: {  	[tilespmem:s26+$0x0] =	vst v8  }
0x179: {  	v8 =	vld.idx.msk [tilespmem:v9+s3+$0x0], $0xffff  }
0x17a: {  	v9 =	vor.u32 s28, v2;
	_ =	sdelay $0x3  }
0x17b: {  	[tilespmem:s26+$0x10] =	vst v8  }
0x17c: {  	v8 =	vld.idx.msk [tilespmem:v9+s3+$0x0], $0xffff  }
0x17d: {  	v9 =	vor.u32 s28, v3;
	_ =	sdelay $0x3  }
0x17e: {  	[tilespmem:s26+$0x20] =	vst v8  }
0x17f: {  	v8 =	vld.idx.msk [tilespmem:v9+s3+$0x0], $0xffff  }
0x180: {  	v9 =	vor.u32 s28, v4;
	_ =	sdelay $0x3  }
0x181: {  	[tilespmem:s26+$0x30] =	vst v8  }
0x182: {  	v8 =	vld.idx.msk [tilespmem:v9+s3+$0x0], $0xffff  }
0x183: {  	v9 =	vor.u32 s28, v5;
	_ =	sdelay $0x3  }
0x184: {  	[tilespmem:s26+$0x40] =	vst v8  }
0x185: {  	v8 =	vld.idx.msk [tilespmem:v9+s3+$0x0], $0xffff  }
0x186: {  	v9 =	vor.u32 s28, v6;
	_ =	sdelay $0x3  }
0x187: {  	[tilespmem:s26+$0x50] =	vst v8  }
0x188: {  	v8 =	vld.idx.msk [tilespmem:v9+s3+$0x0], $0xffff  }
0x189: {  	v9 =	vor.u32 s28, v7;
	_ =	sdelay $0x3  }
0x18a: {  	[tilespmem:s26+$0x60] =	vst v8  }
0x18b: {  	s28 =	simm.s32 $0x2;
	v8 =	vld.idx.msk [tilespmem:v9+s3+$0x0], $0xffff  }
0x18c: {  	s29 =	simm.s32 $0x4;
	v9 =	vor.u32 s28, v0  }
.LBB2_7:
0x18d: {  	p0 =	slt.u32 s29, $0x1E;
	_ =	sdelay $0x2  }
0x18e: {  	[tilespmem:s26+$0x70] =	vst v8  }
0x18f: {  	v8 =	vld.idx.msk [tilespmem:v9+s3+$0x0], $0xffff;
	_ =	sdelay $0x1  }
0x190: {  	v9 =	vor.u32 s28, v1;
	_ =	sdelay $0x2  }
0x191: {  	s26 =	sadd.s32 $0x100, s26  }
0x192: {  	[tilespmem:s26+$0xFFFFFF80] =	vst v8  }
0x193: {  	v8 =	vld.idx.msk [tilespmem:v9+s3+$0x0], $0xffff;
	_ =	sdelay $0x1  }
0x194: {  	v9 =	vor.u32 s28, v2;
	_ =	sdelay $0x3  }
0x195: {  	[tilespmem:s26+$0xFFFFFF90] =	vst v8  }
0x196: {  	v8 =	vld.idx.msk [tilespmem:v9+s3+$0x0], $0xffff;
	_ =	sdelay $0x1  }
0x197: {  	v9 =	vor.u32 s28, v3;
	_ =	sdelay $0x3  }
0x198: {  	[tilespmem:s26+$0xFFFFFFA0] =	vst v8  }
0x199: {  	v8 =	vld.idx.msk [tilespmem:v9+s3+$0x0], $0xffff;
	_ =	sdelay $0x1  }
0x19a: {  	v9 =	vor.u32 s28, v4;
	_ =	sdelay $0x3  }
0x19b: {  	[tilespmem:s26+$0xFFFFFFB0] =	vst v8  }
0x19c: {  	v8 =	vld.idx.msk [tilespmem:v9+s3+$0x0], $0xffff;
	_ =	sdelay $0x1  }
0x19d: {  	v9 =	vor.u32 s28, v5;
	_ =	sdelay $0x3  }
0x19e: {  	[tilespmem:s26+$0xFFFFFFC0] =	vst v8  }
0x19f: {  	v8 =	vld.idx.msk [tilespmem:v9+s3+$0x0], $0xffff;
	_ =	sdelay $0x1  }
0x1a0: {  	v9 =	vor.u32 s28, v6;
	_ =	sdelay $0x3  }
0x1a1: {  	[tilespmem:s26+$0xFFFFFFD0] =	vst v8  }
0x1a2: {  	v8 =	vld.idx.msk [tilespmem:v9+s3+$0x0], $0xffff;
	_ =	sdelay $0x1  }
0x1a3: {  	v9 =	vor.u32 s28, v7;
	_ =	sdelay $0x3  }
0x1a4: {  	[tilespmem:s26+$0xFFFFFFE0] =	vst v8  }
0x1a5: {  	v8 =	vld.idx.msk [tilespmem:v9+s3+$0x0], $0xffff  }
0x1a6: {  	s30 =	sadd.s32 $0x1, s28;
	s28 =	smov.u32 s29  }
0x1a7: {  	v9 =	vor.u32 s30, v0;
	_ =	sdelay $0x3  }
0x1a8: {  	[tilespmem:s26+$0xFFFFFFF0] =	vst v8  }
0x1a9: {  	v8 =	vld.idx.msk [tilespmem:v9+s3+$0x0], $0xffff;
	_ =	sdelay $0x1  }
0x1aa: {  	v9 =	vor.u32 s30, v1;
	_ =	sdelay $0x3  }
0x1ab: {  	[tilespmem:s26+$0x0] =	vst v8  }
0x1ac: {  	v8 =	vld.idx.msk [tilespmem:v9+s3+$0x0], $0xffff;
	_ =	sdelay $0x1  }
0x1ad: {  	v9 =	vor.u32 s30, v2;
	_ =	sdelay $0x3  }
0x1ae: {  	[tilespmem:s26+$0x10] =	vst v8  }
0x1af: {  	v8 =	vld.idx.msk [tilespmem:v9+s3+$0x0], $0xffff;
	_ =	sdelay $0x1  }
0x1b0: {  	v9 =	vor.u32 s30, v3;
	_ =	sdelay $0x3  }
0x1b1: {  	[tilespmem:s26+$0x20] =	vst v8  }
0x1b2: {  	v8 =	vld.idx.msk [tilespmem:v9+s3+$0x0], $0xffff;
	_ =	sdelay $0x1  }
0x1b3: {  	v9 =	vor.u32 s30, v4;
	_ =	sdelay $0x3  }
0x1b4: {  	[tilespmem:s26+$0x30] =	vst v8  }
0x1b5: {  	v8 =	vld.idx.msk [tilespmem:v9+s3+$0x0], $0xffff;
	_ =	sdelay $0x1  }
0x1b6: {  	v9 =	vor.u32 s30, v5;
	_ =	sdelay $0x3  }
0x1b7: {  	[tilespmem:s26+$0x40] =	vst v8  }
0x1b8: {  	v8 =	vld.idx.msk [tilespmem:v9+s3+$0x0], $0xffff;
	_ =	sdelay $0x1  }
0x1b9: {  	v9 =	vor.u32 s30, v6;
	_ =	sdelay $0x3  }
0x1ba: {  	[tilespmem:s26+$0x50] =	vst v8  }
0x1bb: {  	v8 =	vld.idx.msk [tilespmem:v9+s3+$0x0], $0xffff;
	_ =	sdelay $0x1  }
0x1bc: {  	v9 =	vor.u32 s30, v7;
	_ =	sdelay $0x2  }
.Ltmp4:
0x1bd: {  	(pc) =	sbr.rel @p0 .LBB2_7-.Ltmp4, $3  }
0x1be: {  	[tilespmem:s26+$0x60] =	vst v8  }
0x1bf: {  	v8 =	vld.idx.msk [tilespmem:v9+s3+$0x0], $0xffff;
	_ =	sdelay $0x1  }
0x1c0: {  	s29 =	sadd.s32 $0x2, s29;
	v9 =	vor.u32 s28, v0  }
0x1c1: {  	_ =	sdelay $0x2  }
0x1c2: {  	[tilespmem:s26+$0x70] =	vst v8  }
0x1c3: {  	v8 =	vld.idx.msk [tilespmem:v9+s3+$0x0], $0xffff  }
0x1c4: {  	v9 =	vor.u32 s28, v1;
	_ =	sdelay $0x2  }
0x1c5: {  	s29 =	sadd.s32 $0x100, s26  }
0x1c6: {  	[tilespmem:s29+$0xFFFFFF80] =	vst v8  }
0x1c7: {  	v8 =	vld.idx.msk [tilespmem:v9+s3+$0x0], $0xffff  }
0x1c8: {  	v9 =	vor.u32 s28, v2;
	_ =	sdelay $0x3  }
0x1c9: {  	[tilespmem:s29+$0xFFFFFF90] =	vst v8  }
0x1ca: {  	v8 =	vld.idx.msk [tilespmem:v9+s3+$0x0], $0xffff  }
0x1cb: {  	v9 =	vor.u32 s28, v3;
	_ =	sdelay $0x3  }
0x1cc: {  	[tilespmem:s29+$0xFFFFFFA0] =	vst v8  }
0x1cd: {  	v8 =	vld.idx.msk [tilespmem:v9+s3+$0x0], $0xffff  }
0x1ce: {  	v9 =	vor.u32 s28, v4;
	_ =	sdelay $0x3  }
0x1cf: {  	[tilespmem:s29+$0xFFFFFFB0] =	vst v8  }
0x1d0: {  	v8 =	vld.idx.msk [tilespmem:v9+s3+$0x0], $0xffff  }
0x1d1: {  	v9 =	vor.u32 s28, v5;
	_ =	sdelay $0x3  }
0x1d2: {  	[tilespmem:s29+$0xFFFFFFC0] =	vst v8  }
0x1d3: {  	v8 =	vld.idx.msk [tilespmem:v9+s3+$0x0], $0xffff  }
0x1d4: {  	v9 =	vor.u32 s28, v6;
	_ =	sdelay $0x3  }
0x1d5: {  	[tilespmem:s29+$0xFFFFFFD0] =	vst v8  }
0x1d6: {  	v8 =	vld.idx.msk [tilespmem:v9+s3+$0x0], $0xffff  }
0x1d7: {  	v9 =	vor.u32 s28, v7;
	_ =	sdelay $0x3  }
0x1d8: {  	[tilespmem:s29+$0xFFFFFFE0] =	vst v8  }
0x1d9: {  	s31 =	sadd.s32 $0x1, s28;
	v8 =	vld.idx.msk [tilespmem:v9+s3+$0x0], $0xffff  }
0x1da: {  	v9 =	vor.u32 s31, v0;
	_ =	sdelay $0x3  }
0x1db: {  	[tilespmem:s29+$0xFFFFFFF0] =	vst v8  }
0x1dc: {  	v8 =	vld.idx.msk [tilespmem:v9+s3+$0x0], $0xffff  }
0x1dd: {  	v9 =	vor.u32 s31, v1;
	_ =	sdelay $0x3  }
0x1de: {  	[tilespmem:s29+$0x0] =	vst v8  }
0x1df: {  	v8 =	vld.idx.msk [tilespmem:v9+s3+$0x0], $0xffff  }
0x1e0: {  	v9 =	vor.u32 s31, v2;
	_ =	sdelay $0x3  }
0x1e1: {  	[tilespmem:s29+$0x10] =	vst v8  }
0x1e2: {  	v8 =	vld.idx.msk [tilespmem:v9+s3+$0x0], $0xffff  }
0x1e3: {  	v9 =	vor.u32 s31, v3;
	_ =	sdelay $0x3  }
0x1e4: {  	[tilespmem:s29+$0x20] =	vst v8  }
0x1e5: {  	v8 =	vld.idx.msk [tilespmem:v9+s3+$0x0], $0xffff  }
0x1e6: {  	v9 =	vor.u32 s31, v4;
	_ =	sdelay $0x3  }
0x1e7: {  	[tilespmem:s29+$0x30] =	vst v8  }
0x1e8: {  	v8 =	vld.idx.msk [tilespmem:v9+s3+$0x0], $0xffff  }
0x1e9: {  	v9 =	vor.u32 s31, v5;
	_ =	sdelay $0x3  }
0x1ea: {  	[tilespmem:s29+$0x40] =	vst v8  }
0x1eb: {  	v8 =	vld.idx.msk [tilespmem:v9+s3+$0x0], $0xffff  }
0x1ec: {  	v9 =	vor.u32 s31, v6;
	_ =	sdelay $0x3  }
0x1ed: {  	[tilespmem:s29+$0x50] =	vst v8  }
0x1ee: {  	v8 =	vld.idx.msk [tilespmem:v9+s3+$0x0], $0xffff  }
0x1ef: {  	v9 =	vor.u32 s31, v7;
	_ =	sdelay $0x3  }
0x1f0: {  	[tilespmem:s29+$0x60] =	vst v8  }
0x1f1: {  	s26 =	sshll.u32 s25, $0x1;
	v8 =	vld.idx.msk [tilespmem:v9+s3+$0x0], $0xffff  }
0x1f2: {  	s28 =	sadd.s32 s26, s10  }
0x1f3: {  	s30 =	sshll.u32 s28, $0x7  }
0x1f4: {  	s28 =	sshll.u32 s28, $0x9;
	s30 =	sand.u32 $0x3F00, s30  }
0x1f5: {  	s30 =	sadd.s32 s2, s30;
	s31 =	sand.u32 $0xFFF0000, s28  }
0x1f6: {  	p0 =	seq.s32 s25, $0x18E;
	[tilespmem:s29+$0x70] =	vst v8;
	s29 =	sadd.s32 s31, s30  }
0x1f7: {  	[hbm4b:s29+s16] =	stream.strided.scatter [tilespmem:s18], [sflag:$0x3], $0x1000, s17, s16, $0x38;
	[tilespmem:$0x4000] =	vst v63  }
0x1f8: {  	s28 =	sadd.s32 @!p0 s13, s28;
	s29 =	simm.s32 @!p0 $0x0  }
0x1f9: {  	[tilespmem:s29], [sflag:$0x1] =	stream.linear.gather @!p0 [hbm4b:s28+s29], $0x1000, $0x38;
	[tilespmem:$0x4000] =	vst v63  }
0x1fa: {  	s29 =	simm.s32 $0x0;
	_ =	swait.ge [sflag:s19], $0x1000  }
0x1fb: {  	v8 =	vor.u32 s29, v0;
	[sflag:s19] =	ssyncset.done $0x0  }
0x1fc: {  	[sflag:s19] =	ssyncadd.s32 $0xFFFFF000  }
0x1fd: {  	_ =	swait.ge [sflag:s22], $0x1000  }
0x1fe: {  	[sflag:s22] =	ssyncset.done $0x0  }
0x1ff: {  	[sflag:s22] =	ssyncadd.s32 $0xFFFFF000  }
0x200: {  	v8 =	vld.idx.msk [tilespmem:v8+s14+$0x0], $0xffff  }
0x201: {  	v9 =	vor.u32 s29, v1;
	_ =	sdelay $0x2  }
0x202: {  	s28 =	simm.s32 $0x30F0  }
0x203: {  	[tilespmem:s28+$0xFFFFFF10] =	vst v8  }
0x204: {  	v8 =	vld.idx.msk [tilespmem:v9+s14+$0x0], $0xffff  }
0x205: {  	v9 =	vor.u32 s29, v2;
	_ =	sdelay $0x3  }
0x206: {  	[tilespmem:s28+$0xFFFFFF20] =	vst v8  }
0x207: {  	v8 =	vld.idx.msk [tilespmem:v9+s14+$0x0], $0xffff  }
0x208: {  	v9 =	vor.u32 s29, v3;
	_ =	sdelay $0x3  }
0x209: {  	[tilespmem:s28+$0xFFFFFF30] =	vst v8  }
0x20a: {  	v8 =	vld.idx.msk [tilespmem:v9+s14+$0x0], $0xffff  }
0x20b: {  	v9 =	vor.u32 s29, v4;
	_ =	sdelay $0x3  }
0x20c: {  	[tilespmem:s28+$0xFFFFFF40] =	vst v8  }
0x20d: {  	v8 =	vld.idx.msk [tilespmem:v9+s14+$0x0], $0xffff  }
0x20e: {  	v9 =	vor.u32 s29, v5;
	_ =	sdelay $0x3  }
0x20f: {  	[tilespmem:s28+$0xFFFFFF50] =	vst v8  }
0x210: {  	v8 =	vld.idx.msk [tilespmem:v9+s14+$0x0], $0xffff  }
0x211: {  	v9 =	vor.u32 s29, v6;
	_ =	sdelay $0x3  }
0x212: {  	[tilespmem:s28+$0xFFFFFF60] =	vst v8  }
0x213: {  	v8 =	vld.idx.msk [tilespmem:v9+s14+$0x0], $0xffff  }
0x214: {  	v9 =	vor.u32 s29, v7;
	_ =	sdelay $0x3  }
0x215: {  	[tilespmem:s28+$0xFFFFFF70] =	vst v8  }
0x216: {  	s29 =	simm.s32 $0x1;
	v8 =	vld.idx.msk [tilespmem:v9+s14+$0x0], $0xffff  }
0x217: {  	v9 =	vor.u32 s29, v0;
	_ =	sdelay $0x3  }
0x218: {  	[tilespmem:s28+$0xFFFFFF80] =	vst v8  }
0x219: {  	v8 =	vld.idx.msk [tilespmem:v9+s14+$0x0], $0xffff  }
0x21a: {  	v9 =	vor.u32 s29, v1;
	_ =	sdelay $0x3  }
0x21b: {  	[tilespmem:s28+$0xFFFFFF90] =	vst v8  }
0x21c: {  	v8 =	vld.idx.msk [tilespmem:v9+s14+$0x0], $0xffff  }
0x21d: {  	v9 =	vor.u32 s29, v2;
	_ =	sdelay $0x3  }
0x21e: {  	[tilespmem:s28+$0xFFFFFFA0] =	vst v8  }
0x21f: {  	v8 =	vld.idx.msk [tilespmem:v9+s14+$0x0], $0xffff  }
0x220: {  	v9 =	vor.u32 s29, v3;
	_ =	sdelay $0x3  }
0x221: {  	[tilespmem:s28+$0xFFFFFFB0] =	vst v8  }
0x222: {  	v8 =	vld.idx.msk [tilespmem:v9+s14+$0x0], $0xffff  }
0x223: {  	v9 =	vor.u32 s29, v4;
	_ =	sdelay $0x3  }
0x224: {  	[tilespmem:s28+$0xFFFFFFC0] =	vst v8  }
0x225: {  	v8 =	vld.idx.msk [tilespmem:v9+s14+$0x0], $0xffff  }
0x226: {  	v9 =	vor.u32 s29, v5;
	_ =	sdelay $0x3  }
0x227: {  	[tilespmem:s28+$0xFFFFFFD0] =	vst v8  }
0x228: {  	v8 =	vld.idx.msk [tilespmem:v9+s14+$0x0], $0xffff  }
0x229: {  	v9 =	vor.u32 s29, v6;
	_ =	sdelay $0x3  }
0x22a: {  	[tilespmem:s28+$0xFFFFFFE0] =	vst v8  }
0x22b: {  	v8 =	vld.idx.msk [tilespmem:v9+s14+$0x0], $0xffff  }
0x22c: {  	v9 =	vor.u32 s29, v7;
	_ =	sdelay $0x3  }
0x22d: {  	[tilespmem:s28+$0xFFFFFFF0] =	vst v8  }
0x22e: {  	s29 =	simm.s32 $0x2;
	v8 =	vld.idx.msk [tilespmem:v9+s14+$0x0], $0xffff  }
0x22f: {  	s30 =	simm.s32 $0x4;
	v9 =	vor.u32 s29, v0  }
.LBB2_9:
0x230: {  	p1 =	slt.u32 s30, $0x1E;
	_ =	sdelay $0x2  }
0x231: {  	[tilespmem:s28+$0x0] =	vst v8  }
0x232: {  	v8 =	vld.idx.msk [tilespmem:v9+s14+$0x0], $0xffff;
	_ =	sdelay $0x1  }
0x233: {  	v9 =	vor.u32 s29, v1;
	_ =	sdelay $0x2  }
0x234: {  	s28 =	sadd.s32 $0x100, s28  }
0x235: {  	[tilespmem:s28+$0xFFFFFF10] =	vst v8  }
0x236: {  	v8 =	vld.idx.msk [tilespmem:v9+s14+$0x0], $0xffff;
	_ =	sdelay $0x1  }
0x237: {  	v9 =	vor.u32 s29, v2;
	_ =	sdelay $0x3  }
0x238: {  	[tilespmem:s28+$0xFFFFFF20] =	vst v8  }
0x239: {  	v8 =	vld.idx.msk [tilespmem:v9+s14+$0x0], $0xffff;
	_ =	sdelay $0x1  }
0x23a: {  	v9 =	vor.u32 s29, v3;
	_ =	sdelay $0x3  }
0x23b: {  	[tilespmem:s28+$0xFFFFFF30] =	vst v8  }
0x23c: {  	v8 =	vld.idx.msk [tilespmem:v9+s14+$0x0], $0xffff;
	_ =	sdelay $0x1  }
0x23d: {  	v9 =	vor.u32 s29, v4;
	_ =	sdelay $0x3  }
0x23e: {  	[tilespmem:s28+$0xFFFFFF40] =	vst v8  }
0x23f: {  	v8 =	vld.idx.msk [tilespmem:v9+s14+$0x0], $0xffff;
	_ =	sdelay $0x1  }
0x240: {  	v9 =	vor.u32 s29, v5;
	_ =	sdelay $0x3  }
0x241: {  	[tilespmem:s28+$0xFFFFFF50] =	vst v8  }
0x242: {  	v8 =	vld.idx.msk [tilespmem:v9+s14+$0x0], $0xffff;
	_ =	sdelay $0x1  }
0x243: {  	v9 =	vor.u32 s29, v6;
	_ =	sdelay $0x3  }
0x244: {  	[tilespmem:s28+$0xFFFFFF60] =	vst v8  }
0x245: {  	v8 =	vld.idx.msk [tilespmem:v9+s14+$0x0], $0xffff;
	_ =	sdelay $0x1  }
0x246: {  	v9 =	vor.u32 s29, v7;
	_ =	sdelay $0x3  }
0x247: {  	[tilespmem:s28+$0xFFFFFF70] =	vst v8  }
0x248: {  	v8 =	vld.idx.msk [tilespmem:v9+s14+$0x0], $0xffff  }
0x249: {  	s31 =	sadd.s32 $0x1, s29;
	s29 =	smov.u32 s30  }
0x24a: {  	v9 =	vor.u32 s31, v0;
	_ =	sdelay $0x3  }
0x24b: {  	[tilespmem:s28+$0xFFFFFF80] =	vst v8  }
0x24c: {  	v8 =	vld.idx.msk [tilespmem:v9+s14+$0x0], $0xffff;
	_ =	sdelay $0x1  }
0x24d: {  	v9 =	vor.u32 s31, v1;
	_ =	sdelay $0x3  }
0x24e: {  	[tilespmem:s28+$0xFFFFFF90] =	vst v8  }
0x24f: {  	v8 =	vld.idx.msk [tilespmem:v9+s14+$0x0], $0xffff;
	_ =	sdelay $0x1  }
0x250: {  	v9 =	vor.u32 s31, v2;
	_ =	sdelay $0x3  }
0x251: {  	[tilespmem:s28+$0xFFFFFFA0] =	vst v8  }
0x252: {  	v8 =	vld.idx.msk [tilespmem:v9+s14+$0x0], $0xffff;
	_ =	sdelay $0x1  }
0x253: {  	v9 =	vor.u32 s31, v3;
	_ =	sdelay $0x3  }
0x254: {  	[tilespmem:s28+$0xFFFFFFB0] =	vst v8  }
0x255: {  	v8 =	vld.idx.msk [tilespmem:v9+s14+$0x0], $0xffff;
	_ =	sdelay $0x1  }
0x256: {  	v9 =	vor.u32 s31, v4;
	_ =	sdelay $0x3  }
0x257: {  	[tilespmem:s28+$0xFFFFFFC0] =	vst v8  }
0x258: {  	v8 =	vld.idx.msk [tilespmem:v9+s14+$0x0], $0xffff;
	_ =	sdelay $0x1  }
0x259: {  	v9 =	vor.u32 s31, v5;
	_ =	sdelay $0x3  }
0x25a: {  	[tilespmem:s28+$0xFFFFFFD0] =	vst v8  }
0x25b: {  	v8 =	vld.idx.msk [tilespmem:v9+s14+$0x0], $0xffff;
	_ =	sdelay $0x1  }
0x25c: {  	v9 =	vor.u32 s31, v6;
	_ =	sdelay $0x3  }
0x25d: {  	[tilespmem:s28+$0xFFFFFFE0] =	vst v8  }
0x25e: {  	v8 =	vld.idx.msk [tilespmem:v9+s14+$0x0], $0xffff;
	_ =	sdelay $0x1  }
0x25f: {  	v9 =	vor.u32 s31, v7;
	_ =	sdelay $0x2  }
.Ltmp5:
0x260: {  	(pc) =	sbr.rel @p1 .LBB2_9-.Ltmp5, $3  }
0x261: {  	[tilespmem:s28+$0xFFFFFFF0] =	vst v8  }
0x262: {  	v8 =	vld.idx.msk [tilespmem:v9+s14+$0x0], $0xffff;
	_ =	sdelay $0x1  }
0x263: {  	s30 =	sadd.s32 $0x2, s30;
	v9 =	vor.u32 s29, v0  }
0x264: {  	_ =	sdelay $0x2  }
0x265: {  	[tilespmem:s28+$0x0] =	vst v8  }
0x266: {  	v8 =	vld.idx.msk [tilespmem:v9+s14+$0x0], $0xffff  }
0x267: {  	v49 =	vor.u32 s29, v1;
	_ =	sdelay $0x2  }
0x268: {  	s28 =	sadd.s32 $0x100, s28  }
0x269: {  	[tilespmem:s28+$0xFFFFFF10] =	vst v8  }
0x26a: {  	v8 =	vld.idx.msk [tilespmem:v49+s14+$0x0], $0xffff  }
0x26b: {  	v50 =	vor.u32 s29, v2;
	_ =	sdelay $0x3  }
0x26c: {  	[tilespmem:s28+$0xFFFFFF20] =	vst v8  }
0x26d: {  	v8 =	vld.idx.msk [tilespmem:v50+s14+$0x0], $0xffff  }
0x26e: {  	v51 =	vor.u32 s29, v3;
	_ =	sdelay $0x3  }
0x26f: {  	[tilespmem:s28+$0xFFFFFF30] =	vst v8  }
0x270: {  	v8 =	vld.idx.msk [tilespmem:v51+s14+$0x0], $0xffff  }
0x271: {  	v52 =	vor.u32 s29, v4;
	_ =	sdelay $0x3  }
0x272: {  	[tilespmem:s28+$0xFFFFFF40] =	vst v8  }
0x273: {  	v8 =	vld.idx.msk [tilespmem:v52+s14+$0x0], $0xffff  }
0x274: {  	v53 =	vor.u32 s29, v5;
	_ =	sdelay $0x3  }
0x275: {  	[tilespmem:s28+$0xFFFFFF50] =	vst v8  }
0x276: {  	v8 =	vld.idx.msk [tilespmem:v53+s14+$0x0], $0xffff  }
0x277: {  	v54 =	vor.u32 s29, v6;
	_ =	sdelay $0x3  }
0x278: {  	[tilespmem:s28+$0xFFFFFF60] =	vst v8  }
0x279: {  	v8 =	vld.idx.msk [tilespmem:v54+s14+$0x0], $0xffff  }
0x27a: {  	v55 =	vor.u32 s29, v7;
	_ =	sdelay $0x3  }
0x27b: {  	[tilespmem:s28+$0xFFFFFF70] =	vst v8  }
0x27c: {  	s31 =	sadd.s32 $0x1, s29;
	v8 =	vld.idx.msk [tilespmem:v55+s14+$0x0], $0xffff  }
0x27d: {  	v56 =	vor.u32 s31, v0;
	_ =	sdelay $0x3  }
0x27e: {  	[tilespmem:s28+$0xFFFFFF80] =	vst v8  }
0x27f: {  	v8 =	vld.idx.msk [tilespmem:v56+s14+$0x0], $0xffff  }
0x280: {  	v57 =	vor.u32 s31, v1;
	_ =	sdelay $0x3  }
0x281: {  	[tilespmem:s28+$0xFFFFFF90] =	vst v8  }
0x282: {  	v8 =	vld.idx.msk [tilespmem:v57+s14+$0x0], $0xffff  }
0x283: {  	v58 =	vor.u32 s31, v2;
	_ =	sdelay $0x3  }
0x284: {  	[tilespmem:s28+$0xFFFFFFA0] =	vst v8  }
0x285: {  	v8 =	vld.idx.msk [tilespmem:v58+s14+$0x0], $0xffff  }
0x286: {  	v59 =	vor.u32 s31, v3;
	_ =	sdelay $0x3  }
0x287: {  	[tilespmem:s28+$0xFFFFFFB0] =	vst v8  }
0x288: {  	v8 =	vld.idx.msk [tilespmem:v59+s14+$0x0], $0xffff  }
0x289: {  	v60 =	vor.u32 s31, v4;
	_ =	sdelay $0x3  }
0x28a: {  	[tilespmem:s28+$0xFFFFFFC0] =	vst v8  }
0x28b: {  	v8 =	vld.idx.msk [tilespmem:v60+s14+$0x0], $0xffff  }
0x28c: {  	v61 =	vor.u32 s31, v5;
	_ =	sdelay $0x3  }
0x28d: {  	[tilespmem:s28+$0xFFFFFFD0] =	vst v8  }
0x28e: {  	v8 =	vld.idx.msk [tilespmem:v61+s14+$0x0], $0xffff  }
0x28f: {  	v62 =	vor.u32 s31, v6;
	_ =	sdelay $0x3  }
0x290: {  	[tilespmem:s28+$0xFFFFFFE0] =	vst v8  }
0x291: {  	v8 =	vld.idx.msk [tilespmem:v62+s14+$0x0], $0xffff  }
0x292: {  	v63 =	vor.u32 s31, v7;
	_ =	sdelay $0x3  }
0x293: {  	[tilespmem:s28+$0xFFFFFFF0] =	vst v8  }
0x294: {  	v8 =	vld.idx.msk [tilespmem:v63+s14+$0x0], $0xffff  }
0x295: {  	s26 =	sadd.s32 s26, s11  }
.Ltmp6:
0x296: {  	s30 =	sshll.u32 s26, $0x7;
	(pc) =	sbr.rel @p0 .LBB2_12-.Ltmp6, $4  }
0x297: {  	s26 =	sshll.u32 s26, $0x9;
	s29 =	sand.u32 $0x3F80, s30  }
0x298: {  	s30 =	sand.u32 $0xFFF0000, s26;
	s29 =	sadd.s32 s2, s29  }
0x299: {  	s31 =	sadd.s32 s30, s29;
	[tilespmem:s28+$0x0] =	vst v8  }
0x29a: {  	[hbm4b:s31+s16] =	stream.strided.scatter [tilespmem:s20], [sflag:$0x4], $0x1000, s17, s16, $0x38;
	[tilespmem:$0x4000] =	vst v63  }
.Ltmp7:
0x29b: {  	(pc) =	sbr.rel .LBB2_6-.Ltmp7, $3  }
0x29c: {  	_ =	sdelay $0x1  }
0x29d: {  	s26 =	sadd.s32 s13, s26;
	s25 =	sadd.s32 $0x1, s25  }
0x29e: {  	[tilespmem:s14], [sflag:$0x2] =	stream.linear.gather [hbm4b:s26+s3], $0x1000, $0x38;
	[tilespmem:$0x4000] =	vst v63  }
.LBB2_13:
0x29f: {  	_ =	sfence.sel $0x180000  }
0x2a0: {  	[bflag:$0x0] =	sbarrier.arrive $0xFFFF  }
0x2a1: {  	p0 =	sne.s32 s0, $0x0;
	_ =	strace $0x9000004A  }
0x2a2: {  	s0 =	sadd.s32 @!p0 $0x100000, s1;
	[bflag:$0x2] =	sbarrier.arrive $0xFFFF  }
0x2a3: {  	[sflag:s0] =	ssyncadd.tile.s32 @!p0 $0x1;
	_ =	shalt  }
.Lfunc_end2:
_tile_overlayer_lowered:
.L_overlay_start_2:
0x2a4: {  	(tag) =	ssettag $0x2  }
0x2a5: {  	s0 =	rddreg [dreg:$0x0];
	s2 =	stileid.u32  }
0x2a6: {  	s1 =	rddreg [dreg:$0x1];
	p0 =	sne.s32 s2, $0x0  }
0x2a7: {  	s3 =	rddreg [dreg:$0x2];
	[bflag:$0x3] =	sbarrier.arrive $0xFFFF;
	s2 =	simm.s32 @!p0 $0x1C05  }
0x2a8: {  	[timem:s3], [sflag:s2] =	dma.local @!p0 [hbm:s0], s1  }
0x2a9: {  	s0 =	simm.s32 @!p0 $0x5  }
0x2aa: {  	_ =	swait.ge @!p0 [sflag:s0], s1  }
0x2ab: {  	s1 =	ssub.s32 @!p0 $0x0, s1;
	[sflag:s0] =	ssyncset.done @!p0 $0x0  }
0x2ac: {  	[sflag:s0] =	ssyncadd.s32 @!p0 s1  }
0x2ad: {  	[bflag:$0x3] =	sbarrier.arrive $0xFFFF  }
0x2ae: {  	_ =	shalt  }

</sc_bundles>
